<compile_context>
chip_gen: v7x
topology: tpu7x:2x2x1
jax: 0.10.2.dev20260603
libtpu: 0.0.44.dev20260713+nightly
codegen_flags: <defaults>
</compile_context>

<pallas_src>
import functools

import jax
import jax.numpy as jnp
from jax import lax
from jax.experimental import pallas as pl
from jax.experimental.pallas import tpu as pltpu
from jax.experimental.pallas import tpu_sc as plsc

D = 128
HEADS = 8
HD = D // HEADS
B = 2048
FAN1 = 16
FAN2 = 16

N1 = B * FAN1
E2 = N1 * FAN2
CHUNK_SEEDS = (512, 512, 512, 512)
NCHK = len(CHUNK_SEEDS)


_NC = 2
_NS = 16
_NW = _NC * _NS

_CH2 = 128

_R1 = N1 + B
_RPW1 = _R1 // _NW
_CH1 = 64
_NCH1 = _RPW1 // _CH1


def _gather_loop(tab_hbm, idx_all, out_hbm, base, ch, nch, rows0, rows1, sem0, sem1):

    def _fire(g, rows, sem):
        off = pl.multiple_of(g * ch, 8)
        pltpu.make_async_copy(
            tab_hbm.at[idx_all.at[pl.ds(off, ch)]], rows, sem).start()

    def _drain(g, rows, sem):
        off = pl.multiple_of(g * ch, 8)
        pltpu.make_async_copy(
            tab_hbm.at[idx_all.at[pl.ds(off, ch)]], rows, sem).wait()
        pltpu.sync_copy(rows, out_hbm.at[pl.ds(pl.multiple_of(base + off, 8), ch)])

    _fire(0, rows0, sem0)

    def _pair(t, carry):
        a = 2 * t
        b = a + 1
        _fire(b, rows1, sem1)
        _drain(a, rows0, sem0)

        @pl.when(b + 1 < nch)
        def _():
            _fire(b + 1, rows0, sem0)

        _drain(b, rows1, sem1)
        return carry

    lax.fori_loop(0, nch // 2, _pair, 0)
    if nch % 2:
        _drain(nch - 1, rows0, sem0)


_SEMS = [pltpu.SemaphoreType.DMA, pltpu.SemaphoreType.DMA]


@functools.cache
def _sc_edge_fn(ec):
    rpw = ec // _NW
    nch = rpw // _CH2

    def body(emb_hbm, idx2_hbm, out2_hbm, idx2_all, r2a, r2b, sem0, sem1):
        wid = lax.axis_index("s") * _NC + lax.axis_index("c")
        base2 = pl.multiple_of(wid * rpw, 8)
        pltpu.sync_copy(idx2_hbm.at[pl.ds(base2, rpw)], idx2_all)
        _gather_loop(emb_hbm, idx2_all, out2_hbm, base2, _CH2, nch,
                     r2a, r2b, sem0, sem1)

    return pl.kernel(
        body,
        out_type=jax.ShapeDtypeStruct((ec, D), jnp.float32),
        mesh=plsc.VectorSubcoreMesh(core_axis_name="c", subcore_axis_name="s"),
        scratch_types=[
            pltpu.VMEM((rpw,), jnp.int32),
            pltpu.VMEM((_CH2, D), jnp.float32),
            pltpu.VMEM((_CH2, D), jnp.float32),
        ] + _SEMS,
    )


@functools.cache
def _sc_both_fn(ec):
    rpw = ec // _NW
    nch = rpw // _CH2

    def body(emb_hbm, idx2_hbm, idx1_hbm, out2_hbm, out1_hbm,
             idx2_all, r2a, r2b, idx1_all, r1a, r1b, sem0, sem1):
        wid = lax.axis_index("s") * _NC + lax.axis_index("c")
        base1 = pl.multiple_of(wid * _RPW1, 8)
        pltpu.sync_copy(idx1_hbm.at[pl.ds(base1, _RPW1)], idx1_all)
        _gather_loop(emb_hbm, idx1_all, out1_hbm, base1, _CH1, _NCH1,
                     r1a, r1b, sem0, sem1)
        base2 = pl.multiple_of(wid * rpw, 8)
        pltpu.sync_copy(idx2_hbm.at[pl.ds(base2, rpw)], idx2_all)
        _gather_loop(emb_hbm, idx2_all, out2_hbm, base2, _CH2, nch,
                     r2a, r2b, sem0, sem1)

    return pl.kernel(
        body,
        out_type=(jax.ShapeDtypeStruct((ec, D), jnp.float32),
                  jax.ShapeDtypeStruct((_R1, D), jnp.float32)),
        mesh=plsc.VectorSubcoreMesh(core_axis_name="c", subcore_axis_name="s"),
        scratch_types=[
            pltpu.VMEM((rpw,), jnp.int32),
            pltpu.VMEM((_CH2, D), jnp.float32),
            pltpu.VMEM((_CH2, D), jnp.float32),
            pltpu.VMEM((_RPW1,), jnp.int32),
            pltpu.VMEM((_CH1, D), jnp.float32),
            pltpu.VMEM((_CH1, D), jnp.float32),
        ] + _SEMS,
    )


BS = 16
BN = BS * FAN1


def _matT(a, w):
    return lax.dot_general(a, w, (((1,), (1,)), ((), ())),
                           preferred_element_type=jnp.float32)


def _tc_gat_body(h2_ref, hs_ref, h0_ref, wq1, wk1, wv1, ws1,
                 wq2, wk2, wv2, ws2, out_ref):
    f32 = jnp.float32
    scale = float(HD) ** (-0.5)
    SS = (lax.broadcasted_iota(jnp.int32, (D, D), 0) // HD
          == lax.broadcasted_iota(jnp.int32, (D, D), 1) // HD).astype(jnp.bfloat16)

    h2 = h2_ref[...].reshape(FAN2 * BN, D)
    hs = hs_ref[...]
    h0 = h0_ref[...]

    def _gat(h_self, h_neigh, fanout, wq, wk, wv, ws, kv_bf16=False,
             fan_major=False):
        n = h_self.shape[0]
        q = _matT(h_self, wq) * scale
        if kv_bf16:
            hn = h_neigh.astype(jnp.bfloat16)
            k = _matT(hn, wk.astype(jnp.bfloat16))
            v = _matT(hn, wv.astype(jnp.bfloat16))
        else:
            k = _matT(h_neigh, wk)
            v = _matT(h_neigh, wv)
        if fan_major:
            k3 = k.reshape(fanout, n, D)
            kq = (k3 * q[None, :, :]).reshape(fanout * n, D)
        else:
            k3 = k.reshape(n, fanout, D)
            kq = (k3 * q[:, None, :]).reshape(n * fanout, D)
        scf = lax.dot_general(kq.astype(jnp.bfloat16), SS,
                              (((1,), (0,)), ((), ())),
                              preferred_element_type=f32)
        if fan_major:
            p = jnp.exp(scf.reshape(fanout, n, D))
            s = jnp.sum(p, axis=0)
            agg = jnp.sum(p * v.reshape(fanout, n, D), axis=0) / s
        else:
            p = jnp.exp(scf.reshape(n, fanout, D))
            s = jnp.sum(p, axis=1)
            agg = jnp.sum(p * v.reshape(n, fanout, D), axis=1) / s
        return _matT(h_self, ws) + agg

    h1 = jnp.maximum(_gat(hs, h2, FAN2, wq1[...], wk1[...], wv1[...], ws1[...],
                          kv_bf16=True, fan_major=True), 0.0)
    out = jnp.maximum(_gat(h0, h1, FAN1, wq2[...], wk2[...], wv2[...], ws2[...],
                           kv_bf16=True), 0.0)
    out_ref[...] = out


def _tc_gat_chunk(seed_off, nseeds, rows2c, rows1,
                  Wq1, Wk1, Wv1, Ws1, Wq2, Wk2, Wv2, Ws2, interpret=False):
    wspec = pl.BlockSpec((D, D), lambda j: (0, 0))
    gridc = nseeds // BS
    off1 = seed_off // BS
    off0 = N1 // BS + seed_off // BS
    return pl.pallas_call(
        _tc_gat_body,
        grid=(gridc,),
        in_specs=[
            pl.BlockSpec((FAN2, BN, D), lambda j: (0, j, 0)),
            pl.BlockSpec((BN, D), lambda j: (j + off1, 0)),
            pl.BlockSpec((BS, D), lambda j: (j + off0, 0)),
            wspec, wspec, wspec, wspec, wspec, wspec, wspec, wspec,
        ],
        out_specs=pl.BlockSpec((BS, D), lambda j: (j, 0)),
        out_shape=jax.ShapeDtypeStruct((nseeds, D), jnp.float32),
        interpret=interpret,
    )(rows2c, rows1, rows1, Wq1, Wk1, Wv1, Ws1, Wq2, Wk2, Wv2, Ws2)


def kernel(seeds, nbr1, nbr2, emb, Wq1, Wk1, Wv1, Ws1, Wq2, Wk2, Wv2, Ws2):
    idx1 = jnp.concatenate([nbr1, seeds]).astype(jnp.int32)
    weights = (Wq1, Wk1, Wv1, Ws1, Wq2, Wk2, Wv2, Ws2)
    outs = []
    rows1 = None
    seed_off = 0
    for ns in CHUNK_SEEDS:
        npc = ns * FAN1
        n0 = seed_off * FAN1
        idx2c = nbr2[n0:n0 + npc, :].T.reshape(-1).astype(jnp.int32)
        if rows1 is None:
            rows2c, rows1 = _sc_both_fn(npc * FAN2)(emb, idx2c, idx1)
        else:
            rows2c = _sc_edge_fn(npc * FAN2)(emb, idx2c)
        outs.append(_tc_gat_chunk(seed_off, ns, rows2c.reshape(FAN2, npc, D),
                                  rows1, *weights))
        seed_off += ns
    return jnp.concatenate(outs, axis=0)

# --- scband reference (transcript-rebuilt; emitter-appended) ---
"""Pipeline reference for scband-sampled-gat-15590731284987 (READ-ONLY COPY).

The authoritative reference and input builder live on the scoring server;
editing this copy changes nothing except your own understanding.
"""

import jax, jax.numpy as jnp
import numpy as np

NUM_NODES = 100000
EMB_DIM = 128
HIDDEN = 128
HEADS = 8
B = 2048
FAN1 = 16
FAN2 = 16


def _xavier(k, shape):
    fan_out, fan_in = shape
    lim = float(np.sqrt(6.0 / (fan_in + fan_out)))
    return jax.random.uniform(k, shape, jnp.float32, -lim, lim)


def _gat(h_self, h_neigh, Wq, Wk, Wv, Ws, num_heads):
    n = h_self.shape[0]
    fanout = h_neigh.shape[1]
    out_dim = Wq.shape[0]
    head_dim = out_dim // num_heads
    scale = float(head_dim) ** (-0.5)
    q = (h_self @ Wq.T).reshape(n, num_heads, head_dim)
    k = (h_neigh @ Wk.T).reshape(n, fanout, num_heads, head_dim)
    v = (h_neigh @ Wv.T).reshape(n, fanout, num_heads, head_dim)
    scores = (k * q[:, None, :, :]).sum(axis=-1) * scale
    attn = jax.nn.softmax(scores, axis=1)
    agg = (attn[..., None] * v).sum(axis=1).reshape(n, out_dim)
    return h_self @ Ws.T + agg


def setup_inputs(seed: int = 0) -> dict:
    key = jax.random.key(seed)
    ks = jax.random.split(key, 12)
    inp = {}
    inp['seeds'] = jax.random.randint(ks[0], (B,), 0, NUM_NODES)
    inp['nbr1'] = jax.random.randint(ks[1], (B * FAN1,), 0, NUM_NODES)
    inp['nbr2'] = jax.random.randint(ks[2], (B * FAN1, FAN2), 0, NUM_NODES)
    inp['emb'] = jax.random.normal(ks[3], (NUM_NODES, EMB_DIM), dtype=jnp.float32) * 0.02
    inp['Wq1'] = _xavier(ks[4], (HIDDEN, EMB_DIM))
    inp['Wk1'] = _xavier(ks[5], (HIDDEN, EMB_DIM))
    inp['Wv1'] = _xavier(ks[6], (HIDDEN, EMB_DIM))
    inp['Ws1'] = _xavier(ks[7], (HIDDEN, EMB_DIM))
    inp['Wq2'] = _xavier(ks[8], (HIDDEN, EMB_DIM))
    inp['Wk2'] = _xavier(ks[9], (HIDDEN, HIDDEN))
    inp['Wv2'] = _xavier(ks[10], (HIDDEN, HIDDEN))
    inp['Ws2'] = _xavier(ks[11], (HIDDEN, EMB_DIM))
    return inp


def reference(seeds, nbr1, nbr2, emb, Wq1, Wk1, Wv1, Ws1, Wq2, Wk2, Wv2, Ws2):
    # layer-2 neighborhood embeddings (gathers dominate -> memory bound)
    h2 = jnp.take(emb, nbr2, axis=0)            # [B*FAN1, FAN2, EMB_DIM]
    h1_self = jnp.take(emb, nbr1, axis=0)       # [B*FAN1, EMB_DIM]
    h1 = jax.nn.relu(_gat(h1_self, h2, Wq1, Wk1, Wv1, Ws1, HEADS))
    # dropout p=0.0 -> identity (eval)
    h1 = h1.reshape(B, FAN1, HIDDEN)
    h0 = jnp.take(emb, seeds, axis=0)           # [B, EMB_DIM]
    out = jax.nn.relu(_gat(h0, h1, Wq2, Wk2, Wv2, Ws2, HEADS))
    return out                                   # [B, HIDDEN]

if __name__ == "__main__":
    import jax
    _d = setup_inputs()
    print(jax.jit(kernel)(*tuple(_d.values())))

</pallas_src>

<mosaic_0001>
#map = affine_map<(d0, d1) -> (0, 0)>
#map1 = affine_map<(d0, d1) -> (0)>
module attributes {stable_mosaic.version = 14 : i64} {
  func.func @body(%arg0: i32, %arg1: i32, %arg2: memref<100000x128xf32, #tpu.memory_space<hbm>>, %arg3: memref<131072xi32, #tpu.memory_space<hbm>>, %arg4: memref<131072x128xf32, #tpu.memory_space<hbm>>, %arg5: memref<4096xi32, #tpu.memory_space<vmem>>, %arg6: memref<128x128xf32, #tpu.memory_space<vmem>>, %arg7: memref<128x128xf32, #tpu.memory_space<vmem>>, %arg8: memref<!tpu.dma_semaphore, #tpu.memory_space<semaphore_mem>>, %arg9: memref<!tpu.dma_semaphore, #tpu.memory_space<semaphore_mem>>) attributes {dimension_semantics = [#tpu.dimension_semantics<core_parallel>, #tpu.dimension_semantics<subcore_parallel>], iteration_bounds = array<i64: 2, 16>, scalar_prefetch = 0 : i64, scratch_operands = 5 : i64, tpu.core_type = #tpu.core_type<sc_vector_subcore>, window_params = [{transform_indices = #map}, {transform_indices = #map1}, {transform_indices = #map}]} {
    %mul3A = arith.constant 2 : i32
    %mul3A_0 = arith.muli %arg1, %mul3A : i32
    %add3A = arith.addi %mul3A_0, %arg0 : i32
    %mul3A_1 = arith.constant 4096 : i32
    %mul3A_2 = arith.muli %add3A, %mul3A_1 : i32
    %multiple_of3A = tpu.assume_multiple %mul3A_2, 8 : i32
    "tpu.region"() ({
      %run_scoped3A = tpu.sem_alloc : memref<!tpu.dma_semaphore, #tpu.memory_space<semaphore_mem>>
      %dma_start3A_13 = tpu.memref_slice %arg3[%multiple_of3A] : memref<131072xi32, #tpu.memory_space<hbm>> -> memref<4096xi32, #tpu.memory_space<hbm>>
      %dma_start3A_14 = tpu.memref_slice %arg3[%multiple_of3A] : memref<131072xi32, #tpu.memory_space<hbm>> -> memref<4096xi32, #tpu.memory_space<hbm>>
      tpu.enqueue_dma source(%dma_start3A_14 : memref<4096xi32, #tpu.memory_space<hbm>>) target(%arg5 : memref<4096xi32, #tpu.memory_space<vmem>>) target_semaphore(%run_scoped3A : memref<!tpu.dma_semaphore, #tpu.memory_space<semaphore_mem>>)
      %dma_wait3A = tpu.memref_slice %arg3[%multiple_of3A] : memref<131072xi32, #tpu.memory_space<hbm>> -> memref<4096xi32, #tpu.memory_space<hbm>>
      %dma_wait3A_15 = tpu.memref_slice %arg3[%multiple_of3A] : memref<131072xi32, #tpu.memory_space<hbm>> -> memref<4096xi32, #tpu.memory_space<hbm>>
      tpu.wait_dma2 semaphore(%run_scoped3A : memref<!tpu.dma_semaphore, #tpu.memory_space<semaphore_mem>>) src(%dma_wait3A_15 : memref<4096xi32, #tpu.memory_space<hbm>>) dst(%arg5 : memref<4096xi32, #tpu.memory_space<vmem>>)
      tpu.yield
    }) : () -> ()
    %multiple_of3A_3 = arith.constant 0 : i32
    %multiple_of3A_4 = tpu.assume_multiple %multiple_of3A_3, 8 : i32
    %dma_start3A = tpu.memref_slice %arg5[%multiple_of3A_4] : memref<4096xi32, #tpu.memory_space<vmem>> -> memref<128xi32, #tpu.memory_space<vmem>>
    %dma_start3A_5 = arith.constant 0 : i32
    %dma_start3A_6 = arith.constant 0 : i32
    %dma_start3A_7 = tpu.memref_slice %arg2[%dma_start3A_5, %dma_start3A_6] : memref<100000x128xf32, #tpu.memory_space<hbm>> -> memref<100000x128xf32, #tpu.memory_space<hbm>>
    tpu.enqueue_indirect_dma source(%dma_start3A_7 : memref<100000x128xf32, #tpu.memory_space<hbm>>) target(%arg6 : memref<128x128xf32, #tpu.memory_space<vmem>>) offsets(%dma_start3A : memref<128xi32, #tpu.memory_space<vmem>>) semaphore(%arg8 : memref<!tpu.dma_semaphore, #tpu.memory_space<semaphore_mem>>)
    %scan3A = arith.constant 0 : i32
    %scan3A_8 = arith.constant 0 : i32
    %scan3A_9 = arith.constant 16 : i32
    %scan3A_10 = arith.addi %scan3A_8, %scan3A_9 : i32
    %scan3A_11 = arith.constant 1 : i32
    scf.for %scan3A_13 = %scan3A_8 to %scan3A_10 step %scan3A_11  : i32 {
      %mul3A_14 = arith.constant 2 : i32
      %mul3A_15 = arith.muli %mul3A_14, %scan3A_13 : i32
      %add3A_16 = arith.constant 1 : i32
      %add3A_17 = arith.addi %mul3A_15, %add3A_16 : i32
      %mul3A_18 = arith.constant 128 : i32
      %mul3A_19 = arith.muli %add3A_17, %mul3A_18 : i32
      %multiple_of3A_20 = tpu.assume_multiple %mul3A_19, 8 : i32
      %dma_start3A_21 = tpu.memref_slice %arg5[%multiple_of3A_20] : memref<4096xi32, #tpu.memory_space<vmem>> -> memref<128xi32, #tpu.memory_space<vmem>>
      %dma_start3A_22 = arith.constant 0 : i32
      %dma_start3A_23 = arith.constant 0 : i32
      %dma_start3A_24 = tpu.memref_slice %arg2[%dma_start3A_22, %dma_start3A_23] : memref<100000x128xf32, #tpu.memory_space<hbm>> -> memref<100000x128xf32, #tpu.memory_space<hbm>>
      tpu.enqueue_indirect_dma source(%dma_start3A_24 : memref<100000x128xf32, #tpu.memory_space<hbm>>) target(%arg7 : memref<128x128xf32, #tpu.memory_space<vmem>>) offsets(%dma_start3A_21 : memref<128xi32, #tpu.memory_space<vmem>>) semaphore(%arg9 : memref<!tpu.dma_semaphore, #tpu.memory_space<semaphore_mem>>)
      %mul3A_25 = arith.constant 128 : i32
      %mul3A_26 = arith.muli %mul3A_15, %mul3A_25 : i32
      %multiple_of3A_27 = tpu.assume_multiple %mul3A_26, 8 : i32
      %dma_wait3A = tpu.memref_slice %arg5[%multiple_of3A_27] : memref<4096xi32, #tpu.memory_space<vmem>> -> memref<128xi32, #tpu.memory_space<vmem>>
      %dma_wait3A_28 = arith.constant 0 : i32
      %dma_wait3A_29 = arith.constant 0 : i32
      %dma_wait3A_30 = tpu.memref_slice %arg2[%dma_wait3A_28, %dma_wait3A_29] : memref<100000x128xf32, #tpu.memory_space<hbm>> -> memref<100000x128xf32, #tpu.memory_space<hbm>>
      tpu.wait_indirect_dma semaphore(%arg8 : memref<!tpu.dma_semaphore, #tpu.memory_space<semaphore_mem>>) src(%dma_wait3A_30 : memref<100000x128xf32, #tpu.memory_space<hbm>>) dst(%arg6 : memref<128x128xf32, #tpu.memory_space<vmem>>)
      %add3A_31 = arith.addi %multiple_of3A, %multiple_of3A_27 : i32
      %multiple_of3A_32 = tpu.assume_multiple %add3A_31, 8 : i32
      "tpu.region"() ({
        %run_scoped3A = tpu.sem_alloc : memref<!tpu.dma_semaphore, #tpu.memory_space<semaphore_mem>>
        %dma_start3A_46 = arith.constant 0 : i32
        %dma_start3A_47 = tpu.memref_slice %arg4[%multiple_of3A_32, %dma_start3A_46] : memref<131072x128xf32, #tpu.memory_space<hbm>> -> memref<128x128xf32, #tpu.memory_space<hbm>>
        %dma_start3A_48 = arith.constant 0 : i32
        %dma_start3A_49 = tpu.memref_slice %arg4[%multiple_of3A_32, %dma_start3A_48] : memref<131072x128xf32, #tpu.memory_space<hbm>> -> memref<128x128xf32, #tpu.memory_space<hbm>>
        tpu.enqueue_dma source(%arg6 : memref<128x128xf32, #tpu.memory_space<vmem>>) target(%dma_start3A_49 : memref<128x128xf32, #tpu.memory_space<hbm>>) target_semaphore(%run_scoped3A : memref<!tpu.dma_semaphore, #tpu.memory_space<semaphore_mem>>)
        %dma_wait3A_50 = arith.constant 0 : i32
        %dma_wait3A_51 = tpu.memref_slice %arg4[%multiple_of3A_32, %dma_wait3A_50] : memref<131072x128xf32, #tpu.memory_space<hbm>> -> memref<128x128xf32, #tpu.memory_space<hbm>>
        %dma_wait3A_52 = arith.constant 0 : i32
        %dma_wait3A_53 = tpu.memref_slice %arg4[%multiple_of3A_32, %dma_wait3A_52] : memref<131072x128xf32, #tpu.memory_space<hbm>> -> memref<128x128xf32, #tpu.memory_space<hbm>>
        tpu.wait_dma2 semaphore(%run_scoped3A : memref<!tpu.dma_semaphore, #tpu.memory_space<semaphore_mem>>) src(%arg6 : memref<128x128xf32, #tpu.memory_space<vmem>>) dst(%dma_wait3A_53 : memref<128x128xf32, #tpu.memory_space<hbm>>)
        tpu.yield
      }) : () -> ()
      %add3A_33 = arith.constant 1 : i32
      %add3A_34 = arith.addi %add3A_17, %add3A_33 : i32
      %lt3A = arith.constant 32 : i32
      %lt3A_35 = arith.cmpi slt, %add3A_34, %lt3A : i32
      %convert_element_type3A = arith.extui %lt3A_35 : i1 to i32
      %cond3A = arith.constant 0 : i32
      %cond3A_36 = arith.cmpi ne, %convert_element_type3A, %cond3A : i32
      scf.if %cond3A_36 {
        %add3A_46 = arith.constant 1 : i32
        %add3A_47 = arith.addi %add3A_17, %add3A_46 : i32
        %mul3A_48 = arith.constant 128 : i32
        %mul3A_49 = arith.muli %add3A_47, %mul3A_48 : i32
        %multiple_of3A_50 = tpu.assume_multiple %mul3A_49, 8 : i32
        %dma_start3A_51 = tpu.memref_slice %arg5[%multiple_of3A_50] : memref<4096xi32, #tpu.memory_space<vmem>> -> memref<128xi32, #tpu.memory_space<vmem>>
        %dma_start3A_52 = arith.constant 0 : i32
        %dma_start3A_53 = arith.constant 0 : i32
        %dma_start3A_54 = tpu.memref_slice %arg2[%dma_start3A_52, %dma_start3A_53] : memref<100000x128xf32, #tpu.memory_space<hbm>> -> memref<100000x128xf32, #tpu.memory_space<hbm>>
        tpu.enqueue_indirect_dma source(%dma_start3A_54 : memref<100000x128xf32, #tpu.memory_space<hbm>>) target(%arg6 : memref<128x128xf32, #tpu.memory_space<vmem>>) offsets(%dma_start3A_51 : memref<128xi32, #tpu.memory_space<vmem>>) semaphore(%arg8 : memref<!tpu.dma_semaphore, #tpu.memory_space<semaphore_mem>>)
      } else {
      }
      %mul3A_37 = arith.constant 128 : i32
      %mul3A_38 = arith.muli %add3A_17, %mul3A_37 : i32
      %multiple_of3A_39 = tpu.assume_multiple %mul3A_38, 8 : i32
      %dma_wait3A_40 = tpu.memref_slice %arg5[%multiple_of3A_39] : memref<4096xi32, #tpu.memory_space<vmem>> -> memref<128xi32, #tpu.memory_space<vmem>>
      %dma_wait3A_41 = arith.constant 0 : i32
      %dma_wait3A_42 = arith.constant 0 : i32
      %dma_wait3A_43 = tpu.memref_slice %arg2[%dma_wait3A_41, %dma_wait3A_42] : memref<100000x128xf32, #tpu.memory_space<hbm>> -> memref<100000x128xf32, #tpu.memory_space<hbm>>
      tpu.wait_indirect_dma semaphore(%arg9 : memref<!tpu.dma_semaphore, #tpu.memory_space<semaphore_mem>>) src(%dma_wait3A_43 : memref<100000x128xf32, #tpu.memory_space<hbm>>) dst(%arg7 : memref<128x128xf32, #tpu.memory_space<vmem>>)
      %add3A_44 = arith.addi %multiple_of3A, %multiple_of3A_39 : i32
      %multiple_of3A_45 = tpu.assume_multiple %add3A_44, 8 : i32
      "tpu.region"() ({
        %run_scoped3A = tpu.sem_alloc : memref<!tpu.dma_semaphore, #tpu.memory_space<semaphore_mem>>
        %dma_start3A_46 = arith.constant 0 : i32
        %dma_start3A_47 = tpu.memref_slice %arg4[%multiple_of3A_45, %dma_start3A_46] : memref<131072x128xf32, #tpu.memory_space<hbm>> -> memref<128x128xf32, #tpu.memory_space<hbm>>
        %dma_start3A_48 = arith.constant 0 : i32
        %dma_start3A_49 = tpu.memref_slice %arg4[%multiple_of3A_45, %dma_start3A_48] : memref<131072x128xf32, #tpu.memory_space<hbm>> -> memref<128x128xf32, #tpu.memory_space<hbm>>
        tpu.enqueue_dma source(%arg7 : memref<128x128xf32, #tpu.memory_space<vmem>>) target(%dma_start3A_49 : memref<128x128xf32, #tpu.memory_space<hbm>>) target_semaphore(%run_scoped3A : memref<!tpu.dma_semaphore, #tpu.memory_space<semaphore_mem>>)
        %dma_wait3A_50 = arith.constant 0 : i32
        %dma_wait3A_51 = tpu.memref_slice %arg4[%multiple_of3A_45, %dma_wait3A_50] : memref<131072x128xf32, #tpu.memory_space<hbm>> -> memref<128x128xf32, #tpu.memory_space<hbm>>
        %dma_wait3A_52 = arith.constant 0 : i32
        %dma_wait3A_53 = tpu.memref_slice %arg4[%multiple_of3A_45, %dma_wait3A_52] : memref<131072x128xf32, #tpu.memory_space<hbm>> -> memref<128x128xf32, #tpu.memory_space<hbm>>
        tpu.wait_dma2 semaphore(%run_scoped3A : memref<!tpu.dma_semaphore, #tpu.memory_space<semaphore_mem>>) src(%arg7 : memref<128x128xf32, #tpu.memory_space<vmem>>) dst(%dma_wait3A_53 : memref<128x128xf32, #tpu.memory_space<hbm>>)
        tpu.yield
      }) : () -> ()
    }
    %scan3A_12 = arith.constant 16 : i32
    return
  }
}

#map = affine_map<(d0, d1) -> (0, 0)>
#map1 = affine_map<(d0, d1) -> (0)>
module attributes {stable_mosaic.version = 14 : i64} {
  func.func @body(%arg0: i32, %arg1: i32, %arg2: memref<100000x128xf32, #tpu.memory_space<hbm>>, %arg3: memref<131072xi32, #tpu.memory_space<hbm>>, %arg4: memref<131072x128xf32, #tpu.memory_space<hbm>>, %arg5: memref<4096xi32, #tpu.memory_space<vmem>>, %arg6: memref<128x128xf32, #tpu.memory_space<vmem>>, %arg7: memref<128x128xf32, #tpu.memory_space<vmem>>, %arg8: memref<!tpu.dma_semaphore, #tpu.memory_space<semaphore_mem>>, %arg9: memref<!tpu.dma_semaphore, #tpu.memory_space<semaphore_mem>>) attributes {dimension_semantics = [#tpu.dimension_semantics<core_parallel>, #tpu.dimension_semantics<subcore_parallel>], iteration_bounds = array<i64: 2, 16>, scalar_prefetch = 0 : i64, scratch_operands = 5 : i64, tpu.core_type = #tpu.core_type<sc_vector_subcore>, window_params = [{transform_indices = #map}, {transform_indices = #map1}, {transform_indices = #map}]} {
    %mul3A = arith.constant 2 : i32
    %mul3A_0 = arith.muli %arg1, %mul3A : i32
    %add3A = arith.addi %mul3A_0, %arg0 : i32
    %mul3A_1 = arith.constant 4096 : i32
    %mul3A_2 = arith.muli %add3A, %mul3A_1 : i32
    %multiple_of3A = tpu.assume_multiple %mul3A_2, 8 : i32
    "tpu.region"() ({
      %run_scoped3A = tpu.sem_alloc : memref<!tpu.dma_semaphore, #tpu.memory_space<semaphore_mem>>
      %dma_start3A_13 = tpu.memref_slice %arg3[%multiple_of3A] : memref<131072xi32, #tpu.memory_space<hbm>> -> memref<4096xi32, #tpu.memory_space<hbm>>
      %dma_start3A_14 = tpu.memref_slice %arg3[%multiple_of3A] : memref<131072xi32, #tpu.memory_space<hbm>> -> memref<4096xi32, #tpu.memory_space<hbm>>
      tpu.enqueue_dma source(%dma_start3A_14 : memref<4096xi32, #tpu.memory_space<hbm>>) target(%arg5 : memref<4096xi32, #tpu.memory_space<vmem>>) target_semaphore(%run_scoped3A : memref<!tpu.dma_semaphore, #tpu.memory_space<semaphore_mem>>)
      %dma_wait3A = tpu.memref_slice %arg3[%multiple_of3A] : memref<131072xi32, #tpu.memory_space<hbm>> -> memref<4096xi32, #tpu.memory_space<hbm>>
      %dma_wait3A_15 = tpu.memref_slice %arg3[%multiple_of3A] : memref<131072xi32, #tpu.memory_space<hbm>> -> memref<4096xi32, #tpu.memory_space<hbm>>
      tpu.wait_dma2 semaphore(%run_scoped3A : memref<!tpu.dma_semaphore, #tpu.memory_space<semaphore_mem>>) src(%dma_wait3A_15 : memref<4096xi32, #tpu.memory_space<hbm>>) dst(%arg5 : memref<4096xi32, #tpu.memory_space<vmem>>)
      tpu.yield
    }) : () -> ()
    %multiple_of3A_3 = arith.constant 0 : i32
    %multiple_of3A_4 = tpu.assume_multiple %multiple_of3A_3, 8 : i32
    %dma_start3A = tpu.memref_slice %arg5[%multiple_of3A_4] : memref<4096xi32, #tpu.memory_space<vmem>> -> memref<128xi32, #tpu.memory_space<vmem>>
    %dma_start3A_5 = arith.constant 0 : i32
    %dma_start3A_6 = arith.constant 0 : i32
    %dma_start3A_7 = tpu.memref_slice %arg2[%dma_start3A_5, %dma_start3A_6] : memref<100000x128xf32, #tpu.memory_space<hbm>> -> memref<100000x128xf32, #tpu.memory_space<hbm>>
    tpu.enqueue_indirect_dma source(%dma_start3A_7 : memref<100000x128xf32, #tpu.memory_space<hbm>>) target(%arg6 : memref<128x128xf32, #tpu.memory_space<vmem>>) offsets(%dma_start3A : memref<128xi32, #tpu.memory_space<vmem>>) semaphore(%arg8 : memref<!tpu.dma_semaphore, #tpu.memory_space<semaphore_mem>>)
    %scan3A = arith.constant 0 : i32
    %scan3A_8 = arith.constant 0 : i32
    %scan3A_9 = arith.constant 16 : i32
    %scan3A_10 = arith.addi %scan3A_8, %scan3A_9 : i32
    %scan3A_11 = arith.constant 1 : i32
    scf.for %scan3A_13 = %scan3A_8 to %scan3A_10 step %scan3A_11  : i32 {
      %mul3A_14 = arith.constant 2 : i32
      %mul3A_15 = arith.muli %mul3A_14, %scan3A_13 : i32
      %add3A_16 = arith.constant 1 : i32
      %add3A_17 = arith.addi %mul3A_15, %add3A_16 : i32
      %mul3A_18 = arith.constant 128 : i32
      %mul3A_19 = arith.muli %add3A_17, %mul3A_18 : i32
      %multiple_of3A_20 = tpu.assume_multiple %mul3A_19, 8 : i32
      %dma_start3A_21 = tpu.memref_slice %arg5[%multiple_of3A_20] : memref<4096xi32, #tpu.memory_space<vmem>> -> memref<128xi32, #tpu.memory_space<vmem>>
      %dma_start3A_22 = arith.constant 0 : i32
      %dma_start3A_23 = arith.constant 0 : i32
      %dma_start3A_24 = tpu.memref_slice %arg2[%dma_start3A_22, %dma_start3A_23] : memref<100000x128xf32, #tpu.memory_space<hbm>> -> memref<100000x128xf32, #tpu.memory_space<hbm>>
      tpu.enqueue_indirect_dma source(%dma_start3A_24 : memref<100000x128xf32, #tpu.memory_space<hbm>>) target(%arg7 : memref<128x128xf32, #tpu.memory_space<vmem>>) offsets(%dma_start3A_21 : memref<128xi32, #tpu.memory_space<vmem>>) semaphore(%arg9 : memref<!tpu.dma_semaphore, #tpu.memory_space<semaphore_mem>>)
      %mul3A_25 = arith.constant 128 : i32
      %mul3A_26 = arith.muli %mul3A_15, %mul3A_25 : i32
      %multiple_of3A_27 = tpu.assume_multiple %mul3A_26, 8 : i32
      %dma_wait3A = tpu.memref_slice %arg5[%multiple_of3A_27] : memref<4096xi32, #tpu.memory_space<vmem>> -> memref<128xi32, #tpu.memory_space<vmem>>
      %dma_wait3A_28 = arith.constant 0 : i32
      %dma_wait3A_29 = arith.constant 0 : i32
      %dma_wait3A_30 = tpu.memref_slice %arg2[%dma_wait3A_28, %dma_wait3A_29] : memref<100000x128xf32, #tpu.memory_space<hbm>> -> memref<100000x128xf32, #tpu.memory_space<hbm>>
      tpu.wait_indirect_dma semaphore(%arg8 : memref<!tpu.dma_semaphore, #tpu.memory_space<semaphore_mem>>) src(%dma_wait3A_30 : memref<100000x128xf32, #tpu.memory_space<hbm>>) dst(%arg6 : memref<128x128xf32, #tpu.memory_space<vmem>>)
      %add3A_31 = arith.addi %multiple_of3A, %multiple_of3A_27 : i32
      %multiple_of3A_32 = tpu.assume_multiple %add3A_31, 8 : i32
      "tpu.region"() ({
        %run_scoped3A = tpu.sem_alloc : memref<!tpu.dma_semaphore, #tpu.memory_space<semaphore_mem>>
        %dma_start3A_46 = arith.constant 0 : i32
        %dma_start3A_47 = tpu.memref_slice %arg4[%multiple_of3A_32, %dma_start3A_46] : memref<131072x128xf32, #tpu.memory_space<hbm>> -> memref<128x128xf32, #tpu.memory_space<hbm>>
        %dma_start3A_48 = arith.constant 0 : i32
        %dma_start3A_49 = tpu.memref_slice %arg4[%multiple_of3A_32, %dma_start3A_48] : memref<131072x128xf32, #tpu.memory_space<hbm>> -> memref<128x128xf32, #tpu.memory_space<hbm>>
        tpu.enqueue_dma source(%arg6 : memref<128x128xf32, #tpu.memory_space<vmem>>) target(%dma_start3A_49 : memref<128x128xf32, #tpu.memory_space<hbm>>) target_semaphore(%run_scoped3A : memref<!tpu.dma_semaphore, #tpu.memory_space<semaphore_mem>>)
        %dma_wait3A_50 = arith.constant 0 : i32
        %dma_wait3A_51 = tpu.memref_slice %arg4[%multiple_of3A_32, %dma_wait3A_50] : memref<131072x128xf32, #tpu.memory_space<hbm>> -> memref<128x128xf32, #tpu.memory_space<hbm>>
        %dma_wait3A_52 = arith.constant 0 : i32
        %dma_wait3A_53 = tpu.memref_slice %arg4[%multiple_of3A_32, %dma_wait3A_52] : memref<131072x128xf32, #tpu.memory_space<hbm>> -> memref<128x128xf32, #tpu.memory_space<hbm>>
        tpu.wait_dma2 semaphore(%run_scoped3A : memref<!tpu.dma_semaphore, #tpu.memory_space<semaphore_mem>>) src(%arg6 : memref<128x128xf32, #tpu.memory_space<vmem>>) dst(%dma_wait3A_53 : memref<128x128xf32, #tpu.memory_space<hbm>>)
        tpu.yield
      }) : () -> ()
      %add3A_33 = arith.constant 1 : i32
      %add3A_34 = arith.addi %add3A_17, %add3A_33 : i32
      %lt3A = arith.constant 32 : i32
      %lt3A_35 = arith.cmpi slt, %add3A_34, %lt3A : i32
      %convert_element_type3A = arith.extui %lt3A_35 : i1 to i32
      %cond3A = arith.constant 0 : i32
      %cond3A_36 = arith.cmpi ne, %convert_element_type3A, %cond3A : i32
      scf.if %cond3A_36 {
        %add3A_46 = arith.constant 1 : i32
        %add3A_47 = arith.addi %add3A_17, %add3A_46 : i32
        %mul3A_48 = arith.constant 128 : i32
        %mul3A_49 = arith.muli %add3A_47, %mul3A_48 : i32
        %multiple_of3A_50 = tpu.assume_multiple %mul3A_49, 8 : i32
        %dma_start3A_51 = tpu.memref_slice %arg5[%multiple_of3A_50] : memref<4096xi32, #tpu.memory_space<vmem>> -> memref<128xi32, #tpu.memory_space<vmem>>
        %dma_start3A_52 = arith.constant 0 : i32
        %dma_start3A_53 = arith.constant 0 : i32
        %dma_start3A_54 = tpu.memref_slice %arg2[%dma_start3A_52, %dma_start3A_53] : memref<100000x128xf32, #tpu.memory_space<hbm>> -> memref<100000x128xf32, #tpu.memory_space<hbm>>
        tpu.enqueue_indirect_dma source(%dma_start3A_54 : memref<100000x128xf32, #tpu.memory_space<hbm>>) target(%arg6 : memref<128x128xf32, #tpu.memory_space<vmem>>) offsets(%dma_start3A_51 : memref<128xi32, #tpu.memory_space<vmem>>) semaphore(%arg8 : memref<!tpu.dma_semaphore, #tpu.memory_space<semaphore_mem>>)
      } else {
      }
      %mul3A_37 = arith.constant 128 : i32
      %mul3A_38 = arith.muli %add3A_17, %mul3A_37 : i32
      %multiple_of3A_39 = tpu.assume_multiple %mul3A_38, 8 : i32
      %dma_wait3A_40 = tpu.memref_slice %arg5[%multiple_of3A_39] : memref<4096xi32, #tpu.memory_space<vmem>> -> memref<128xi32, #tpu.memory_space<vmem>>
      %dma_wait3A_41 = arith.constant 0 : i32
      %dma_wait3A_42 = arith.constant 0 : i32
      %dma_wait3A_43 = tpu.memref_slice %arg2[%dma_wait3A_41, %dma_wait3A_42] : memref<100000x128xf32, #tpu.memory_space<hbm>> -> memref<100000x128xf32, #tpu.memory_space<hbm>>
      tpu.wait_indirect_dma semaphore(%arg9 : memref<!tpu.dma_semaphore, #tpu.memory_space<semaphore_mem>>) src(%dma_wait3A_43 : memref<100000x128xf32, #tpu.memory_space<hbm>>) dst(%arg7 : memref<128x128xf32, #tpu.memory_space<vmem>>)
      %add3A_44 = arith.addi %multiple_of3A, %multiple_of3A_39 : i32
      %multiple_of3A_45 = tpu.assume_multiple %add3A_44, 8 : i32
      "tpu.region"() ({
        %run_scoped3A = tpu.sem_alloc : memref<!tpu.dma_semaphore, #tpu.memory_space<semaphore_mem>>
        %dma_start3A_46 = arith.constant 0 : i32
        %dma_start3A_47 = tpu.memref_slice %arg4[%multiple_of3A_45, %dma_start3A_46] : memref<131072x128xf32, #tpu.memory_space<hbm>> -> memref<128x128xf32, #tpu.memory_space<hbm>>
        %dma_start3A_48 = arith.constant 0 : i32
        %dma_start3A_49 = tpu.memref_slice %arg4[%multiple_of3A_45, %dma_start3A_48] : memref<131072x128xf32, #tpu.memory_space<hbm>> -> memref<128x128xf32, #tpu.memory_space<hbm>>
        tpu.enqueue_dma source(%arg7 : memref<128x128xf32, #tpu.memory_space<vmem>>) target(%dma_start3A_49 : memref<128x128xf32, #tpu.memory_space<hbm>>) target_semaphore(%run_scoped3A : memref<!tpu.dma_semaphore, #tpu.memory_space<semaphore_mem>>)
        %dma_wait3A_50 = arith.constant 0 : i32
        %dma_wait3A_51 = tpu.memref_slice %arg4[%multiple_of3A_45, %dma_wait3A_50] : memref<131072x128xf32, #tpu.memory_space<hbm>> -> memref<128x128xf32, #tpu.memory_space<hbm>>
        %dma_wait3A_52 = arith.constant 0 : i32
        %dma_wait3A_53 = tpu.memref_slice %arg4[%multiple_of3A_45, %dma_wait3A_52] : memref<131072x128xf32, #tpu.memory_space<hbm>> -> memref<128x128xf32, #tpu.memory_space<hbm>>
        tpu.wait_dma2 semaphore(%run_scoped3A : memref<!tpu.dma_semaphore, #tpu.memory_space<semaphore_mem>>) src(%arg7 : memref<128x128xf32, #tpu.memory_space<vmem>>) dst(%dma_wait3A_53 : memref<128x128xf32, #tpu.memory_space<hbm>>)
        tpu.yield
      }) : () -> ()
    }
    %scan3A_12 = arith.constant 16 : i32
    return
  }
}

#map = affine_map<(d0, d1) -> (0, 0)>
#map1 = affine_map<(d0, d1) -> (0)>
module attributes {stable_mosaic.version = 14 : i64} {
  func.func @body(%arg0: i32, %arg1: i32, %arg2: memref<100000x128xf32, #tpu.memory_space<hbm>>, %arg3: memref<131072xi32, #tpu.memory_space<hbm>>, %arg4: memref<131072x128xf32, #tpu.memory_space<hbm>>, %arg5: memref<4096xi32, #tpu.memory_space<vmem>>, %arg6: memref<128x128xf32, #tpu.memory_space<vmem>>, %arg7: memref<128x128xf32, #tpu.memory_space<vmem>>, %arg8: memref<!tpu.dma_semaphore, #tpu.memory_space<semaphore_mem>>, %arg9: memref<!tpu.dma_semaphore, #tpu.memory_space<semaphore_mem>>) attributes {dimension_semantics = [#tpu.dimension_semantics<core_parallel>, #tpu.dimension_semantics<subcore_parallel>], iteration_bounds = array<i64: 2, 16>, scalar_prefetch = 0 : i64, scratch_operands = 5 : i64, tpu.core_type = #tpu.core_type<sc_vector_subcore>, window_params = [{transform_indices = #map}, {transform_indices = #map1}, {transform_indices = #map}]} {
    %mul3A = arith.constant 2 : i32
    %mul3A_0 = arith.muli %arg1, %mul3A : i32
    %add3A = arith.addi %mul3A_0, %arg0 : i32
    %mul3A_1 = arith.constant 4096 : i32
    %mul3A_2 = arith.muli %add3A, %mul3A_1 : i32
    %multiple_of3A = tpu.assume_multiple %mul3A_2, 8 : i32
    "tpu.region"() ({
      %run_scoped3A = tpu.sem_alloc : memref<!tpu.dma_semaphore, #tpu.memory_space<semaphore_mem>>
      %dma_start3A_13 = tpu.memref_slice %arg3[%multiple_of3A] : memref<131072xi32, #tpu.memory_space<hbm>> -> memref<4096xi32, #tpu.memory_space<hbm>>
      %dma_start3A_14 = tpu.memref_slice %arg3[%multiple_of3A] : memref<131072xi32, #tpu.memory_space<hbm>> -> memref<4096xi32, #tpu.memory_space<hbm>>
      tpu.enqueue_dma source(%dma_start3A_14 : memref<4096xi32, #tpu.memory_space<hbm>>) target(%arg5 : memref<4096xi32, #tpu.memory_space<vmem>>) target_semaphore(%run_scoped3A : memref<!tpu.dma_semaphore, #tpu.memory_space<semaphore_mem>>)
      %dma_wait3A = tpu.memref_slice %arg3[%multiple_of3A] : memref<131072xi32, #tpu.memory_space<hbm>> -> memref<4096xi32, #tpu.memory_space<hbm>>
      %dma_wait3A_15 = tpu.memref_slice %arg3[%multiple_of3A] : memref<131072xi32, #tpu.memory_space<hbm>> -> memref<4096xi32, #tpu.memory_space<hbm>>
      tpu.wait_dma2 semaphore(%run_scoped3A : memref<!tpu.dma_semaphore, #tpu.memory_space<semaphore_mem>>) src(%dma_wait3A_15 : memref<4096xi32, #tpu.memory_space<hbm>>) dst(%arg5 : memref<4096xi32, #tpu.memory_space<vmem>>)
      tpu.yield
    }) : () -> ()
    %multiple_of3A_3 = arith.constant 0 : i32
    %multiple_of3A_4 = tpu.assume_multiple %multiple_of3A_3, 8 : i32
    %dma_start3A = tpu.memref_slice %arg5[%multiple_of3A_4] : memref<4096xi32, #tpu.memory_space<vmem>> -> memref<128xi32, #tpu.memory_space<vmem>>
    %dma_start3A_5 = arith.constant 0 : i32
    %dma_start3A_6 = arith.constant 0 : i32
    %dma_start3A_7 = tpu.memref_slice %arg2[%dma_start3A_5, %dma_start3A_6] : memref<100000x128xf32, #tpu.memory_space<hbm>> -> memref<100000x128xf32, #tpu.memory_space<hbm>>
    tpu.enqueue_indirect_dma source(%dma_start3A_7 : memref<100000x128xf32, #tpu.memory_space<hbm>>) target(%arg6 : memref<128x128xf32, #tpu.memory_space<vmem>>) offsets(%dma_start3A : memref<128xi32, #tpu.memory_space<vmem>>) semaphore(%arg8 : memref<!tpu.dma_semaphore, #tpu.memory_space<semaphore_mem>>)
    %scan3A = arith.constant 0 : i32
    %scan3A_8 = arith.constant 0 : i32
    %scan3A_9 = arith.constant 16 : i32
    %scan3A_10 = arith.addi %scan3A_8, %scan3A_9 : i32
    %scan3A_11 = arith.constant 1 : i32
    scf.for %scan3A_13 = %scan3A_8 to %scan3A_10 step %scan3A_11  : i32 {
      %mul3A_14 = arith.constant 2 : i32
      %mul3A_15 = arith.muli %mul3A_14, %scan3A_13 : i32
      %add3A_16 = arith.constant 1 : i32
      %add3A_17 = arith.addi %mul3A_15, %add3A_16 : i32
      %mul3A_18 = arith.constant 128 : i32
      %mul3A_19 = arith.muli %add3A_17, %mul3A_18 : i32
      %multiple_of3A_20 = tpu.assume_multiple %mul3A_19, 8 : i32
      %dma_start3A_21 = tpu.memref_slice %arg5[%multiple_of3A_20] : memref<4096xi32, #tpu.memory_space<vmem>> -> memref<128xi32, #tpu.memory_space<vmem>>
      %dma_start3A_22 = arith.constant 0 : i32
      %dma_start3A_23 = arith.constant 0 : i32
      %dma_start3A_24 = tpu.memref_slice %arg2[%dma_start3A_22, %dma_start3A_23] : memref<100000x128xf32, #tpu.memory_space<hbm>> -> memref<100000x128xf32, #tpu.memory_space<hbm>>
      tpu.enqueue_indirect_dma source(%dma_start3A_24 : memref<100000x128xf32, #tpu.memory_space<hbm>>) target(%arg7 : memref<128x128xf32, #tpu.memory_space<vmem>>) offsets(%dma_start3A_21 : memref<128xi32, #tpu.memory_space<vmem>>) semaphore(%arg9 : memref<!tpu.dma_semaphore, #tpu.memory_space<semaphore_mem>>)
      %mul3A_25 = arith.constant 128 : i32
      %mul3A_26 = arith.muli %mul3A_15, %mul3A_25 : i32
      %multiple_of3A_27 = tpu.assume_multiple %mul3A_26, 8 : i32
      %dma_wait3A = tpu.memref_slice %arg5[%multiple_of3A_27] : memref<4096xi32, #tpu.memory_space<vmem>> -> memref<128xi32, #tpu.memory_space<vmem>>
      %dma_wait3A_28 = arith.constant 0 : i32
      %dma_wait3A_29 = arith.constant 0 : i32
      %dma_wait3A_30 = tpu.memref_slice %arg2[%dma_wait3A_28, %dma_wait3A_29] : memref<100000x128xf32, #tpu.memory_space<hbm>> -> memref<100000x128xf32, #tpu.memory_space<hbm>>
      tpu.wait_indirect_dma semaphore(%arg8 : memref<!tpu.dma_semaphore, #tpu.memory_space<semaphore_mem>>) src(%dma_wait3A_30 : memref<100000x128xf32, #tpu.memory_space<hbm>>) dst(%arg6 : memref<128x128xf32, #tpu.memory_space<vmem>>)
      %add3A_31 = arith.addi %multiple_of3A, %multiple_of3A_27 : i32
      %multiple_of3A_32 = tpu.assume_multiple %add3A_31, 8 : i32
      "tpu.region"() ({
        %run_scoped3A = tpu.sem_alloc : memref<!tpu.dma_semaphore, #tpu.memory_space<semaphore_mem>>
        %dma_start3A_46 = arith.constant 0 : i32
        %dma_start3A_47 = tpu.memref_slice %arg4[%multiple_of3A_32, %dma_start3A_46] : memref<131072x128xf32, #tpu.memory_space<hbm>> -> memref<128x128xf32, #tpu.memory_space<hbm>>
        %dma_start3A_48 = arith.constant 0 : i32
        %dma_start3A_49 = tpu.memref_slice %arg4[%multiple_of3A_32, %dma_start3A_48] : memref<131072x128xf32, #tpu.memory_space<hbm>> -> memref<128x128xf32, #tpu.memory_space<hbm>>
        tpu.enqueue_dma source(%arg6 : memref<128x128xf32, #tpu.memory_space<vmem>>) target(%dma_start3A_49 : memref<128x128xf32, #tpu.memory_space<hbm>>) target_semaphore(%run_scoped3A : memref<!tpu.dma_semaphore, #tpu.memory_space<semaphore_mem>>)
        %dma_wait3A_50 = arith.constant 0 : i32
        %dma_wait3A_51 = tpu.memref_slice %arg4[%multiple_of3A_32, %dma_wait3A_50] : memref<131072x128xf32, #tpu.memory_space<hbm>> -> memref<128x128xf32, #tpu.memory_space<hbm>>
        %dma_wait3A_52 = arith.constant 0 : i32
        %dma_wait3A_53 = tpu.memref_slice %arg4[%multiple_of3A_32, %dma_wait3A_52] : memref<131072x128xf32, #tpu.memory_space<hbm>> -> memref<128x128xf32, #tpu.memory_space<hbm>>
        tpu.wait_dma2 semaphore(%run_scoped3A : memref<!tpu.dma_semaphore, #tpu.memory_space<semaphore_mem>>) src(%arg6 : memref<128x128xf32, #tpu.memory_space<vmem>>) dst(%dma_wait3A_53 : memref<128x128xf32, #tpu.memory_space<hbm>>)
        tpu.yield
      }) : () -> ()
      %add3A_33 = arith.constant 1 : i32
      %add3A_34 = arith.addi %add3A_17, %add3A_33 : i32
      %lt3A = arith.constant 32 : i32
      %lt3A_35 = arith.cmpi slt, %add3A_34, %lt3A : i32
      %convert_element_type3A = arith.extui %lt3A_35 : i1 to i32
      %cond3A = arith.constant 0 : i32
      %cond3A_36 = arith.cmpi ne, %convert_element_type3A, %cond3A : i32
      scf.if %cond3A_36 {
        %add3A_46 = arith.constant 1 : i32
        %add3A_47 = arith.addi %add3A_17, %add3A_46 : i32
        %mul3A_48 = arith.constant 128 : i32
        %mul3A_49 = arith.muli %add3A_47, %mul3A_48 : i32
        %multiple_of3A_50 = tpu.assume_multiple %mul3A_49, 8 : i32
        %dma_start3A_51 = tpu.memref_slice %arg5[%multiple_of3A_50] : memref<4096xi32, #tpu.memory_space<vmem>> -> memref<128xi32, #tpu.memory_space<vmem>>
        %dma_start3A_52 = arith.constant 0 : i32
        %dma_start3A_53 = arith.constant 0 : i32
        %dma_start3A_54 = tpu.memref_slice %arg2[%dma_start3A_52, %dma_start3A_53] : memref<100000x128xf32, #tpu.memory_space<hbm>> -> memref<100000x128xf32, #tpu.memory_space<hbm>>
        tpu.enqueue_indirect_dma source(%dma_start3A_54 : memref<100000x128xf32, #tpu.memory_space<hbm>>) target(%arg6 : memref<128x128xf32, #tpu.memory_space<vmem>>) offsets(%dma_start3A_51 : memref<128xi32, #tpu.memory_space<vmem>>) semaphore(%arg8 : memref<!tpu.dma_semaphore, #tpu.memory_space<semaphore_mem>>)
      } else {
      }
      %mul3A_37 = arith.constant 128 : i32
      %mul3A_38 = arith.muli %add3A_17, %mul3A_37 : i32
      %multiple_of3A_39 = tpu.assume_multiple %mul3A_38, 8 : i32
      %dma_wait3A_40 = tpu.memref_slice %arg5[%multiple_of3A_39] : memref<4096xi32, #tpu.memory_space<vmem>> -> memref<128xi32, #tpu.memory_space<vmem>>
      %dma_wait3A_41 = arith.constant 0 : i32
      %dma_wait3A_42 = arith.constant 0 : i32
      %dma_wait3A_43 = tpu.memref_slice %arg2[%dma_wait3A_41, %dma_wait3A_42] : memref<100000x128xf32, #tpu.memory_space<hbm>> -> memref<100000x128xf32, #tpu.memory_space<hbm>>
      tpu.wait_indirect_dma semaphore(%arg9 : memref<!tpu.dma_semaphore, #tpu.memory_space<semaphore_mem>>) src(%dma_wait3A_43 : memref<100000x128xf32, #tpu.memory_space<hbm>>) dst(%arg7 : memref<128x128xf32, #tpu.memory_space<vmem>>)
      %add3A_44 = arith.addi %multiple_of3A, %multiple_of3A_39 : i32
      %multiple_of3A_45 = tpu.assume_multiple %add3A_44, 8 : i32
      "tpu.region"() ({
        %run_scoped3A = tpu.sem_alloc : memref<!tpu.dma_semaphore, #tpu.memory_space<semaphore_mem>>
        %dma_start3A_46 = arith.constant 0 : i32
        %dma_start3A_47 = tpu.memref_slice %arg4[%multiple_of3A_45, %dma_start3A_46] : memref<131072x128xf32, #tpu.memory_space<hbm>> -> memref<128x128xf32, #tpu.memory_space<hbm>>
        %dma_start3A_48 = arith.constant 0 : i32
        %dma_start3A_49 = tpu.memref_slice %arg4[%multiple_of3A_45, %dma_start3A_48] : memref<131072x128xf32, #tpu.memory_space<hbm>> -> memref<128x128xf32, #tpu.memory_space<hbm>>
        tpu.enqueue_dma source(%arg7 : memref<128x128xf32, #tpu.memory_space<vmem>>) target(%dma_start3A_49 : memref<128x128xf32, #tpu.memory_space<hbm>>) target_semaphore(%run_scoped3A : memref<!tpu.dma_semaphore, #tpu.memory_space<semaphore_mem>>)
        %dma_wait3A_50 = arith.constant 0 : i32
        %dma_wait3A_51 = tpu.memref_slice %arg4[%multiple_of3A_45, %dma_wait3A_50] : memref<131072x128xf32, #tpu.memory_space<hbm>> -> memref<128x128xf32, #tpu.memory_space<hbm>>
        %dma_wait3A_52 = arith.constant 0 : i32
        %dma_wait3A_53 = tpu.memref_slice %arg4[%multiple_of3A_45, %dma_wait3A_52] : memref<131072x128xf32, #tpu.memory_space<hbm>> -> memref<128x128xf32, #tpu.memory_space<hbm>>
        tpu.wait_dma2 semaphore(%run_scoped3A : memref<!tpu.dma_semaphore, #tpu.memory_space<semaphore_mem>>) src(%arg7 : memref<128x128xf32, #tpu.memory_space<vmem>>) dst(%dma_wait3A_53 : memref<128x128xf32, #tpu.memory_space<hbm>>)
        tpu.yield
      }) : () -> ()
    }
    %scan3A_12 = arith.constant 16 : i32
    return
  }
}

#map = affine_map<(d0, d1) -> (0, 0)>
#map1 = affine_map<(d0, d1) -> (0)>
module attributes {stable_mosaic.version = 14 : i64} {
  func.func @body(%arg0: i32, %arg1: i32, %arg2: memref<100000x128xf32, #tpu.memory_space<hbm>>, %arg3: memref<131072xi32, #tpu.memory_space<hbm>>, %arg4: memref<34816xi32, #tpu.memory_space<hbm>>, %arg5: memref<131072x128xf32, #tpu.memory_space<hbm>>, %arg6: memref<34816x128xf32, #tpu.memory_space<hbm>>, %arg7: memref<4096xi32, #tpu.memory_space<vmem>>, %arg8: memref<128x128xf32, #tpu.memory_space<vmem>>, %arg9: memref<128x128xf32, #tpu.memory_space<vmem>>, %arg10: memref<1088xi32, #tpu.memory_space<vmem>>, %arg11: memref<64x128xf32, #tpu.memory_space<vmem>>, %arg12: memref<64x128xf32, #tpu.memory_space<vmem>>, %arg13: memref<!tpu.dma_semaphore, #tpu.memory_space<semaphore_mem>>, %arg14: memref<!tpu.dma_semaphore, #tpu.memory_space<semaphore_mem>>) attributes {dimension_semantics = [#tpu.dimension_semantics<core_parallel>, #tpu.dimension_semantics<subcore_parallel>], iteration_bounds = array<i64: 2, 16>, scalar_prefetch = 0 : i64, scratch_operands = 8 : i64, tpu.core_type = #tpu.core_type<sc_vector_subcore>, window_params = [{transform_indices = #map}, {transform_indices = #map1}, {transform_indices = #map1}, {transform_indices = #map}, {transform_indices = #map}]} {
    %mul3A = arith.constant 2 : i32
    %mul3A_0 = arith.muli %arg1, %mul3A : i32
    %add3A = arith.addi %mul3A_0, %arg0 : i32
    %mul3A_1 = arith.constant 1088 : i32
    %mul3A_2 = arith.muli %add3A, %mul3A_1 : i32
    %multiple_of3A = tpu.assume_multiple %mul3A_2, 8 : i32
    "tpu.region"() ({
      %run_scoped3A = tpu.sem_alloc : memref<!tpu.dma_semaphore, #tpu.memory_space<semaphore_mem>>
      %dma_start3A_35 = tpu.memref_slice %arg4[%multiple_of3A] : memref<34816xi32, #tpu.memory_space<hbm>> -> memref<1088xi32, #tpu.memory_space<hbm>>
      %dma_start3A_36 = tpu.memref_slice %arg4[%multiple_of3A] : memref<34816xi32, #tpu.memory_space<hbm>> -> memref<1088xi32, #tpu.memory_space<hbm>>
      tpu.enqueue_dma source(%dma_start3A_36 : memref<1088xi32, #tpu.memory_space<hbm>>) target(%arg10 : memref<1088xi32, #tpu.memory_space<vmem>>) target_semaphore(%run_scoped3A : memref<!tpu.dma_semaphore, #tpu.memory_space<semaphore_mem>>)
      %dma_wait3A_37 = tpu.memref_slice %arg4[%multiple_of3A] : memref<34816xi32, #tpu.memory_space<hbm>> -> memref<1088xi32, #tpu.memory_space<hbm>>
      %dma_wait3A_38 = tpu.memref_slice %arg4[%multiple_of3A] : memref<34816xi32, #tpu.memory_space<hbm>> -> memref<1088xi32, #tpu.memory_space<hbm>>
      tpu.wait_dma2 semaphore(%run_scoped3A : memref<!tpu.dma_semaphore, #tpu.memory_space<semaphore_mem>>) src(%dma_wait3A_38 : memref<1088xi32, #tpu.memory_space<hbm>>) dst(%arg10 : memref<1088xi32, #tpu.memory_space<vmem>>)
      tpu.yield
    }) : () -> ()
    %multiple_of3A_3 = arith.constant 0 : i32
    %multiple_of3A_4 = tpu.assume_multiple %multiple_of3A_3, 8 : i32
    %dma_start3A = tpu.memref_slice %arg10[%multiple_of3A_4] : memref<1088xi32, #tpu.memory_space<vmem>> -> memref<64xi32, #tpu.memory_space<vmem>>
    %dma_start3A_5 = arith.constant 0 : i32
    %dma_start3A_6 = arith.constant 0 : i32
    %dma_start3A_7 = tpu.memref_slice %arg2[%dma_start3A_5, %dma_start3A_6] : memref<100000x128xf32, #tpu.memory_space<hbm>> -> memref<100000x128xf32, #tpu.memory_space<hbm>>
    tpu.enqueue_indirect_dma source(%dma_start3A_7 : memref<100000x128xf32, #tpu.memory_space<hbm>>) target(%arg11 : memref<64x128xf32, #tpu.memory_space<vmem>>) offsets(%dma_start3A : memref<64xi32, #tpu.memory_space<vmem>>) semaphore(%arg13 : memref<!tpu.dma_semaphore, #tpu.memory_space<semaphore_mem>>)
    %scan3A = arith.constant 0 : i32
    %scan3A_8 = arith.constant 0 : i32
    %scan3A_9 = arith.constant 8 : i32
    %scan3A_10 = arith.addi %scan3A_8, %scan3A_9 : i32
    %scan3A_11 = arith.constant 1 : i32
    scf.for %scan3A_35 = %scan3A_8 to %scan3A_10 step %scan3A_11  : i32 {
      %mul3A_36 = arith.constant 2 : i32
      %mul3A_37 = arith.muli %mul3A_36, %scan3A_35 : i32
      %add3A_38 = arith.constant 1 : i32
      %add3A_39 = arith.addi %mul3A_37, %add3A_38 : i32
      %mul3A_40 = arith.constant 64 : i32
      %mul3A_41 = arith.muli %add3A_39, %mul3A_40 : i32
      %multiple_of3A_42 = tpu.assume_multiple %mul3A_41, 8 : i32
      %dma_start3A_43 = tpu.memref_slice %arg10[%multiple_of3A_42] : memref<1088xi32, #tpu.memory_space<vmem>> -> memref<64xi32, #tpu.memory_space<vmem>>
      %dma_start3A_44 = arith.constant 0 : i32
      %dma_start3A_45 = arith.constant 0 : i32
      %dma_start3A_46 = tpu.memref_slice %arg2[%dma_start3A_44, %dma_start3A_45] : memref<100000x128xf32, #tpu.memory_space<hbm>> -> memref<100000x128xf32, #tpu.memory_space<hbm>>
      tpu.enqueue_indirect_dma source(%dma_start3A_46 : memref<100000x128xf32, #tpu.memory_space<hbm>>) target(%arg12 : memref<64x128xf32, #tpu.memory_space<vmem>>) offsets(%dma_start3A_43 : memref<64xi32, #tpu.memory_space<vmem>>) semaphore(%arg14 : memref<!tpu.dma_semaphore, #tpu.memory_space<semaphore_mem>>)
      %mul3A_47 = arith.constant 64 : i32
      %mul3A_48 = arith.muli %mul3A_37, %mul3A_47 : i32
      %multiple_of3A_49 = tpu.assume_multiple %mul3A_48, 8 : i32
      %dma_wait3A_50 = tpu.memref_slice %arg10[%multiple_of3A_49] : memref<1088xi32, #tpu.memory_space<vmem>> -> memref<64xi32, #tpu.memory_space<vmem>>
      %dma_wait3A_51 = arith.constant 0 : i32
      %dma_wait3A_52 = arith.constant 0 : i32
      %dma_wait3A_53 = tpu.memref_slice %arg2[%dma_wait3A_51, %dma_wait3A_52] : memref<100000x128xf32, #tpu.memory_space<hbm>> -> memref<100000x128xf32, #tpu.memory_space<hbm>>
      tpu.wait_indirect_dma semaphore(%arg13 : memref<!tpu.dma_semaphore, #tpu.memory_space<semaphore_mem>>) src(%dma_wait3A_53 : memref<100000x128xf32, #tpu.memory_space<hbm>>) dst(%arg11 : memref<64x128xf32, #tpu.memory_space<vmem>>)
      %add3A_54 = arith.addi %multiple_of3A, %multiple_of3A_49 : i32
      %multiple_of3A_55 = tpu.assume_multiple %add3A_54, 8 : i32
      "tpu.region"() ({
        %run_scoped3A = tpu.sem_alloc : memref<!tpu.dma_semaphore, #tpu.memory_space<semaphore_mem>>
        %dma_start3A_69 = arith.constant 0 : i32
        %dma_start3A_70 = tpu.memref_slice %arg6[%multiple_of3A_55, %dma_start3A_69] : memref<34816x128xf32, #tpu.memory_space<hbm>> -> memref<64x128xf32, #tpu.memory_space<hbm>>
        %dma_start3A_71 = arith.constant 0 : i32
        %dma_start3A_72 = tpu.memref_slice %arg6[%multiple_of3A_55, %dma_start3A_71] : memref<34816x128xf32, #tpu.memory_space<hbm>> -> memref<64x128xf32, #tpu.memory_space<hbm>>
        tpu.enqueue_dma source(%arg11 : memref<64x128xf32, #tpu.memory_space<vmem>>) target(%dma_start3A_72 : memref<64x128xf32, #tpu.memory_space<hbm>>) target_semaphore(%run_scoped3A : memref<!tpu.dma_semaphore, #tpu.memory_space<semaphore_mem>>)
        %dma_wait3A_73 = arith.constant 0 : i32
        %dma_wait3A_74 = tpu.memref_slice %arg6[%multiple_of3A_55, %dma_wait3A_73] : memref<34816x128xf32, #tpu.memory_space<hbm>> -> memref<64x128xf32, #tpu.memory_space<hbm>>
        %dma_wait3A_75 = arith.constant 0 : i32
        %dma_wait3A_76 = tpu.memref_slice %arg6[%multiple_of3A_55, %dma_wait3A_75] : memref<34816x128xf32, #tpu.memory_space<hbm>> -> memref<64x128xf32, #tpu.memory_space<hbm>>
        tpu.wait_dma2 semaphore(%run_scoped3A : memref<!tpu.dma_semaphore, #tpu.memory_space<semaphore_mem>>) src(%arg11 : memref<64x128xf32, #tpu.memory_space<vmem>>) dst(%dma_wait3A_76 : memref<64x128xf32, #tpu.memory_space<hbm>>)
        tpu.yield
      }) : () -> ()
      %add3A_56 = arith.constant 1 : i32
      %add3A_57 = arith.addi %add3A_39, %add3A_56 : i32
      %lt3A = arith.constant 17 : i32
      %lt3A_58 = arith.cmpi slt, %add3A_57, %lt3A : i32
      %convert_element_type3A = arith.extui %lt3A_58 : i1 to i32
      %cond3A = arith.constant 0 : i32
      %cond3A_59 = arith.cmpi ne, %convert_element_type3A, %cond3A : i32
      scf.if %cond3A_59 {
        %add3A_69 = arith.constant 1 : i32
        %add3A_70 = arith.addi %add3A_39, %add3A_69 : i32
        %mul3A_71 = arith.constant 64 : i32
        %mul3A_72 = arith.muli %add3A_70, %mul3A_71 : i32
        %multiple_of3A_73 = tpu.assume_multiple %mul3A_72, 8 : i32
        %dma_start3A_74 = tpu.memref_slice %arg10[%multiple_of3A_73] : memref<1088xi32, #tpu.memory_space<vmem>> -> memref<64xi32, #tpu.memory_space<vmem>>
        %dma_start3A_75 = arith.constant 0 : i32
        %dma_start3A_76 = arith.constant 0 : i32
        %dma_start3A_77 = tpu.memref_slice %arg2[%dma_start3A_75, %dma_start3A_76] : memref<100000x128xf32, #tpu.memory_space<hbm>> -> memref<100000x128xf32, #tpu.memory_space<hbm>>
        tpu.enqueue_indirect_dma source(%dma_start3A_77 : memref<100000x128xf32, #tpu.memory_space<hbm>>) target(%arg11 : memref<64x128xf32, #tpu.memory_space<vmem>>) offsets(%dma_start3A_74 : memref<64xi32, #tpu.memory_space<vmem>>) semaphore(%arg13 : memref<!tpu.dma_semaphore, #tpu.memory_space<semaphore_mem>>)
      } else {
      }
      %mul3A_60 = arith.constant 64 : i32
      %mul3A_61 = arith.muli %add3A_39, %mul3A_60 : i32
      %multiple_of3A_62 = tpu.assume_multiple %mul3A_61, 8 : i32
      %dma_wait3A_63 = tpu.memref_slice %arg10[%multiple_of3A_62] : memref<1088xi32, #tpu.memory_space<vmem>> -> memref<64xi32, #tpu.memory_space<vmem>>
      %dma_wait3A_64 = arith.constant 0 : i32
      %dma_wait3A_65 = arith.constant 0 : i32
      %dma_wait3A_66 = tpu.memref_slice %arg2[%dma_wait3A_64, %dma_wait3A_65] : memref<100000x128xf32, #tpu.memory_space<hbm>> -> memref<100000x128xf32, #tpu.memory_space<hbm>>
      tpu.wait_indirect_dma semaphore(%arg14 : memref<!tpu.dma_semaphore, #tpu.memory_space<semaphore_mem>>) src(%dma_wait3A_66 : memref<100000x128xf32, #tpu.memory_space<hbm>>) dst(%arg12 : memref<64x128xf32, #tpu.memory_space<vmem>>)
      %add3A_67 = arith.addi %multiple_of3A, %multiple_of3A_62 : i32
      %multiple_of3A_68 = tpu.assume_multiple %add3A_67, 8 : i32
      "tpu.region"() ({
        %run_scoped3A = tpu.sem_alloc : memref<!tpu.dma_semaphore, #tpu.memory_space<semaphore_mem>>
        %dma_start3A_69 = arith.constant 0 : i32
        %dma_start3A_70 = tpu.memref_slice %arg6[%multiple_of3A_68, %dma_start3A_69] : memref<34816x128xf32, #tpu.memory_space<hbm>> -> memref<64x128xf32, #tpu.memory_space<hbm>>
        %dma_start3A_71 = arith.constant 0 : i32
        %dma_start3A_72 = tpu.memref_slice %arg6[%multiple_of3A_68, %dma_start3A_71] : memref<34816x128xf32, #tpu.memory_space<hbm>> -> memref<64x128xf32, #tpu.memory_space<hbm>>
        tpu.enqueue_dma source(%arg12 : memref<64x128xf32, #tpu.memory_space<vmem>>) target(%dma_start3A_72 : memref<64x128xf32, #tpu.memory_space<hbm>>) target_semaphore(%run_scoped3A : memref<!tpu.dma_semaphore, #tpu.memory_space<semaphore_mem>>)
        %dma_wait3A_73 = arith.constant 0 : i32
        %dma_wait3A_74 = tpu.memref_slice %arg6[%multiple_of3A_68, %dma_wait3A_73] : memref<34816x128xf32, #tpu.memory_space<hbm>> -> memref<64x128xf32, #tpu.memory_space<hbm>>
        %dma_wait3A_75 = arith.constant 0 : i32
        %dma_wait3A_76 = tpu.memref_slice %arg6[%multiple_of3A_68, %dma_wait3A_75] : memref<34816x128xf32, #tpu.memory_space<hbm>> -> memref<64x128xf32, #tpu.memory_space<hbm>>
        tpu.wait_dma2 semaphore(%run_scoped3A : memref<!tpu.dma_semaphore, #tpu.memory_space<semaphore_mem>>) src(%arg12 : memref<64x128xf32, #tpu.memory_space<vmem>>) dst(%dma_wait3A_76 : memref<64x128xf32, #tpu.memory_space<hbm>>)
        tpu.yield
      }) : () -> ()
    }
    %scan3A_12 = arith.constant 8 : i32
    %multiple_of3A_13 = arith.constant 1024 : i32
    %multiple_of3A_14 = tpu.assume_multiple %multiple_of3A_13, 8 : i32
    %dma_wait3A = tpu.memref_slice %arg10[%multiple_of3A_14] : memref<1088xi32, #tpu.memory_space<vmem>> -> memref<64xi32, #tpu.memory_space<vmem>>
    %dma_wait3A_15 = arith.constant 0 : i32
    %dma_wait3A_16 = arith.constant 0 : i32
    %dma_wait3A_17 = tpu.memref_slice %arg2[%dma_wait3A_15, %dma_wait3A_16] : memref<100000x128xf32, #tpu.memory_space<hbm>> -> memref<100000x128xf32, #tpu.memory_space<hbm>>
    tpu.wait_indirect_dma semaphore(%arg13 : memref<!tpu.dma_semaphore, #tpu.memory_space<semaphore_mem>>) src(%dma_wait3A_17 : memref<100000x128xf32, #tpu.memory_space<hbm>>) dst(%arg11 : memref<64x128xf32, #tpu.memory_space<vmem>>)
    %add3A_18 = arith.addi %multiple_of3A, %multiple_of3A_14 : i32
    %multiple_of3A_19 = tpu.assume_multiple %add3A_18, 8 : i32
    "tpu.region"() ({
      %run_scoped3A = tpu.sem_alloc : memref<!tpu.dma_semaphore, #tpu.memory_space<semaphore_mem>>
      %dma_start3A_35 = arith.constant 0 : i32
      %dma_start3A_36 = tpu.memref_slice %arg6[%multiple_of3A_19, %dma_start3A_35] : memref<34816x128xf32, #tpu.memory_space<hbm>> -> memref<64x128xf32, #tpu.memory_space<hbm>>
      %dma_start3A_37 = arith.constant 0 : i32
      %dma_start3A_38 = tpu.memref_slice %arg6[%multiple_of3A_19, %dma_start3A_37] : memref<34816x128xf32, #tpu.memory_space<hbm>> -> memref<64x128xf32, #tpu.memory_space<hbm>>
      tpu.enqueue_dma source(%arg11 : memref<64x128xf32, #tpu.memory_space<vmem>>) target(%dma_start3A_38 : memref<64x128xf32, #tpu.memory_space<hbm>>) target_semaphore(%run_scoped3A : memref<!tpu.dma_semaphore, #tpu.memory_space<semaphore_mem>>)
      %dma_wait3A_39 = arith.constant 0 : i32
      %dma_wait3A_40 = tpu.memref_slice %arg6[%multiple_of3A_19, %dma_wait3A_39] : memref<34816x128xf32, #tpu.memory_space<hbm>> -> memref<64x128xf32, #tpu.memory_space<hbm>>
      %dma_wait3A_41 = arith.constant 0 : i32
      %dma_wait3A_42 = tpu.memref_slice %arg6[%multiple_of3A_19, %dma_wait3A_41] : memref<34816x128xf32, #tpu.memory_space<hbm>> -> memref<64x128xf32, #tpu.memory_space<hbm>>
      tpu.wait_dma2 semaphore(%run_scoped3A : memref<!tpu.dma_semaphore, #tpu.memory_space<semaphore_mem>>) src(%arg11 : memref<64x128xf32, #tpu.memory_space<vmem>>) dst(%dma_wait3A_42 : memref<64x128xf32, #tpu.memory_space<hbm>>)
      tpu.yield
    }) : () -> ()
    %mul3A_20 = arith.constant 4096 : i32
    %mul3A_21 = arith.muli %add3A, %mul3A_20 : i32
    %multiple_of3A_22 = tpu.assume_multiple %mul3A_21, 8 : i32
    "tpu.region"() ({
      %run_scoped3A = tpu.sem_alloc : memref<!tpu.dma_semaphore, #tpu.memory_space<semaphore_mem>>
      %dma_start3A_35 = tpu.memref_slice %arg3[%multiple_of3A_22] : memref<131072xi32, #tpu.memory_space<hbm>> -> memref<4096xi32, #tpu.memory_space<hbm>>
      %dma_start3A_36 = tpu.memref_slice %arg3[%multiple_of3A_22] : memref<131072xi32, #tpu.memory_space<hbm>> -> memref<4096xi32, #tpu.memory_space<hbm>>
      tpu.enqueue_dma source(%dma_start3A_36 : memref<4096xi32, #tpu.memory_space<hbm>>) target(%arg7 : memref<4096xi32, #tpu.memory_space<vmem>>) target_semaphore(%run_scoped3A : memref<!tpu.dma_semaphore, #tpu.memory_space<semaphore_mem>>)
      %dma_wait3A_37 = tpu.memref_slice %arg3[%multiple_of3A_22] : memref<131072xi32, #tpu.memory_space<hbm>> -> memref<4096xi32, #tpu.memory_space<hbm>>
      %dma_wait3A_38 = tpu.memref_slice %arg3[%multiple_of3A_22] : memref<131072xi32, #tpu.memory_space<hbm>> -> memref<4096xi32, #tpu.memory_space<hbm>>
      tpu.wait_dma2 semaphore(%run_scoped3A : memref<!tpu.dma_semaphore, #tpu.memory_space<semaphore_mem>>) src(%dma_wait3A_38 : memref<4096xi32, #tpu.memory_space<hbm>>) dst(%arg7 : memref<4096xi32, #tpu.memory_space<vmem>>)
      tpu.yield
    }) : () -> ()
    %multiple_of3A_23 = arith.constant 0 : i32
    %multiple_of3A_24 = tpu.assume_multiple %multiple_of3A_23, 8 : i32
    %dma_start3A_25 = tpu.memref_slice %arg7[%multiple_of3A_24] : memref<4096xi32, #tpu.memory_space<vmem>> -> memref<128xi32, #tpu.memory_space<vmem>>
    %dma_start3A_26 = arith.constant 0 : i32
    %dma_start3A_27 = arith.constant 0 : i32
    %dma_start3A_28 = tpu.memref_slice %arg2[%dma_start3A_26, %dma_start3A_27] : memref<100000x128xf32, #tpu.memory_space<hbm>> -> memref<100000x128xf32, #tpu.memory_space<hbm>>
    tpu.enqueue_indirect_dma source(%dma_start3A_28 : memref<100000x128xf32, #tpu.memory_space<hbm>>) target(%arg8 : memref<128x128xf32, #tpu.memory_space<vmem>>) offsets(%dma_start3A_25 : memref<128xi32, #tpu.memory_space<vmem>>) semaphore(%arg13 : memref<!tpu.dma_semaphore, #tpu.memory_space<semaphore_mem>>)
    %scan3A_29 = arith.constant 0 : i32
    %scan3A_30 = arith.constant 0 : i32
    %scan3A_31 = arith.constant 16 : i32
    %scan3A_32 = arith.addi %scan3A_30, %scan3A_31 : i32
    %scan3A_33 = arith.constant 1 : i32
    scf.for %scan3A_35 = %scan3A_30 to %scan3A_32 step %scan3A_33  : i32 {
      %mul3A_36 = arith.constant 2 : i32
      %mul3A_37 = arith.muli %mul3A_36, %scan3A_35 : i32
      %add3A_38 = arith.constant 1 : i32
      %add3A_39 = arith.addi %mul3A_37, %add3A_38 : i32
      %mul3A_40 = arith.constant 128 : i32
      %mul3A_41 = arith.muli %add3A_39, %mul3A_40 : i32
      %multiple_of3A_42 = tpu.assume_multiple %mul3A_41, 8 : i32
      %dma_start3A_43 = tpu.memref_slice %arg7[%multiple_of3A_42] : memref<4096xi32, #tpu.memory_space<vmem>> -> memref<128xi32, #tpu.memory_space<vmem>>
      %dma_start3A_44 = arith.constant 0 : i32
      %dma_start3A_45 = arith.constant 0 : i32
      %dma_start3A_46 = tpu.memref_slice %arg2[%dma_start3A_44, %dma_start3A_45] : memref<100000x128xf32, #tpu.memory_space<hbm>> -> memref<100000x128xf32, #tpu.memory_space<hbm>>
      tpu.enqueue_indirect_dma source(%dma_start3A_46 : memref<100000x128xf32, #tpu.memory_space<hbm>>) target(%arg9 : memref<128x128xf32, #tpu.memory_space<vmem>>) offsets(%dma_start3A_43 : memref<128xi32, #tpu.memory_space<vmem>>) semaphore(%arg14 : memref<!tpu.dma_semaphore, #tpu.memory_space<semaphore_mem>>)
      %mul3A_47 = arith.constant 128 : i32
      %mul3A_48 = arith.muli %mul3A_37, %mul3A_47 : i32
      %multiple_of3A_49 = tpu.assume_multiple %mul3A_48, 8 : i32
      %dma_wait3A_50 = tpu.memref_slice %arg7[%multiple_of3A_49] : memref<4096xi32, #tpu.memory_space<vmem>> -> memref<128xi32, #tpu.memory_space<vmem>>
      %dma_wait3A_51 = arith.constant 0 : i32
      %dma_wait3A_52 = arith.constant 0 : i32
      %dma_wait3A_53 = tpu.memref_slice %arg2[%dma_wait3A_51, %dma_wait3A_52] : memref<100000x128xf32, #tpu.memory_space<hbm>> -> memref<100000x128xf32, #tpu.memory_space<hbm>>
      tpu.wait_indirect_dma semaphore(%arg13 : memref<!tpu.dma_semaphore, #tpu.memory_space<semaphore_mem>>) src(%dma_wait3A_53 : memref<100000x128xf32, #tpu.memory_space<hbm>>) dst(%arg8 : memref<128x128xf32, #tpu.memory_space<vmem>>)
      %add3A_54 = arith.addi %multiple_of3A_22, %multiple_of3A_49 : i32
      %multiple_of3A_55 = tpu.assume_multiple %add3A_54, 8 : i32
      "tpu.region"() ({
        %run_scoped3A = tpu.sem_alloc : memref<!tpu.dma_semaphore, #tpu.memory_space<semaphore_mem>>
        %dma_start3A_69 = arith.constant 0 : i32
        %dma_start3A_70 = tpu.memref_slice %arg5[%multiple_of3A_55, %dma_start3A_69] : memref<131072x128xf32, #tpu.memory_space<hbm>> -> memref<128x128xf32, #tpu.memory_space<hbm>>
        %dma_start3A_71 = arith.constant 0 : i32
        %dma_start3A_72 = tpu.memref_slice %arg5[%multiple_of3A_55, %dma_start3A_71] : memref<131072x128xf32, #tpu.memory_space<hbm>> -> memref<128x128xf32, #tpu.memory_space<hbm>>
        tpu.enqueue_dma source(%arg8 : memref<128x128xf32, #tpu.memory_space<vmem>>) target(%dma_start3A_72 : memref<128x128xf32, #tpu.memory_space<hbm>>) target_semaphore(%run_scoped3A : memref<!tpu.dma_semaphore, #tpu.memory_space<semaphore_mem>>)
        %dma_wait3A_73 = arith.constant 0 : i32
        %dma_wait3A_74 = tpu.memref_slice %arg5[%multiple_of3A_55, %dma_wait3A_73] : memref<131072x128xf32, #tpu.memory_space<hbm>> -> memref<128x128xf32, #tpu.memory_space<hbm>>
        %dma_wait3A_75 = arith.constant 0 : i32
        %dma_wait3A_76 = tpu.memref_slice %arg5[%multiple_of3A_55, %dma_wait3A_75] : memref<131072x128xf32, #tpu.memory_space<hbm>> -> memref<128x128xf32, #tpu.memory_space<hbm>>
        tpu.wait_dma2 semaphore(%run_scoped3A : memref<!tpu.dma_semaphore, #tpu.memory_space<semaphore_mem>>) src(%arg8 : memref<128x128xf32, #tpu.memory_space<vmem>>) dst(%dma_wait3A_76 : memref<128x128xf32, #tpu.memory_space<hbm>>)
        tpu.yield
      }) : () -> ()
      %add3A_56 = arith.constant 1 : i32
      %add3A_57 = arith.addi %add3A_39, %add3A_56 : i32
      %lt3A = arith.constant 32 : i32
      %lt3A_58 = arith.cmpi slt, %add3A_57, %lt3A : i32
      %convert_element_type3A = arith.extui %lt3A_58 : i1 to i32
      %cond3A = arith.constant 0 : i32
      %cond3A_59 = arith.cmpi ne, %convert_element_type3A, %cond3A : i32
      scf.if %cond3A_59 {
        %add3A_69 = arith.constant 1 : i32
        %add3A_70 = arith.addi %add3A_39, %add3A_69 : i32
        %mul3A_71 = arith.constant 128 : i32
        %mul3A_72 = arith.muli %add3A_70, %mul3A_71 : i32
        %multiple_of3A_73 = tpu.assume_multiple %mul3A_72, 8 : i32
        %dma_start3A_74 = tpu.memref_slice %arg7[%multiple_of3A_73] : memref<4096xi32, #tpu.memory_space<vmem>> -> memref<128xi32, #tpu.memory_space<vmem>>
        %dma_start3A_75 = arith.constant 0 : i32
        %dma_start3A_76 = arith.constant 0 : i32
        %dma_start3A_77 = tpu.memref_slice %arg2[%dma_start3A_75, %dma_start3A_76] : memref<100000x128xf32, #tpu.memory_space<hbm>> -> memref<100000x128xf32, #tpu.memory_space<hbm>>
        tpu.enqueue_indirect_dma source(%dma_start3A_77 : memref<100000x128xf32, #tpu.memory_space<hbm>>) target(%arg8 : memref<128x128xf32, #tpu.memory_space<vmem>>) offsets(%dma_start3A_74 : memref<128xi32, #tpu.memory_space<vmem>>) semaphore(%arg13 : memref<!tpu.dma_semaphore, #tpu.memory_space<semaphore_mem>>)
      } else {
      }
      %mul3A_60 = arith.constant 128 : i32
      %mul3A_61 = arith.muli %add3A_39, %mul3A_60 : i32
      %multiple_of3A_62 = tpu.assume_multiple %mul3A_61, 8 : i32
      %dma_wait3A_63 = tpu.memref_slice %arg7[%multiple_of3A_62] : memref<4096xi32, #tpu.memory_space<vmem>> -> memref<128xi32, #tpu.memory_space<vmem>>
      %dma_wait3A_64 = arith.constant 0 : i32
      %dma_wait3A_65 = arith.constant 0 : i32
      %dma_wait3A_66 = tpu.memref_slice %arg2[%dma_wait3A_64, %dma_wait3A_65] : memref<100000x128xf32, #tpu.memory_space<hbm>> -> memref<100000x128xf32, #tpu.memory_space<hbm>>
      tpu.wait_indirect_dma semaphore(%arg14 : memref<!tpu.dma_semaphore, #tpu.memory_space<semaphore_mem>>) src(%dma_wait3A_66 : memref<100000x128xf32, #tpu.memory_space<hbm>>) dst(%arg9 : memref<128x128xf32, #tpu.memory_space<vmem>>)
      %add3A_67 = arith.addi %multiple_of3A_22, %multiple_of3A_62 : i32
      %multiple_of3A_68 = tpu.assume_multiple %add3A_67, 8 : i32
      "tpu.region"() ({
        %run_scoped3A = tpu.sem_alloc : memref<!tpu.dma_semaphore, #tpu.memory_space<semaphore_mem>>
        %dma_start3A_69 = arith.constant 0 : i32
        %dma_start3A_70 = tpu.memref_slice %arg5[%multiple_of3A_68, %dma_start3A_69] : memref<131072x128xf32, #tpu.memory_space<hbm>> -> memref<128x128xf32, #tpu.memory_space<hbm>>
        %dma_start3A_71 = arith.constant 0 : i32
        %dma_start3A_72 = tpu.memref_slice %arg5[%multiple_of3A_68, %dma_start3A_71] : memref<131072x128xf32, #tpu.memory_space<hbm>> -> memref<128x128xf32, #tpu.memory_space<hbm>>
        tpu.enqueue_dma source(%arg9 : memref<128x128xf32, #tpu.memory_space<vmem>>) target(%dma_start3A_72 : memref<128x128xf32, #tpu.memory_space<hbm>>) target_semaphore(%run_scoped3A : memref<!tpu.dma_semaphore, #tpu.memory_space<semaphore_mem>>)
        %dma_wait3A_73 = arith.constant 0 : i32
        %dma_wait3A_74 = tpu.memref_slice %arg5[%multiple_of3A_68, %dma_wait3A_73] : memref<131072x128xf32, #tpu.memory_space<hbm>> -> memref<128x128xf32, #tpu.memory_space<hbm>>
        %dma_wait3A_75 = arith.constant 0 : i32
        %dma_wait3A_76 = tpu.memref_slice %arg5[%multiple_of3A_68, %dma_wait3A_75] : memref<131072x128xf32, #tpu.memory_space<hbm>> -> memref<128x128xf32, #tpu.memory_space<hbm>>
        tpu.wait_dma2 semaphore(%run_scoped3A : memref<!tpu.dma_semaphore, #tpu.memory_space<semaphore_mem>>) src(%arg9 : memref<128x128xf32, #tpu.memory_space<vmem>>) dst(%dma_wait3A_76 : memref<128x128xf32, #tpu.memory_space<hbm>>)
        tpu.yield
      }) : () -> ()
    }
    %scan3A_34 = arith.constant 16 : i32
    return
  }
}

module attributes {stable_mosaic.version = 14 : i64} {
  func.func @_tc_gat_body(%arg0: i32, %arg1: memref<16x256x128xf32, #tpu.memory_space<vmem>>, %arg2: memref<256x128xf32, #tpu.memory_space<vmem>>, %arg3: memref<16x128xf32, #tpu.memory_space<vmem>>, %arg4: memref<128x128xf32, #tpu.memory_space<vmem>>, %arg5: memref<128x128xf32, #tpu.memory_space<vmem>>, %arg6: memref<128x128xf32, #tpu.memory_space<vmem>>, %arg7: memref<128x128xf32, #tpu.memory_space<vmem>>, %arg8: memref<128x128xf32, #tpu.memory_space<vmem>>, %arg9: memref<128x128xf32, #tpu.memory_space<vmem>>, %arg10: memref<128x128xf32, #tpu.memory_space<vmem>>, %arg11: memref<128x128xf32, #tpu.memory_space<vmem>>, %arg12: memref<16x128xf32, #tpu.memory_space<vmem>>) attributes {dimension_semantics = [#tpu.dimension_semantics<arbitrary>], iteration_bounds = array<i64: 32>, scalar_prefetch = 0 : i64, scratch_operands = 0 : i64, tpu.core_type = #tpu.core_type<tc>, window_params = [{transform_indices = @transform_0, window_bounds = array<i64: 16, 256, 128>}, {transform_indices = @transform_1, window_bounds = array<i64: 256, 128>}, {transform_indices = @transform_2, window_bounds = array<i64: 16, 128>}, {pipeline_mode = #tpu.pipeline_mode<synchronous>, transform_indices = @transform_3, window_bounds = array<i64: 128, 128>}, {pipeline_mode = #tpu.pipeline_mode<synchronous>, transform_indices = @transform_4, window_bounds = array<i64: 128, 128>}, {pipeline_mode = #tpu.pipeline_mode<synchronous>, transform_indices = @transform_5, window_bounds = array<i64: 128, 128>}, {pipeline_mode = #tpu.pipeline_mode<synchronous>, transform_indices = @transform_6, window_bounds = array<i64: 128, 128>}, {pipeline_mode = #tpu.pipeline_mode<synchronous>, transform_indices = @transform_7, window_bounds = array<i64: 128, 128>}, {pipeline_mode = #tpu.pipeline_mode<synchronous>, transform_indices = @transform_8, window_bounds = array<i64: 128, 128>}, {pipeline_mode = #tpu.pipeline_mode<synchronous>, transform_indices = @transform_9, window_bounds = array<i64: 128, 128>}, {pipeline_mode = #tpu.pipeline_mode<synchronous>, transform_indices = @transform_10, window_bounds = array<i64: 128, 128>}, {transform_indices = @transform_11, window_bounds = array<i64: 16, 128>}]} {
    %iota3A = tpu.iota {dimensions = array<i32: 0>} : vector<128x128xi32>
    %jit3A = arith.constant 16 : i32
    %div3A = vector.broadcast %jit3A : i32 to vector<128x128xi32>
    %div3A_0 = arith.divsi %iota3A, %div3A : vector<128x128xi32>
    %sign3A = arith.constant 0 : i32
    %sign3A_1 = vector.broadcast %sign3A : i32 to vector<128x128xi32>
    %sign3A_2 = arith.cmpi sgt, %iota3A, %sign3A_1 : vector<128x128xi32>
    %sign3A_3 = arith.extui %sign3A_2 : vector<128x128xi1> to vector<128x128xi32>
    %sign3A_4 = arith.constant 0 : i32
    %sign3A_5 = vector.broadcast %sign3A_4 : i32 to vector<128x128xi32>
    %sign3A_6 = arith.cmpi slt, %iota3A, %sign3A_5 : vector<128x128xi32>
    %sign3A_7 = arith.extui %sign3A_6 : vector<128x128xi1> to vector<128x128xi32>
    %sign3A_8 = arith.subi %sign3A_3, %sign3A_7 : vector<128x128xi32>
    %sign3A_9 = arith.constant 0 : i32
    %sign3A_10 = arith.cmpi sgt, %jit3A, %sign3A_9 : i32
    %sign3A_11 = arith.extui %sign3A_10 : i1 to i32
    %sign3A_12 = arith.constant 0 : i32
    %sign3A_13 = arith.cmpi slt, %jit3A, %sign3A_12 : i32
    %sign3A_14 = arith.extui %sign3A_13 : i1 to i32
    %sign3A_15 = arith.subi %sign3A_11, %sign3A_14 : i32
    %ne3A = vector.broadcast %sign3A_15 : i32 to vector<128x128xi32>
    %ne3A_16 = arith.cmpi ne, %sign3A_8, %ne3A : vector<128x128xi32>
    %rem3A = vector.broadcast %jit3A : i32 to vector<128x128xi32>
    %rem3A_17 = arith.remsi %iota3A, %rem3A : vector<128x128xi32>
    %ne3A_18 = arith.constant 0 : i32
    %ne3A_19 = vector.broadcast %ne3A_18 : i32 to vector<128x128xi32>
    %ne3A_20 = arith.cmpi ne, %rem3A_17, %ne3A_19 : vector<128x128xi32>
    %and3A = arith.andi %ne3A_16, %ne3A_20 : vector<128x128xi1>
    %sub3A = arith.constant 1 : i32
    %sub3A_21 = vector.broadcast %sub3A : i32 to vector<128x128xi32>
    %sub3A_22 = arith.subi %div3A_0, %sub3A_21 : vector<128x128xi32>
    %select_n3A = arith.select %and3A, %sub3A_22, %div3A_0 : vector<128x128xi1>, vector<128x128xi32>
    %iota3A_23 = tpu.iota {dimensions = array<i32: 1>} : vector<128x128xi32>
    %jit3A_24 = arith.constant 16 : i32
    %div3A_25 = vector.broadcast %jit3A_24 : i32 to vector<128x128xi32>
    %div3A_26 = arith.divsi %iota3A_23, %div3A_25 : vector<128x128xi32>
    %sign3A_27 = arith.constant 0 : i32
    %sign3A_28 = vector.broadcast %sign3A_27 : i32 to vector<128x128xi32>
    %sign3A_29 = arith.cmpi sgt, %iota3A_23, %sign3A_28 : vector<128x128xi32>
    %sign3A_30 = arith.extui %sign3A_29 : vector<128x128xi1> to vector<128x128xi32>
    %sign3A_31 = arith.constant 0 : i32
    %sign3A_32 = vector.broadcast %sign3A_31 : i32 to vector<128x128xi32>
    %sign3A_33 = arith.cmpi slt, %iota3A_23, %sign3A_32 : vector<128x128xi32>
    %sign3A_34 = arith.extui %sign3A_33 : vector<128x128xi1> to vector<128x128xi32>
    %sign3A_35 = arith.subi %sign3A_30, %sign3A_34 : vector<128x128xi32>
    %sign3A_36 = arith.constant 0 : i32
    %sign3A_37 = arith.cmpi sgt, %jit3A_24, %sign3A_36 : i32
    %sign3A_38 = arith.extui %sign3A_37 : i1 to i32
    %sign3A_39 = arith.constant 0 : i32
    %sign3A_40 = arith.cmpi slt, %jit3A_24, %sign3A_39 : i32
    %sign3A_41 = arith.extui %sign3A_40 : i1 to i32
    %sign3A_42 = arith.subi %sign3A_38, %sign3A_41 : i32
    %ne3A_43 = vector.broadcast %sign3A_42 : i32 to vector<128x128xi32>
    %ne3A_44 = arith.cmpi ne, %sign3A_35, %ne3A_43 : vector<128x128xi32>
    %rem3A_45 = vector.broadcast %jit3A_24 : i32 to vector<128x128xi32>
    %rem3A_46 = arith.remsi %iota3A_23, %rem3A_45 : vector<128x128xi32>
    %ne3A_47 = arith.constant 0 : i32
    %ne3A_48 = vector.broadcast %ne3A_47 : i32 to vector<128x128xi32>
    %ne3A_49 = arith.cmpi ne, %rem3A_46, %ne3A_48 : vector<128x128xi32>
    %and3A_50 = arith.andi %ne3A_44, %ne3A_49 : vector<128x128xi1>
    %sub3A_51 = arith.constant 1 : i32
    %sub3A_52 = vector.broadcast %sub3A_51 : i32 to vector<128x128xi32>
    %sub3A_53 = arith.subi %div3A_26, %sub3A_52 : vector<128x128xi32>
    %select_n3A_54 = arith.select %and3A_50, %sub3A_53, %div3A_26 : vector<128x128xi1>, vector<128x128xi32>
    %eq3A = arith.cmpi eq, %select_n3A, %select_n3A_54 : vector<128x128xi32>
    %convert_element_type3A = arith.extui %eq3A : vector<128x128xi1> to vector<128x128xi32>
    %convert_element_type3A_55 = arith.sitofp %convert_element_type3A : vector<128x128xi32> to vector<128x128xf32>
    %convert_element_type3A_56 = arith.truncf %convert_element_type3A_55 : vector<128x128xf32> to vector<128x128xbf16>
    %get3A = arith.constant 0 : index
    %get3A_57 = arith.constant 0 : index
    %get3A_58 = arith.constant 0 : index
    %get3A_59 = vector.load %arg1[%get3A, %get3A_57, %get3A_58] : memref<16x256x128xf32, #tpu.memory_space<vmem>>, vector<16x256x128xf32>
    %reshape3A = vector.shape_cast %get3A_59 : vector<16x256x128xf32> to vector<4096x128xf32>
    %get3A_60 = arith.constant 0 : index
    %get3A_61 = arith.constant 0 : index
    %get3A_62 = vector.load %arg2[%get3A_60, %get3A_61] : memref<256x128xf32, #tpu.memory_space<vmem>>, vector<256x128xf32>
    %get3A_63 = arith.constant 0 : index
    %get3A_64 = arith.constant 0 : index
    %get3A_65 = vector.load %arg3[%get3A_63, %get3A_64] : memref<16x128xf32, #tpu.memory_space<vmem>>, vector<16x128xf32>
    %get3A_66 = arith.constant 0 : index
    %get3A_67 = arith.constant 0 : index
    %get3A_68 = vector.load %arg4[%get3A_66, %get3A_67] : memref<128x128xf32, #tpu.memory_space<vmem>>, vector<128x128xf32>
    %get3A_69 = arith.constant 0 : index
    %get3A_70 = arith.constant 0 : index
    %get3A_71 = vector.load %arg5[%get3A_69, %get3A_70] : memref<128x128xf32, #tpu.memory_space<vmem>>, vector<128x128xf32>
    %get3A_72 = arith.constant 0 : index
    %get3A_73 = arith.constant 0 : index
    %get3A_74 = vector.load %arg6[%get3A_72, %get3A_73] : memref<128x128xf32, #tpu.memory_space<vmem>>, vector<128x128xf32>
    %get3A_75 = arith.constant 0 : index
    %get3A_76 = arith.constant 0 : index
    %get3A_77 = vector.load %arg7[%get3A_75, %get3A_76] : memref<128x128xf32, #tpu.memory_space<vmem>>, vector<128x128xf32>
    %dot_general3A = arith.constant dense<0.000000e+00> : vector<256x128xf32>
    %dot_general3A_78 = tpu.matmul %get3A_62, %get3A_68, %dot_general3A {dimension_numbers = #tpu.dot_dimension_numbers<[1], [1], [0], [0], [0, 0, 1, 0], [], []>, transpose_lhs_hint = false} : vector<256x128xf32>, vector<128x128xf32>, vector<256x128xf32> -> vector<256x128xf32>
    %mul3A = arith.constant 2.500000e-01 : f32
    %mul3A_79 = vector.broadcast %mul3A : f32 to vector<256x128xf32>
    %mul3A_80 = arith.mulf %dot_general3A_78, %mul3A_79 : vector<256x128xf32>
    %convert_element_type3A_81 = arith.truncf %reshape3A : vector<4096x128xf32> to vector<4096x128xbf16>
    %convert_element_type3A_82 = arith.truncf %get3A_71 : vector<128x128xf32> to vector<128x128xbf16>
    %dot_general3A_83 = arith.constant dense<0.000000e+00> : vector<4096x128xf32>
    %dot_general3A_84 = tpu.matmul %convert_element_type3A_81, %convert_element_type3A_82, %dot_general3A_83 {dimension_numbers = #tpu.dot_dimension_numbers<[1], [1], [0], [0], [0, 0, 1, 0], [], []>, transpose_lhs_hint = false} : vector<4096x128xbf16>, vector<128x128xbf16>, vector<4096x128xf32> -> vector<4096x128xf32>
    %convert_element_type3A_85 = arith.truncf %get3A_74 : vector<128x128xf32> to vector<128x128xbf16>
    %dot_general3A_86 = arith.constant dense<0.000000e+00> : vector<4096x128xf32>
    %dot_general3A_87 = tpu.matmul %convert_element_type3A_81, %convert_element_type3A_85, %dot_general3A_86 {dimension_numbers = #tpu.dot_dimension_numbers<[1], [1], [0], [0], [0, 0, 1, 0], [], []>, transpose_lhs_hint = false} : vector<4096x128xbf16>, vector<128x128xbf16>, vector<4096x128xf32> -> vector<4096x128xf32>
    %reshape3A_88 = vector.shape_cast %dot_general3A_84 : vector<4096x128xf32> to vector<16x256x128xf32>
    %broadcast_in_dim3A = vector.shape_cast %mul3A_80 : vector<256x128xf32> to vector<1x256x128xf32>
    %mul3A_89 = vector.broadcast %broadcast_in_dim3A : vector<1x256x128xf32> to vector<16x256x128xf32>
    %mul3A_90 = arith.mulf %reshape3A_88, %mul3A_89 : vector<16x256x128xf32>
    %reshape3A_91 = vector.shape_cast %mul3A_90 : vector<16x256x128xf32> to vector<4096x128xf32>
    %convert_element_type3A_92 = arith.truncf %reshape3A_91 : vector<4096x128xf32> to vector<4096x128xbf16>
    %dot_general3A_93 = arith.constant dense<0.000000e+00> : vector<4096x128xf32>
    %dot_general3A_94 = tpu.matmul %convert_element_type3A_92, %convert_element_type3A_56, %dot_general3A_93 {dimension_numbers = #tpu.dot_dimension_numbers<[1], [0], [0], [1], [0, 0, 1, 1], [], []>, transpose_lhs_hint = false} : vector<4096x128xbf16>, vector<128x128xbf16>, vector<4096x128xf32> -> vector<4096x128xf32>
    %reshape3A_95 = vector.shape_cast %dot_general3A_94 : vector<4096x128xf32> to vector<16x256x128xf32>
    %exp3A = math.exp %reshape3A_95 : vector<16x256x128xf32>
    %reduce_sum3A = arith.constant dense<0.000000e+00> : vector<256x128xf32>
    %reduce_sum3A_96 = vector.multi_reduction <add>, %exp3A, %reduce_sum3A [0] : vector<16x256x128xf32> to vector<256x128xf32>
    %reshape3A_97 = vector.shape_cast %dot_general3A_87 : vector<4096x128xf32> to vector<16x256x128xf32>
    %mul3A_98 = arith.mulf %exp3A, %reshape3A_97 : vector<16x256x128xf32>
    %reduce_sum3A_99 = arith.constant dense<0.000000e+00> : vector<256x128xf32>
    %reduce_sum3A_100 = vector.multi_reduction <add>, %mul3A_98, %reduce_sum3A_99 [0] : vector<16x256x128xf32> to vector<256x128xf32>
    %div3A_101 = arith.divf %reduce_sum3A_100, %reduce_sum3A_96 : vector<256x128xf32>
    %dot_general3A_102 = arith.constant dense<0.000000e+00> : vector<256x128xf32>
    %dot_general3A_103 = tpu.matmul %get3A_62, %get3A_77, %dot_general3A_102 {dimension_numbers = #tpu.dot_dimension_numbers<[1], [1], [0], [0], [0, 0, 1, 0], [], []>, transpose_lhs_hint = false} : vector<256x128xf32>, vector<128x128xf32>, vector<256x128xf32> -> vector<256x128xf32>
    %add3A = arith.addf %dot_general3A_103, %div3A_101 : vector<256x128xf32>
    %max3A = arith.constant 0.000000e+00 : f32
    %max3A_104 = vector.broadcast %max3A : f32 to vector<256x128xf32>
    %max3A_105 = arith.maximumf %add3A, %max3A_104 : vector<256x128xf32>
    %get3A_106 = arith.constant 0 : index
    %get3A_107 = arith.constant 0 : index
    %get3A_108 = vector.load %arg8[%get3A_106, %get3A_107] : memref<128x128xf32, #tpu.memory_space<vmem>>, vector<128x128xf32>
    %get3A_109 = arith.constant 0 : index
    %get3A_110 = arith.constant 0 : index
    %get3A_111 = vector.load %arg9[%get3A_109, %get3A_110] : memref<128x128xf32, #tpu.memory_space<vmem>>, vector<128x128xf32>
    %get3A_112 = arith.constant 0 : index
    %get3A_113 = arith.constant 0 : index
    %get3A_114 = vector.load %arg10[%get3A_112, %get3A_113] : memref<128x128xf32, #tpu.memory_space<vmem>>, vector<128x128xf32>
    %get3A_115 = arith.constant 0 : index
    %get3A_116 = arith.constant 0 : index
    %get3A_117 = vector.load %arg11[%get3A_115, %get3A_116] : memref<128x128xf32, #tpu.memory_space<vmem>>, vector<128x128xf32>
    %dot_general3A_118 = arith.constant dense<0.000000e+00> : vector<16x128xf32>
    %dot_general3A_119 = tpu.matmul %get3A_65, %get3A_108, %dot_general3A_118 {dimension_numbers = #tpu.dot_dimension_numbers<[1], [1], [0], [0], [0, 0, 1, 0], [], []>, transpose_lhs_hint = false} : vector<16x128xf32>, vector<128x128xf32>, vector<16x128xf32> -> vector<16x128xf32>
    %mul3A_120 = arith.constant 2.500000e-01 : f32
    %mul3A_121 = vector.broadcast %mul3A_120 : f32 to vector<16x128xf32>
    %mul3A_122 = arith.mulf %dot_general3A_119, %mul3A_121 : vector<16x128xf32>
    %convert_element_type3A_123 = arith.truncf %max3A_105 : vector<256x128xf32> to vector<256x128xbf16>
    %convert_element_type3A_124 = arith.truncf %get3A_111 : vector<128x128xf32> to vector<128x128xbf16>
    %dot_general3A_125 = arith.constant dense<0.000000e+00> : vector<256x128xf32>
    %dot_general3A_126 = tpu.matmul %convert_element_type3A_123, %convert_element_type3A_124, %dot_general3A_125 {dimension_numbers = #tpu.dot_dimension_numbers<[1], [1], [0], [0], [0, 0, 1, 0], [], []>, transpose_lhs_hint = false} : vector<256x128xbf16>, vector<128x128xbf16>, vector<256x128xf32> -> vector<256x128xf32>
    %convert_element_type3A_127 = arith.truncf %get3A_114 : vector<128x128xf32> to vector<128x128xbf16>
    %dot_general3A_128 = arith.constant dense<0.000000e+00> : vector<256x128xf32>
    %dot_general3A_129 = tpu.matmul %convert_element_type3A_123, %convert_element_type3A_127, %dot_general3A_128 {dimension_numbers = #tpu.dot_dimension_numbers<[1], [1], [0], [0], [0, 0, 1, 0], [], []>, transpose_lhs_hint = false} : vector<256x128xbf16>, vector<128x128xbf16>, vector<256x128xf32> -> vector<256x128xf32>
    %reshape3A_130 = vector.shape_cast %dot_general3A_126 : vector<256x128xf32> to vector<16x16x128xf32>
    %broadcast_in_dim3A_131 = vector.shape_cast %mul3A_122 : vector<16x128xf32> to vector<16x1x128xf32>
    %mul3A_132 = vector.broadcast %broadcast_in_dim3A_131 : vector<16x1x128xf32> to vector<16x16x128xf32>
    %mul3A_133 = arith.mulf %reshape3A_130, %mul3A_132 : vector<16x16x128xf32>
    %reshape3A_134 = vector.shape_cast %mul3A_133 : vector<16x16x128xf32> to vector<256x128xf32>
    %convert_element_type3A_135 = arith.truncf %reshape3A_134 : vector<256x128xf32> to vector<256x128xbf16>
    %dot_general3A_136 = arith.constant dense<0.000000e+00> : vector<256x128xf32>
    %dot_general3A_137 = tpu.matmul %convert_element_type3A_135, %convert_element_type3A_56, %dot_general3A_136 {dimension_numbers = #tpu.dot_dimension_numbers<[1], [0], [0], [1], [0, 0, 1, 1], [], []>, transpose_lhs_hint = false} : vector<256x128xbf16>, vector<128x128xbf16>, vector<256x128xf32> -> vector<256x128xf32>
    %reshape3A_138 = vector.shape_cast %dot_general3A_137 : vector<256x128xf32> to vector<16x16x128xf32>
    %exp3A_139 = math.exp %reshape3A_138 : vector<16x16x128xf32>
    %reduce_sum3A_140 = arith.constant dense<0.000000e+00> : vector<16x128xf32>
    %reduce_sum3A_141 = vector.multi_reduction <add>, %exp3A_139, %reduce_sum3A_140 [1] : vector<16x16x128xf32> to vector<16x128xf32>
    %reshape3A_142 = vector.shape_cast %dot_general3A_129 : vector<256x128xf32> to vector<16x16x128xf32>
    %mul3A_143 = arith.mulf %exp3A_139, %reshape3A_142 : vector<16x16x128xf32>
    %reduce_sum3A_144 = arith.constant dense<0.000000e+00> : vector<16x128xf32>
    %reduce_sum3A_145 = vector.multi_reduction <add>, %mul3A_143, %reduce_sum3A_144 [1] : vector<16x16x128xf32> to vector<16x128xf32>
    %div3A_146 = arith.divf %reduce_sum3A_145, %reduce_sum3A_141 : vector<16x128xf32>
    %dot_general3A_147 = arith.constant dense<0.000000e+00> : vector<16x128xf32>
    %dot_general3A_148 = tpu.matmul %get3A_65, %get3A_117, %dot_general3A_147 {dimension_numbers = #tpu.dot_dimension_numbers<[1], [1], [0], [0], [0, 0, 1, 0], [], []>, transpose_lhs_hint = false} : vector<16x128xf32>, vector<128x128xf32>, vector<16x128xf32> -> vector<16x128xf32>
    %add3A_149 = arith.addf %dot_general3A_148, %div3A_146 : vector<16x128xf32>
    %max3A_150 = arith.constant 0.000000e+00 : f32
    %max3A_151 = vector.broadcast %max3A_150 : f32 to vector<16x128xf32>
    %max3A_152 = arith.maximumf %add3A_149, %max3A_151 : vector<16x128xf32>
    %swap3A = arith.constant 0 : index
    %swap3A_153 = arith.constant 0 : index
    %swap3A_154 = vector.load %arg12[%swap3A, %swap3A_153] : memref<16x128xf32, #tpu.memory_space<vmem>>, vector<16x128xf32>
    tpu.vector_store %arg12[%swap3A, %swap3A_153], %max3A_152 {strides = array<i32>} : memref<16x128xf32, #tpu.memory_space<vmem>>, vector<16x128xf32>,
    return
  }
  func.func @transform_0(%arg0: i32) -> (i32, i32, i32) {
    %c0_i32 = arith.constant 0 : i32
    %c0_i32_0 = arith.constant 0 : i32
    %c0_i32_1 = arith.constant 0 : i32
    return %c0_i32, %arg0, %c0_i32_0 : i32, i32, i32
  }
  func.func @transform_1(%arg0: i32) -> (i32, i32) {
    %add3A = arith.constant 0 : i32
    %add3A_0 = arith.addi %arg0, %add3A : i32
    %c0_i32 = arith.constant 0 : i32
    %c0_i32_1 = arith.constant 0 : i32
    return %add3A_0, %c0_i32 : i32, i32
  }
  func.func @transform_2(%arg0: i32) -> (i32, i32) {
    %add3A = arith.constant 2048 : i32
    %add3A_0 = arith.addi %arg0, %add3A : i32
    %c0_i32 = arith.constant 0 : i32
    %c0_i32_1 = arith.constant 0 : i32
    return %add3A_0, %c0_i32 : i32, i32
  }
  func.func @transform_3(%arg0: i32) -> (i32, i32) {
    %c0_i32 = arith.constant 0 : i32
    %c0_i32_0 = arith.constant 0 : i32
    %c0_i32_1 = arith.constant 0 : i32
    return %c0_i32, %c0_i32_0 : i32, i32
  }
  func.func @transform_4(%arg0: i32) -> (i32, i32) {
    %c0_i32 = arith.constant 0 : i32
    %c0_i32_0 = arith.constant 0 : i32
    %c0_i32_1 = arith.constant 0 : i32
    return %c0_i32, %c0_i32_0 : i32, i32
  }
  func.func @transform_5(%arg0: i32) -> (i32, i32) {
    %c0_i32 = arith.constant 0 : i32
    %c0_i32_0 = arith.constant 0 : i32
    %c0_i32_1 = arith.constant 0 : i32
    return %c0_i32, %c0_i32_0 : i32, i32
  }
  func.func @transform_6(%arg0: i32) -> (i32, i32) {
    %c0_i32 = arith.constant 0 : i32
    %c0_i32_0 = arith.constant 0 : i32
    %c0_i32_1 = arith.constant 0 : i32
    return %c0_i32, %c0_i32_0 : i32, i32
  }
  func.func @transform_7(%arg0: i32) -> (i32, i32) {
    %c0_i32 = arith.constant 0 : i32
    %c0_i32_0 = arith.constant 0 : i32
    %c0_i32_1 = arith.constant 0 : i32
    return %c0_i32, %c0_i32_0 : i32, i32
  }
  func.func @transform_8(%arg0: i32) -> (i32, i32) {
    %c0_i32 = arith.constant 0 : i32
    %c0_i32_0 = arith.constant 0 : i32
    %c0_i32_1 = arith.constant 0 : i32
    return %c0_i32, %c0_i32_0 : i32, i32
  }
  func.func @transform_9(%arg0: i32) -> (i32, i32) {
    %c0_i32 = arith.constant 0 : i32
    %c0_i32_0 = arith.constant 0 : i32
    %c0_i32_1 = arith.constant 0 : i32
    return %c0_i32, %c0_i32_0 : i32, i32
  }
  func.func @transform_10(%arg0: i32) -> (i32, i32) {
    %c0_i32 = arith.constant 0 : i32
    %c0_i32_0 = arith.constant 0 : i32
    %c0_i32_1 = arith.constant 0 : i32
    return %c0_i32, %c0_i32_0 : i32, i32
  }
  func.func @transform_11(%arg0: i32) -> (i32, i32) {
    %c0_i32 = arith.constant 0 : i32
    %c0_i32_0 = arith.constant 0 : i32
    return %arg0, %c0_i32 : i32, i32
  }
}

module attributes {stable_mosaic.version = 14 : i64} {
  func.func @_tc_gat_body(%arg0: i32, %arg1: memref<16x256x128xf32, #tpu.memory_space<vmem>>, %arg2: memref<256x128xf32, #tpu.memory_space<vmem>>, %arg3: memref<16x128xf32, #tpu.memory_space<vmem>>, %arg4: memref<128x128xf32, #tpu.memory_space<vmem>>, %arg5: memref<128x128xf32, #tpu.memory_space<vmem>>, %arg6: memref<128x128xf32, #tpu.memory_space<vmem>>, %arg7: memref<128x128xf32, #tpu.memory_space<vmem>>, %arg8: memref<128x128xf32, #tpu.memory_space<vmem>>, %arg9: memref<128x128xf32, #tpu.memory_space<vmem>>, %arg10: memref<128x128xf32, #tpu.memory_space<vmem>>, %arg11: memref<128x128xf32, #tpu.memory_space<vmem>>, %arg12: memref<16x128xf32, #tpu.memory_space<vmem>>) attributes {dimension_semantics = [#tpu.dimension_semantics<arbitrary>], iteration_bounds = array<i64: 32>, scalar_prefetch = 0 : i64, scratch_operands = 0 : i64, tpu.core_type = #tpu.core_type<tc>, window_params = [{transform_indices = @transform_0, window_bounds = array<i64: 16, 256, 128>}, {transform_indices = @transform_1, window_bounds = array<i64: 256, 128>}, {transform_indices = @transform_2, window_bounds = array<i64: 16, 128>}, {pipeline_mode = #tpu.pipeline_mode<synchronous>, transform_indices = @transform_3, window_bounds = array<i64: 128, 128>}, {pipeline_mode = #tpu.pipeline_mode<synchronous>, transform_indices = @transform_4, window_bounds = array<i64: 128, 128>}, {pipeline_mode = #tpu.pipeline_mode<synchronous>, transform_indices = @transform_5, window_bounds = array<i64: 128, 128>}, {pipeline_mode = #tpu.pipeline_mode<synchronous>, transform_indices = @transform_6, window_bounds = array<i64: 128, 128>}, {pipeline_mode = #tpu.pipeline_mode<synchronous>, transform_indices = @transform_7, window_bounds = array<i64: 128, 128>}, {pipeline_mode = #tpu.pipeline_mode<synchronous>, transform_indices = @transform_8, window_bounds = array<i64: 128, 128>}, {pipeline_mode = #tpu.pipeline_mode<synchronous>, transform_indices = @transform_9, window_bounds = array<i64: 128, 128>}, {pipeline_mode = #tpu.pipeline_mode<synchronous>, transform_indices = @transform_10, window_bounds = array<i64: 128, 128>}, {transform_indices = @transform_11, window_bounds = array<i64: 16, 128>}]} {
    %iota3A = tpu.iota {dimensions = array<i32: 0>} : vector<128x128xi32>
    %jit3A = arith.constant 16 : i32
    %div3A = vector.broadcast %jit3A : i32 to vector<128x128xi32>
    %div3A_0 = arith.divsi %iota3A, %div3A : vector<128x128xi32>
    %sign3A = arith.constant 0 : i32
    %sign3A_1 = vector.broadcast %sign3A : i32 to vector<128x128xi32>
    %sign3A_2 = arith.cmpi sgt, %iota3A, %sign3A_1 : vector<128x128xi32>
    %sign3A_3 = arith.extui %sign3A_2 : vector<128x128xi1> to vector<128x128xi32>
    %sign3A_4 = arith.constant 0 : i32
    %sign3A_5 = vector.broadcast %sign3A_4 : i32 to vector<128x128xi32>
    %sign3A_6 = arith.cmpi slt, %iota3A, %sign3A_5 : vector<128x128xi32>
    %sign3A_7 = arith.extui %sign3A_6 : vector<128x128xi1> to vector<128x128xi32>
    %sign3A_8 = arith.subi %sign3A_3, %sign3A_7 : vector<128x128xi32>
    %sign3A_9 = arith.constant 0 : i32
    %sign3A_10 = arith.cmpi sgt, %jit3A, %sign3A_9 : i32
    %sign3A_11 = arith.extui %sign3A_10 : i1 to i32
    %sign3A_12 = arith.constant 0 : i32
    %sign3A_13 = arith.cmpi slt, %jit3A, %sign3A_12 : i32
    %sign3A_14 = arith.extui %sign3A_13 : i1 to i32
    %sign3A_15 = arith.subi %sign3A_11, %sign3A_14 : i32
    %ne3A = vector.broadcast %sign3A_15 : i32 to vector<128x128xi32>
    %ne3A_16 = arith.cmpi ne, %sign3A_8, %ne3A : vector<128x128xi32>
    %rem3A = vector.broadcast %jit3A : i32 to vector<128x128xi32>
    %rem3A_17 = arith.remsi %iota3A, %rem3A : vector<128x128xi32>
    %ne3A_18 = arith.constant 0 : i32
    %ne3A_19 = vector.broadcast %ne3A_18 : i32 to vector<128x128xi32>
    %ne3A_20 = arith.cmpi ne, %rem3A_17, %ne3A_19 : vector<128x128xi32>
    %and3A = arith.andi %ne3A_16, %ne3A_20 : vector<128x128xi1>
    %sub3A = arith.constant 1 : i32
    %sub3A_21 = vector.broadcast %sub3A : i32 to vector<128x128xi32>
    %sub3A_22 = arith.subi %div3A_0, %sub3A_21 : vector<128x128xi32>
    %select_n3A = arith.select %and3A, %sub3A_22, %div3A_0 : vector<128x128xi1>, vector<128x128xi32>
    %iota3A_23 = tpu.iota {dimensions = array<i32: 1>} : vector<128x128xi32>
    %jit3A_24 = arith.constant 16 : i32
    %div3A_25 = vector.broadcast %jit3A_24 : i32 to vector<128x128xi32>
    %div3A_26 = arith.divsi %iota3A_23, %div3A_25 : vector<128x128xi32>
    %sign3A_27 = arith.constant 0 : i32
    %sign3A_28 = vector.broadcast %sign3A_27 : i32 to vector<128x128xi32>
    %sign3A_29 = arith.cmpi sgt, %iota3A_23, %sign3A_28 : vector<128x128xi32>
    %sign3A_30 = arith.extui %sign3A_29 : vector<128x128xi1> to vector<128x128xi32>
    %sign3A_31 = arith.constant 0 : i32
    %sign3A_32 = vector.broadcast %sign3A_31 : i32 to vector<128x128xi32>
    %sign3A_33 = arith.cmpi slt, %iota3A_23, %sign3A_32 : vector<128x128xi32>
    %sign3A_34 = arith.extui %sign3A_33 : vector<128x128xi1> to vector<128x128xi32>
    %sign3A_35 = arith.subi %sign3A_30, %sign3A_34 : vector<128x128xi32>
    %sign3A_36 = arith.constant 0 : i32
    %sign3A_37 = arith.cmpi sgt, %jit3A_24, %sign3A_36 : i32
    %sign3A_38 = arith.extui %sign3A_37 : i1 to i32
    %sign3A_39 = arith.constant 0 : i32
    %sign3A_40 = arith.cmpi slt, %jit3A_24, %sign3A_39 : i32
    %sign3A_41 = arith.extui %sign3A_40 : i1 to i32
    %sign3A_42 = arith.subi %sign3A_38, %sign3A_41 : i32
    %ne3A_43 = vector.broadcast %sign3A_42 : i32 to vector<128x128xi32>
    %ne3A_44 = arith.cmpi ne, %sign3A_35, %ne3A_43 : vector<128x128xi32>
    %rem3A_45 = vector.broadcast %jit3A_24 : i32 to vector<128x128xi32>
    %rem3A_46 = arith.remsi %iota3A_23, %rem3A_45 : vector<128x128xi32>
    %ne3A_47 = arith.constant 0 : i32
    %ne3A_48 = vector.broadcast %ne3A_47 : i32 to vector<128x128xi32>
    %ne3A_49 = arith.cmpi ne, %rem3A_46, %ne3A_48 : vector<128x128xi32>
    %and3A_50 = arith.andi %ne3A_44, %ne3A_49 : vector<128x128xi1>
    %sub3A_51 = arith.constant 1 : i32
    %sub3A_52 = vector.broadcast %sub3A_51 : i32 to vector<128x128xi32>
    %sub3A_53 = arith.subi %div3A_26, %sub3A_52 : vector<128x128xi32>
    %select_n3A_54 = arith.select %and3A_50, %sub3A_53, %div3A_26 : vector<128x128xi1>, vector<128x128xi32>
    %eq3A = arith.cmpi eq, %select_n3A, %select_n3A_54 : vector<128x128xi32>
    %convert_element_type3A = arith.extui %eq3A : vector<128x128xi1> to vector<128x128xi32>
    %convert_element_type3A_55 = arith.sitofp %convert_element_type3A : vector<128x128xi32> to vector<128x128xf32>
    %convert_element_type3A_56 = arith.truncf %convert_element_type3A_55 : vector<128x128xf32> to vector<128x128xbf16>
    %get3A = arith.constant 0 : index
    %get3A_57 = arith.constant 0 : index
    %get3A_58 = arith.constant 0 : index
    %get3A_59 = vector.load %arg1[%get3A, %get3A_57, %get3A_58] : memref<16x256x128xf32, #tpu.memory_space<vmem>>, vector<16x256x128xf32>
    %reshape3A = vector.shape_cast %get3A_59 : vector<16x256x128xf32> to vector<4096x128xf32>
    %get3A_60 = arith.constant 0 : index
    %get3A_61 = arith.constant 0 : index
    %get3A_62 = vector.load %arg2[%get3A_60, %get3A_61] : memref<256x128xf32, #tpu.memory_space<vmem>>, vector<256x128xf32>
    %get3A_63 = arith.constant 0 : index
    %get3A_64 = arith.constant 0 : index
    %get3A_65 = vector.load %arg3[%get3A_63, %get3A_64] : memref<16x128xf32, #tpu.memory_space<vmem>>, vector<16x128xf32>
    %get3A_66 = arith.constant 0 : index
    %get3A_67 = arith.constant 0 : index
    %get3A_68 = vector.load %arg4[%get3A_66, %get3A_67] : memref<128x128xf32, #tpu.memory_space<vmem>>, vector<128x128xf32>
    %get3A_69 = arith.constant 0 : index
    %get3A_70 = arith.constant 0 : index
    %get3A_71 = vector.load %arg5[%get3A_69, %get3A_70] : memref<128x128xf32, #tpu.memory_space<vmem>>, vector<128x128xf32>
    %get3A_72 = arith.constant 0 : index
    %get3A_73 = arith.constant 0 : index
    %get3A_74 = vector.load %arg6[%get3A_72, %get3A_73] : memref<128x128xf32, #tpu.memory_space<vmem>>, vector<128x128xf32>
    %get3A_75 = arith.constant 0 : index
    %get3A_76 = arith.constant 0 : index
    %get3A_77 = vector.load %arg7[%get3A_75, %get3A_76] : memref<128x128xf32, #tpu.memory_space<vmem>>, vector<128x128xf32>
    %dot_general3A = arith.constant dense<0.000000e+00> : vector<256x128xf32>
    %dot_general3A_78 = tpu.matmul %get3A_62, %get3A_68, %dot_general3A {dimension_numbers = #tpu.dot_dimension_numbers<[1], [1], [0], [0], [0, 0, 1, 0], [], []>, transpose_lhs_hint = false} : vector<256x128xf32>, vector<128x128xf32>, vector<256x128xf32> -> vector<256x128xf32>
    %mul3A = arith.constant 2.500000e-01 : f32
    %mul3A_79 = vector.broadcast %mul3A : f32 to vector<256x128xf32>
    %mul3A_80 = arith.mulf %dot_general3A_78, %mul3A_79 : vector<256x128xf32>
    %convert_element_type3A_81 = arith.truncf %reshape3A : vector<4096x128xf32> to vector<4096x128xbf16>
    %convert_element_type3A_82 = arith.truncf %get3A_71 : vector<128x128xf32> to vector<128x128xbf16>
    %dot_general3A_83 = arith.constant dense<0.000000e+00> : vector<4096x128xf32>
    %dot_general3A_84 = tpu.matmul %convert_element_type3A_81, %convert_element_type3A_82, %dot_general3A_83 {dimension_numbers = #tpu.dot_dimension_numbers<[1], [1], [0], [0], [0, 0, 1, 0], [], []>, transpose_lhs_hint = false} : vector<4096x128xbf16>, vector<128x128xbf16>, vector<4096x128xf32> -> vector<4096x128xf32>
    %convert_element_type3A_85 = arith.truncf %get3A_74 : vector<128x128xf32> to vector<128x128xbf16>
    %dot_general3A_86 = arith.constant dense<0.000000e+00> : vector<4096x128xf32>
    %dot_general3A_87 = tpu.matmul %convert_element_type3A_81, %convert_element_type3A_85, %dot_general3A_86 {dimension_numbers = #tpu.dot_dimension_numbers<[1], [1], [0], [0], [0, 0, 1, 0], [], []>, transpose_lhs_hint = false} : vector<4096x128xbf16>, vector<128x128xbf16>, vector<4096x128xf32> -> vector<4096x128xf32>
    %reshape3A_88 = vector.shape_cast %dot_general3A_84 : vector<4096x128xf32> to vector<16x256x128xf32>
    %broadcast_in_dim3A = vector.shape_cast %mul3A_80 : vector<256x128xf32> to vector<1x256x128xf32>
    %mul3A_89 = vector.broadcast %broadcast_in_dim3A : vector<1x256x128xf32> to vector<16x256x128xf32>
    %mul3A_90 = arith.mulf %reshape3A_88, %mul3A_89 : vector<16x256x128xf32>
    %reshape3A_91 = vector.shape_cast %mul3A_90 : vector<16x256x128xf32> to vector<4096x128xf32>
    %convert_element_type3A_92 = arith.truncf %reshape3A_91 : vector<4096x128xf32> to vector<4096x128xbf16>
    %dot_general3A_93 = arith.constant dense<0.000000e+00> : vector<4096x128xf32>
    %dot_general3A_94 = tpu.matmul %convert_element_type3A_92, %convert_element_type3A_56, %dot_general3A_93 {dimension_numbers = #tpu.dot_dimension_numbers<[1], [0], [0], [1], [0, 0, 1, 1], [], []>, transpose_lhs_hint = false} : vector<4096x128xbf16>, vector<128x128xbf16>, vector<4096x128xf32> -> vector<4096x128xf32>
    %reshape3A_95 = vector.shape_cast %dot_general3A_94 : vector<4096x128xf32> to vector<16x256x128xf32>
    %exp3A = math.exp %reshape3A_95 : vector<16x256x128xf32>
    %reduce_sum3A = arith.constant dense<0.000000e+00> : vector<256x128xf32>
    %reduce_sum3A_96 = vector.multi_reduction <add>, %exp3A, %reduce_sum3A [0] : vector<16x256x128xf32> to vector<256x128xf32>
    %reshape3A_97 = vector.shape_cast %dot_general3A_87 : vector<4096x128xf32> to vector<16x256x128xf32>
    %mul3A_98 = arith.mulf %exp3A, %reshape3A_97 : vector<16x256x128xf32>
    %reduce_sum3A_99 = arith.constant dense<0.000000e+00> : vector<256x128xf32>
    %reduce_sum3A_100 = vector.multi_reduction <add>, %mul3A_98, %reduce_sum3A_99 [0] : vector<16x256x128xf32> to vector<256x128xf32>
    %div3A_101 = arith.divf %reduce_sum3A_100, %reduce_sum3A_96 : vector<256x128xf32>
    %dot_general3A_102 = arith.constant dense<0.000000e+00> : vector<256x128xf32>
    %dot_general3A_103 = tpu.matmul %get3A_62, %get3A_77, %dot_general3A_102 {dimension_numbers = #tpu.dot_dimension_numbers<[1], [1], [0], [0], [0, 0, 1, 0], [], []>, transpose_lhs_hint = false} : vector<256x128xf32>, vector<128x128xf32>, vector<256x128xf32> -> vector<256x128xf32>
    %add3A = arith.addf %dot_general3A_103, %div3A_101 : vector<256x128xf32>
    %max3A = arith.constant 0.000000e+00 : f32
    %max3A_104 = vector.broadcast %max3A : f32 to vector<256x128xf32>
    %max3A_105 = arith.maximumf %add3A, %max3A_104 : vector<256x128xf32>
    %get3A_106 = arith.constant 0 : index
    %get3A_107 = arith.constant 0 : index
    %get3A_108 = vector.load %arg8[%get3A_106, %get3A_107] : memref<128x128xf32, #tpu.memory_space<vmem>>, vector<128x128xf32>
    %get3A_109 = arith.constant 0 : index
    %get3A_110 = arith.constant 0 : index
    %get3A_111 = vector.load %arg9[%get3A_109, %get3A_110] : memref<128x128xf32, #tpu.memory_space<vmem>>, vector<128x128xf32>
    %get3A_112 = arith.constant 0 : index
    %get3A_113 = arith.constant 0 : index
    %get3A_114 = vector.load %arg10[%get3A_112, %get3A_113] : memref<128x128xf32, #tpu.memory_space<vmem>>, vector<128x128xf32>
    %get3A_115 = arith.constant 0 : index
    %get3A_116 = arith.constant 0 : index
    %get3A_117 = vector.load %arg11[%get3A_115, %get3A_116] : memref<128x128xf32, #tpu.memory_space<vmem>>, vector<128x128xf32>
    %dot_general3A_118 = arith.constant dense<0.000000e+00> : vector<16x128xf32>
    %dot_general3A_119 = tpu.matmul %get3A_65, %get3A_108, %dot_general3A_118 {dimension_numbers = #tpu.dot_dimension_numbers<[1], [1], [0], [0], [0, 0, 1, 0], [], []>, transpose_lhs_hint = false} : vector<16x128xf32>, vector<128x128xf32>, vector<16x128xf32> -> vector<16x128xf32>
    %mul3A_120 = arith.constant 2.500000e-01 : f32
    %mul3A_121 = vector.broadcast %mul3A_120 : f32 to vector<16x128xf32>
    %mul3A_122 = arith.mulf %dot_general3A_119, %mul3A_121 : vector<16x128xf32>
    %convert_element_type3A_123 = arith.truncf %max3A_105 : vector<256x128xf32> to vector<256x128xbf16>
    %convert_element_type3A_124 = arith.truncf %get3A_111 : vector<128x128xf32> to vector<128x128xbf16>
    %dot_general3A_125 = arith.constant dense<0.000000e+00> : vector<256x128xf32>
    %dot_general3A_126 = tpu.matmul %convert_element_type3A_123, %convert_element_type3A_124, %dot_general3A_125 {dimension_numbers = #tpu.dot_dimension_numbers<[1], [1], [0], [0], [0, 0, 1, 0], [], []>, transpose_lhs_hint = false} : vector<256x128xbf16>, vector<128x128xbf16>, vector<256x128xf32> -> vector<256x128xf32>
    %convert_element_type3A_127 = arith.truncf %get3A_114 : vector<128x128xf32> to vector<128x128xbf16>
    %dot_general3A_128 = arith.constant dense<0.000000e+00> : vector<256x128xf32>
    %dot_general3A_129 = tpu.matmul %convert_element_type3A_123, %convert_element_type3A_127, %dot_general3A_128 {dimension_numbers = #tpu.dot_dimension_numbers<[1], [1], [0], [0], [0, 0, 1, 0], [], []>, transpose_lhs_hint = false} : vector<256x128xbf16>, vector<128x128xbf16>, vector<256x128xf32> -> vector<256x128xf32>
    %reshape3A_130 = vector.shape_cast %dot_general3A_126 : vector<256x128xf32> to vector<16x16x128xf32>
    %broadcast_in_dim3A_131 = vector.shape_cast %mul3A_122 : vector<16x128xf32> to vector<16x1x128xf32>
    %mul3A_132 = vector.broadcast %broadcast_in_dim3A_131 : vector<16x1x128xf32> to vector<16x16x128xf32>
    %mul3A_133 = arith.mulf %reshape3A_130, %mul3A_132 : vector<16x16x128xf32>
    %reshape3A_134 = vector.shape_cast %mul3A_133 : vector<16x16x128xf32> to vector<256x128xf32>
    %convert_element_type3A_135 = arith.truncf %reshape3A_134 : vector<256x128xf32> to vector<256x128xbf16>
    %dot_general3A_136 = arith.constant dense<0.000000e+00> : vector<256x128xf32>
    %dot_general3A_137 = tpu.matmul %convert_element_type3A_135, %convert_element_type3A_56, %dot_general3A_136 {dimension_numbers = #tpu.dot_dimension_numbers<[1], [0], [0], [1], [0, 0, 1, 1], [], []>, transpose_lhs_hint = false} : vector<256x128xbf16>, vector<128x128xbf16>, vector<256x128xf32> -> vector<256x128xf32>
    %reshape3A_138 = vector.shape_cast %dot_general3A_137 : vector<256x128xf32> to vector<16x16x128xf32>
    %exp3A_139 = math.exp %reshape3A_138 : vector<16x16x128xf32>
    %reduce_sum3A_140 = arith.constant dense<0.000000e+00> : vector<16x128xf32>
    %reduce_sum3A_141 = vector.multi_reduction <add>, %exp3A_139, %reduce_sum3A_140 [1] : vector<16x16x128xf32> to vector<16x128xf32>
    %reshape3A_142 = vector.shape_cast %dot_general3A_129 : vector<256x128xf32> to vector<16x16x128xf32>
    %mul3A_143 = arith.mulf %exp3A_139, %reshape3A_142 : vector<16x16x128xf32>
    %reduce_sum3A_144 = arith.constant dense<0.000000e+00> : vector<16x128xf32>
    %reduce_sum3A_145 = vector.multi_reduction <add>, %mul3A_143, %reduce_sum3A_144 [1] : vector<16x16x128xf32> to vector<16x128xf32>
    %div3A_146 = arith.divf %reduce_sum3A_145, %reduce_sum3A_141 : vector<16x128xf32>
    %dot_general3A_147 = arith.constant dense<0.000000e+00> : vector<16x128xf32>
    %dot_general3A_148 = tpu.matmul %get3A_65, %get3A_117, %dot_general3A_147 {dimension_numbers = #tpu.dot_dimension_numbers<[1], [1], [0], [0], [0, 0, 1, 0], [], []>, transpose_lhs_hint = false} : vector<16x128xf32>, vector<128x128xf32>, vector<16x128xf32> -> vector<16x128xf32>
    %add3A_149 = arith.addf %dot_general3A_148, %div3A_146 : vector<16x128xf32>
    %max3A_150 = arith.constant 0.000000e+00 : f32
    %max3A_151 = vector.broadcast %max3A_150 : f32 to vector<16x128xf32>
    %max3A_152 = arith.maximumf %add3A_149, %max3A_151 : vector<16x128xf32>
    %swap3A = arith.constant 0 : index
    %swap3A_153 = arith.constant 0 : index
    %swap3A_154 = vector.load %arg12[%swap3A, %swap3A_153] : memref<16x128xf32, #tpu.memory_space<vmem>>, vector<16x128xf32>
    tpu.vector_store %arg12[%swap3A, %swap3A_153], %max3A_152 {strides = array<i32>} : memref<16x128xf32, #tpu.memory_space<vmem>>, vector<16x128xf32>,
    return
  }
  func.func @transform_0(%arg0: i32) -> (i32, i32, i32) {
    %c0_i32 = arith.constant 0 : i32
    %c0_i32_0 = arith.constant 0 : i32
    %c0_i32_1 = arith.constant 0 : i32
    return %c0_i32, %arg0, %c0_i32_0 : i32, i32, i32
  }
  func.func @transform_1(%arg0: i32) -> (i32, i32) {
    %add3A = arith.constant 64 : i32
    %add3A_0 = arith.addi %arg0, %add3A : i32
    %c0_i32 = arith.constant 0 : i32
    %c0_i32_1 = arith.constant 0 : i32
    return %add3A_0, %c0_i32 : i32, i32
  }
  func.func @transform_2(%arg0: i32) -> (i32, i32) {
    %add3A = arith.constant 2112 : i32
    %add3A_0 = arith.addi %arg0, %add3A : i32
    %c0_i32 = arith.constant 0 : i32
    %c0_i32_1 = arith.constant 0 : i32
    return %add3A_0, %c0_i32 : i32, i32
  }
  func.func @transform_3(%arg0: i32) -> (i32, i32) {
    %c0_i32 = arith.constant 0 : i32
    %c0_i32_0 = arith.constant 0 : i32
    %c0_i32_1 = arith.constant 0 : i32
    return %c0_i32, %c0_i32_0 : i32, i32
  }
  func.func @transform_4(%arg0: i32) -> (i32, i32) {
    %c0_i32 = arith.constant 0 : i32
    %c0_i32_0 = arith.constant 0 : i32
    %c0_i32_1 = arith.constant 0 : i32
    return %c0_i32, %c0_i32_0 : i32, i32
  }
  func.func @transform_5(%arg0: i32) -> (i32, i32) {
    %c0_i32 = arith.constant 0 : i32
    %c0_i32_0 = arith.constant 0 : i32
    %c0_i32_1 = arith.constant 0 : i32
    return %c0_i32, %c0_i32_0 : i32, i32
  }
  func.func @transform_6(%arg0: i32) -> (i32, i32) {
    %c0_i32 = arith.constant 0 : i32
    %c0_i32_0 = arith.constant 0 : i32
    %c0_i32_1 = arith.constant 0 : i32
    return %c0_i32, %c0_i32_0 : i32, i32
  }
  func.func @transform_7(%arg0: i32) -> (i32, i32) {
    %c0_i32 = arith.constant 0 : i32
    %c0_i32_0 = arith.constant 0 : i32
    %c0_i32_1 = arith.constant 0 : i32
    return %c0_i32, %c0_i32_0 : i32, i32
  }
  func.func @transform_8(%arg0: i32) -> (i32, i32) {
    %c0_i32 = arith.constant 0 : i32
    %c0_i32_0 = arith.constant 0 : i32
    %c0_i32_1 = arith.constant 0 : i32
    return %c0_i32, %c0_i32_0 : i32, i32
  }
  func.func @transform_9(%arg0: i32) -> (i32, i32) {
    %c0_i32 = arith.constant 0 : i32
    %c0_i32_0 = arith.constant 0 : i32
    %c0_i32_1 = arith.constant 0 : i32
    return %c0_i32, %c0_i32_0 : i32, i32
  }
  func.func @transform_10(%arg0: i32) -> (i32, i32) {
    %c0_i32 = arith.constant 0 : i32
    %c0_i32_0 = arith.constant 0 : i32
    %c0_i32_1 = arith.constant 0 : i32
    return %c0_i32, %c0_i32_0 : i32, i32
  }
  func.func @transform_11(%arg0: i32) -> (i32, i32) {
    %c0_i32 = arith.constant 0 : i32
    %c0_i32_0 = arith.constant 0 : i32
    return %arg0, %c0_i32 : i32, i32
  }
}

module attributes {stable_mosaic.version = 14 : i64} {
  func.func @_tc_gat_body(%arg0: i32, %arg1: memref<16x256x128xf32, #tpu.memory_space<vmem>>, %arg2: memref<256x128xf32, #tpu.memory_space<vmem>>, %arg3: memref<16x128xf32, #tpu.memory_space<vmem>>, %arg4: memref<128x128xf32, #tpu.memory_space<vmem>>, %arg5: memref<128x128xf32, #tpu.memory_space<vmem>>, %arg6: memref<128x128xf32, #tpu.memory_space<vmem>>, %arg7: memref<128x128xf32, #tpu.memory_space<vmem>>, %arg8: memref<128x128xf32, #tpu.memory_space<vmem>>, %arg9: memref<128x128xf32, #tpu.memory_space<vmem>>, %arg10: memref<128x128xf32, #tpu.memory_space<vmem>>, %arg11: memref<128x128xf32, #tpu.memory_space<vmem>>, %arg12: memref<16x128xf32, #tpu.memory_space<vmem>>) attributes {dimension_semantics = [#tpu.dimension_semantics<arbitrary>], iteration_bounds = array<i64: 32>, scalar_prefetch = 0 : i64, scratch_operands = 0 : i64, tpu.core_type = #tpu.core_type<tc>, window_params = [{transform_indices = @transform_0, window_bounds = array<i64: 16, 256, 128>}, {transform_indices = @transform_1, window_bounds = array<i64: 256, 128>}, {transform_indices = @transform_2, window_bounds = array<i64: 16, 128>}, {pipeline_mode = #tpu.pipeline_mode<synchronous>, transform_indices = @transform_3, window_bounds = array<i64: 128, 128>}, {pipeline_mode = #tpu.pipeline_mode<synchronous>, transform_indices = @transform_4, window_bounds = array<i64: 128, 128>}, {pipeline_mode = #tpu.pipeline_mode<synchronous>, transform_indices = @transform_5, window_bounds = array<i64: 128, 128>}, {pipeline_mode = #tpu.pipeline_mode<synchronous>, transform_indices = @transform_6, window_bounds = array<i64: 128, 128>}, {pipeline_mode = #tpu.pipeline_mode<synchronous>, transform_indices = @transform_7, window_bounds = array<i64: 128, 128>}, {pipeline_mode = #tpu.pipeline_mode<synchronous>, transform_indices = @transform_8, window_bounds = array<i64: 128, 128>}, {pipeline_mode = #tpu.pipeline_mode<synchronous>, transform_indices = @transform_9, window_bounds = array<i64: 128, 128>}, {pipeline_mode = #tpu.pipeline_mode<synchronous>, transform_indices = @transform_10, window_bounds = array<i64: 128, 128>}, {transform_indices = @transform_11, window_bounds = array<i64: 16, 128>}]} {
    %iota3A = tpu.iota {dimensions = array<i32: 0>} : vector<128x128xi32>
    %jit3A = arith.constant 16 : i32
    %div3A = vector.broadcast %jit3A : i32 to vector<128x128xi32>
    %div3A_0 = arith.divsi %iota3A, %div3A : vector<128x128xi32>
    %sign3A = arith.constant 0 : i32
    %sign3A_1 = vector.broadcast %sign3A : i32 to vector<128x128xi32>
    %sign3A_2 = arith.cmpi sgt, %iota3A, %sign3A_1 : vector<128x128xi32>
    %sign3A_3 = arith.extui %sign3A_2 : vector<128x128xi1> to vector<128x128xi32>
    %sign3A_4 = arith.constant 0 : i32
    %sign3A_5 = vector.broadcast %sign3A_4 : i32 to vector<128x128xi32>
    %sign3A_6 = arith.cmpi slt, %iota3A, %sign3A_5 : vector<128x128xi32>
    %sign3A_7 = arith.extui %sign3A_6 : vector<128x128xi1> to vector<128x128xi32>
    %sign3A_8 = arith.subi %sign3A_3, %sign3A_7 : vector<128x128xi32>
    %sign3A_9 = arith.constant 0 : i32
    %sign3A_10 = arith.cmpi sgt, %jit3A, %sign3A_9 : i32
    %sign3A_11 = arith.extui %sign3A_10 : i1 to i32
    %sign3A_12 = arith.constant 0 : i32
    %sign3A_13 = arith.cmpi slt, %jit3A, %sign3A_12 : i32
    %sign3A_14 = arith.extui %sign3A_13 : i1 to i32
    %sign3A_15 = arith.subi %sign3A_11, %sign3A_14 : i32
    %ne3A = vector.broadcast %sign3A_15 : i32 to vector<128x128xi32>
    %ne3A_16 = arith.cmpi ne, %sign3A_8, %ne3A : vector<128x128xi32>
    %rem3A = vector.broadcast %jit3A : i32 to vector<128x128xi32>
    %rem3A_17 = arith.remsi %iota3A, %rem3A : vector<128x128xi32>
    %ne3A_18 = arith.constant 0 : i32
    %ne3A_19 = vector.broadcast %ne3A_18 : i32 to vector<128x128xi32>
    %ne3A_20 = arith.cmpi ne, %rem3A_17, %ne3A_19 : vector<128x128xi32>
    %and3A = arith.andi %ne3A_16, %ne3A_20 : vector<128x128xi1>
    %sub3A = arith.constant 1 : i32
    %sub3A_21 = vector.broadcast %sub3A : i32 to vector<128x128xi32>
    %sub3A_22 = arith.subi %div3A_0, %sub3A_21 : vector<128x128xi32>
    %select_n3A = arith.select %and3A, %sub3A_22, %div3A_0 : vector<128x128xi1>, vector<128x128xi32>
    %iota3A_23 = tpu.iota {dimensions = array<i32: 1>} : vector<128x128xi32>
    %jit3A_24 = arith.constant 16 : i32
    %div3A_25 = vector.broadcast %jit3A_24 : i32 to vector<128x128xi32>
    %div3A_26 = arith.divsi %iota3A_23, %div3A_25 : vector<128x128xi32>
    %sign3A_27 = arith.constant 0 : i32
    %sign3A_28 = vector.broadcast %sign3A_27 : i32 to vector<128x128xi32>
    %sign3A_29 = arith.cmpi sgt, %iota3A_23, %sign3A_28 : vector<128x128xi32>
    %sign3A_30 = arith.extui %sign3A_29 : vector<128x128xi1> to vector<128x128xi32>
    %sign3A_31 = arith.constant 0 : i32
    %sign3A_32 = vector.broadcast %sign3A_31 : i32 to vector<128x128xi32>
    %sign3A_33 = arith.cmpi slt, %iota3A_23, %sign3A_32 : vector<128x128xi32>
    %sign3A_34 = arith.extui %sign3A_33 : vector<128x128xi1> to vector<128x128xi32>
    %sign3A_35 = arith.subi %sign3A_30, %sign3A_34 : vector<128x128xi32>
    %sign3A_36 = arith.constant 0 : i32
    %sign3A_37 = arith.cmpi sgt, %jit3A_24, %sign3A_36 : i32
    %sign3A_38 = arith.extui %sign3A_37 : i1 to i32
    %sign3A_39 = arith.constant 0 : i32
    %sign3A_40 = arith.cmpi slt, %jit3A_24, %sign3A_39 : i32
    %sign3A_41 = arith.extui %sign3A_40 : i1 to i32
    %sign3A_42 = arith.subi %sign3A_38, %sign3A_41 : i32
    %ne3A_43 = vector.broadcast %sign3A_42 : i32 to vector<128x128xi32>
    %ne3A_44 = arith.cmpi ne, %sign3A_35, %ne3A_43 : vector<128x128xi32>
    %rem3A_45 = vector.broadcast %jit3A_24 : i32 to vector<128x128xi32>
    %rem3A_46 = arith.remsi %iota3A_23, %rem3A_45 : vector<128x128xi32>
    %ne3A_47 = arith.constant 0 : i32
    %ne3A_48 = vector.broadcast %ne3A_47 : i32 to vector<128x128xi32>
    %ne3A_49 = arith.cmpi ne, %rem3A_46, %ne3A_48 : vector<128x128xi32>
    %and3A_50 = arith.andi %ne3A_44, %ne3A_49 : vector<128x128xi1>
    %sub3A_51 = arith.constant 1 : i32
    %sub3A_52 = vector.broadcast %sub3A_51 : i32 to vector<128x128xi32>
    %sub3A_53 = arith.subi %div3A_26, %sub3A_52 : vector<128x128xi32>
    %select_n3A_54 = arith.select %and3A_50, %sub3A_53, %div3A_26 : vector<128x128xi1>, vector<128x128xi32>
    %eq3A = arith.cmpi eq, %select_n3A, %select_n3A_54 : vector<128x128xi32>
    %convert_element_type3A = arith.extui %eq3A : vector<128x128xi1> to vector<128x128xi32>
    %convert_element_type3A_55 = arith.sitofp %convert_element_type3A : vector<128x128xi32> to vector<128x128xf32>
    %convert_element_type3A_56 = arith.truncf %convert_element_type3A_55 : vector<128x128xf32> to vector<128x128xbf16>
    %get3A = arith.constant 0 : index
    %get3A_57 = arith.constant 0 : index
    %get3A_58 = arith.constant 0 : index
    %get3A_59 = vector.load %arg1[%get3A, %get3A_57, %get3A_58] : memref<16x256x128xf32, #tpu.memory_space<vmem>>, vector<16x256x128xf32>
    %reshape3A = vector.shape_cast %get3A_59 : vector<16x256x128xf32> to vector<4096x128xf32>
    %get3A_60 = arith.constant 0 : index
    %get3A_61 = arith.constant 0 : index
    %get3A_62 = vector.load %arg2[%get3A_60, %get3A_61] : memref<256x128xf32, #tpu.memory_space<vmem>>, vector<256x128xf32>
    %get3A_63 = arith.constant 0 : index
    %get3A_64 = arith.constant 0 : index
    %get3A_65 = vector.load %arg3[%get3A_63, %get3A_64] : memref<16x128xf32, #tpu.memory_space<vmem>>, vector<16x128xf32>
    %get3A_66 = arith.constant 0 : index
    %get3A_67 = arith.constant 0 : index
    %get3A_68 = vector.load %arg4[%get3A_66, %get3A_67] : memref<128x128xf32, #tpu.memory_space<vmem>>, vector<128x128xf32>
    %get3A_69 = arith.constant 0 : index
    %get3A_70 = arith.constant 0 : index
    %get3A_71 = vector.load %arg5[%get3A_69, %get3A_70] : memref<128x128xf32, #tpu.memory_space<vmem>>, vector<128x128xf32>
    %get3A_72 = arith.constant 0 : index
    %get3A_73 = arith.constant 0 : index
    %get3A_74 = vector.load %arg6[%get3A_72, %get3A_73] : memref<128x128xf32, #tpu.memory_space<vmem>>, vector<128x128xf32>
    %get3A_75 = arith.constant 0 : index
    %get3A_76 = arith.constant 0 : index
    %get3A_77 = vector.load %arg7[%get3A_75, %get3A_76] : memref<128x128xf32, #tpu.memory_space<vmem>>, vector<128x128xf32>
    %dot_general3A = arith.constant dense<0.000000e+00> : vector<256x128xf32>
    %dot_general3A_78 = tpu.matmul %get3A_62, %get3A_68, %dot_general3A {dimension_numbers = #tpu.dot_dimension_numbers<[1], [1], [0], [0], [0, 0, 1, 0], [], []>, transpose_lhs_hint = false} : vector<256x128xf32>, vector<128x128xf32>, vector<256x128xf32> -> vector<256x128xf32>
    %mul3A = arith.constant 2.500000e-01 : f32
    %mul3A_79 = vector.broadcast %mul3A : f32 to vector<256x128xf32>
    %mul3A_80 = arith.mulf %dot_general3A_78, %mul3A_79 : vector<256x128xf32>
    %convert_element_type3A_81 = arith.truncf %reshape3A : vector<4096x128xf32> to vector<4096x128xbf16>
    %convert_element_type3A_82 = arith.truncf %get3A_71 : vector<128x128xf32> to vector<128x128xbf16>
    %dot_general3A_83 = arith.constant dense<0.000000e+00> : vector<4096x128xf32>
    %dot_general3A_84 = tpu.matmul %convert_element_type3A_81, %convert_element_type3A_82, %dot_general3A_83 {dimension_numbers = #tpu.dot_dimension_numbers<[1], [1], [0], [0], [0, 0, 1, 0], [], []>, transpose_lhs_hint = false} : vector<4096x128xbf16>, vector<128x128xbf16>, vector<4096x128xf32> -> vector<4096x128xf32>
    %convert_element_type3A_85 = arith.truncf %get3A_74 : vector<128x128xf32> to vector<128x128xbf16>
    %dot_general3A_86 = arith.constant dense<0.000000e+00> : vector<4096x128xf32>
    %dot_general3A_87 = tpu.matmul %convert_element_type3A_81, %convert_element_type3A_85, %dot_general3A_86 {dimension_numbers = #tpu.dot_dimension_numbers<[1], [1], [0], [0], [0, 0, 1, 0], [], []>, transpose_lhs_hint = false} : vector<4096x128xbf16>, vector<128x128xbf16>, vector<4096x128xf32> -> vector<4096x128xf32>
    %reshape3A_88 = vector.shape_cast %dot_general3A_84 : vector<4096x128xf32> to vector<16x256x128xf32>
    %broadcast_in_dim3A = vector.shape_cast %mul3A_80 : vector<256x128xf32> to vector<1x256x128xf32>
    %mul3A_89 = vector.broadcast %broadcast_in_dim3A : vector<1x256x128xf32> to vector<16x256x128xf32>
    %mul3A_90 = arith.mulf %reshape3A_88, %mul3A_89 : vector<16x256x128xf32>
    %reshape3A_91 = vector.shape_cast %mul3A_90 : vector<16x256x128xf32> to vector<4096x128xf32>
    %convert_element_type3A_92 = arith.truncf %reshape3A_91 : vector<4096x128xf32> to vector<4096x128xbf16>
    %dot_general3A_93 = arith.constant dense<0.000000e+00> : vector<4096x128xf32>
    %dot_general3A_94 = tpu.matmul %convert_element_type3A_92, %convert_element_type3A_56, %dot_general3A_93 {dimension_numbers = #tpu.dot_dimension_numbers<[1], [0], [0], [1], [0, 0, 1, 1], [], []>, transpose_lhs_hint = false} : vector<4096x128xbf16>, vector<128x128xbf16>, vector<4096x128xf32> -> vector<4096x128xf32>
    %reshape3A_95 = vector.shape_cast %dot_general3A_94 : vector<4096x128xf32> to vector<16x256x128xf32>
    %exp3A = math.exp %reshape3A_95 : vector<16x256x128xf32>
    %reduce_sum3A = arith.constant dense<0.000000e+00> : vector<256x128xf32>
    %reduce_sum3A_96 = vector.multi_reduction <add>, %exp3A, %reduce_sum3A [0] : vector<16x256x128xf32> to vector<256x128xf32>
    %reshape3A_97 = vector.shape_cast %dot_general3A_87 : vector<4096x128xf32> to vector<16x256x128xf32>
    %mul3A_98 = arith.mulf %exp3A, %reshape3A_97 : vector<16x256x128xf32>
    %reduce_sum3A_99 = arith.constant dense<0.000000e+00> : vector<256x128xf32>
    %reduce_sum3A_100 = vector.multi_reduction <add>, %mul3A_98, %reduce_sum3A_99 [0] : vector<16x256x128xf32> to vector<256x128xf32>
    %div3A_101 = arith.divf %reduce_sum3A_100, %reduce_sum3A_96 : vector<256x128xf32>
    %dot_general3A_102 = arith.constant dense<0.000000e+00> : vector<256x128xf32>
    %dot_general3A_103 = tpu.matmul %get3A_62, %get3A_77, %dot_general3A_102 {dimension_numbers = #tpu.dot_dimension_numbers<[1], [1], [0], [0], [0, 0, 1, 0], [], []>, transpose_lhs_hint = false} : vector<256x128xf32>, vector<128x128xf32>, vector<256x128xf32> -> vector<256x128xf32>
    %add3A = arith.addf %dot_general3A_103, %div3A_101 : vector<256x128xf32>
    %max3A = arith.constant 0.000000e+00 : f32
    %max3A_104 = vector.broadcast %max3A : f32 to vector<256x128xf32>
    %max3A_105 = arith.maximumf %add3A, %max3A_104 : vector<256x128xf32>
    %get3A_106 = arith.constant 0 : index
    %get3A_107 = arith.constant 0 : index
    %get3A_108 = vector.load %arg8[%get3A_106, %get3A_107] : memref<128x128xf32, #tpu.memory_space<vmem>>, vector<128x128xf32>
    %get3A_109 = arith.constant 0 : index
    %get3A_110 = arith.constant 0 : index
    %get3A_111 = vector.load %arg9[%get3A_109, %get3A_110] : memref<128x128xf32, #tpu.memory_space<vmem>>, vector<128x128xf32>
    %get3A_112 = arith.constant 0 : index
    %get3A_113 = arith.constant 0 : index
    %get3A_114 = vector.load %arg10[%get3A_112, %get3A_113] : memref<128x128xf32, #tpu.memory_space<vmem>>, vector<128x128xf32>
    %get3A_115 = arith.constant 0 : index
    %get3A_116 = arith.constant 0 : index
    %get3A_117 = vector.load %arg11[%get3A_115, %get3A_116] : memref<128x128xf32, #tpu.memory_space<vmem>>, vector<128x128xf32>
    %dot_general3A_118 = arith.constant dense<0.000000e+00> : vector<16x128xf32>
    %dot_general3A_119 = tpu.matmul %get3A_65, %get3A_108, %dot_general3A_118 {dimension_numbers = #tpu.dot_dimension_numbers<[1], [1], [0], [0], [0, 0, 1, 0], [], []>, transpose_lhs_hint = false} : vector<16x128xf32>, vector<128x128xf32>, vector<16x128xf32> -> vector<16x128xf32>
    %mul3A_120 = arith.constant 2.500000e-01 : f32
    %mul3A_121 = vector.broadcast %mul3A_120 : f32 to vector<16x128xf32>
    %mul3A_122 = arith.mulf %dot_general3A_119, %mul3A_121 : vector<16x128xf32>
    %convert_element_type3A_123 = arith.truncf %max3A_105 : vector<256x128xf32> to vector<256x128xbf16>
    %convert_element_type3A_124 = arith.truncf %get3A_111 : vector<128x128xf32> to vector<128x128xbf16>
    %dot_general3A_125 = arith.constant dense<0.000000e+00> : vector<256x128xf32>
    %dot_general3A_126 = tpu.matmul %convert_element_type3A_123, %convert_element_type3A_124, %dot_general3A_125 {dimension_numbers = #tpu.dot_dimension_numbers<[1], [1], [0], [0], [0, 0, 1, 0], [], []>, transpose_lhs_hint = false} : vector<256x128xbf16>, vector<128x128xbf16>, vector<256x128xf32> -> vector<256x128xf32>
    %convert_element_type3A_127 = arith.truncf %get3A_114 : vector<128x128xf32> to vector<128x128xbf16>
    %dot_general3A_128 = arith.constant dense<0.000000e+00> : vector<256x128xf32>
    %dot_general3A_129 = tpu.matmul %convert_element_type3A_123, %convert_element_type3A_127, %dot_general3A_128 {dimension_numbers = #tpu.dot_dimension_numbers<[1], [1], [0], [0], [0, 0, 1, 0], [], []>, transpose_lhs_hint = false} : vector<256x128xbf16>, vector<128x128xbf16>, vector<256x128xf32> -> vector<256x128xf32>
    %reshape3A_130 = vector.shape_cast %dot_general3A_126 : vector<256x128xf32> to vector<16x16x128xf32>
    %broadcast_in_dim3A_131 = vector.shape_cast %mul3A_122 : vector<16x128xf32> to vector<16x1x128xf32>
    %mul3A_132 = vector.broadcast %broadcast_in_dim3A_131 : vector<16x1x128xf32> to vector<16x16x128xf32>
    %mul3A_133 = arith.mulf %reshape3A_130, %mul3A_132 : vector<16x16x128xf32>
    %reshape3A_134 = vector.shape_cast %mul3A_133 : vector<16x16x128xf32> to vector<256x128xf32>
    %convert_element_type3A_135 = arith.truncf %reshape3A_134 : vector<256x128xf32> to vector<256x128xbf16>
    %dot_general3A_136 = arith.constant dense<0.000000e+00> : vector<256x128xf32>
    %dot_general3A_137 = tpu.matmul %convert_element_type3A_135, %convert_element_type3A_56, %dot_general3A_136 {dimension_numbers = #tpu.dot_dimension_numbers<[1], [0], [0], [1], [0, 0, 1, 1], [], []>, transpose_lhs_hint = false} : vector<256x128xbf16>, vector<128x128xbf16>, vector<256x128xf32> -> vector<256x128xf32>
    %reshape3A_138 = vector.shape_cast %dot_general3A_137 : vector<256x128xf32> to vector<16x16x128xf32>
    %exp3A_139 = math.exp %reshape3A_138 : vector<16x16x128xf32>
    %reduce_sum3A_140 = arith.constant dense<0.000000e+00> : vector<16x128xf32>
    %reduce_sum3A_141 = vector.multi_reduction <add>, %exp3A_139, %reduce_sum3A_140 [1] : vector<16x16x128xf32> to vector<16x128xf32>
    %reshape3A_142 = vector.shape_cast %dot_general3A_129 : vector<256x128xf32> to vector<16x16x128xf32>
    %mul3A_143 = arith.mulf %exp3A_139, %reshape3A_142 : vector<16x16x128xf32>
    %reduce_sum3A_144 = arith.constant dense<0.000000e+00> : vector<16x128xf32>
    %reduce_sum3A_145 = vector.multi_reduction <add>, %mul3A_143, %reduce_sum3A_144 [1] : vector<16x16x128xf32> to vector<16x128xf32>
    %div3A_146 = arith.divf %reduce_sum3A_145, %reduce_sum3A_141 : vector<16x128xf32>
    %dot_general3A_147 = arith.constant dense<0.000000e+00> : vector<16x128xf32>
    %dot_general3A_148 = tpu.matmul %get3A_65, %get3A_117, %dot_general3A_147 {dimension_numbers = #tpu.dot_dimension_numbers<[1], [1], [0], [0], [0, 0, 1, 0], [], []>, transpose_lhs_hint = false} : vector<16x128xf32>, vector<128x128xf32>, vector<16x128xf32> -> vector<16x128xf32>
    %add3A_149 = arith.addf %dot_general3A_148, %div3A_146 : vector<16x128xf32>
    %max3A_150 = arith.constant 0.000000e+00 : f32
    %max3A_151 = vector.broadcast %max3A_150 : f32 to vector<16x128xf32>
    %max3A_152 = arith.maximumf %add3A_149, %max3A_151 : vector<16x128xf32>
    %swap3A = arith.constant 0 : index
    %swap3A_153 = arith.constant 0 : index
    %swap3A_154 = vector.load %arg12[%swap3A, %swap3A_153] : memref<16x128xf32, #tpu.memory_space<vmem>>, vector<16x128xf32>
    tpu.vector_store %arg12[%swap3A, %swap3A_153], %max3A_152 {strides = array<i32>} : memref<16x128xf32, #tpu.memory_space<vmem>>, vector<16x128xf32>,
    return
  }
  func.func @transform_0(%arg0: i32) -> (i32, i32, i32) {
    %c0_i32 = arith.constant 0 : i32
    %c0_i32_0 = arith.constant 0 : i32
    %c0_i32_1 = arith.constant 0 : i32
    return %c0_i32, %arg0, %c0_i32_0 : i32, i32, i32
  }
  func.func @transform_1(%arg0: i32) -> (i32, i32) {
    %add3A = arith.constant 32 : i32
    %add3A_0 = arith.addi %arg0, %add3A : i32
    %c0_i32 = arith.constant 0 : i32
    %c0_i32_1 = arith.constant 0 : i32
    return %add3A_0, %c0_i32 : i32, i32
  }
  func.func @transform_2(%arg0: i32) -> (i32, i32) {
    %add3A = arith.constant 2080 : i32
    %add3A_0 = arith.addi %arg0, %add3A : i32
    %c0_i32 = arith.constant 0 : i32
    %c0_i32_1 = arith.constant 0 : i32
    return %add3A_0, %c0_i32 : i32, i32
  }
  func.func @transform_3(%arg0: i32) -> (i32, i32) {
    %c0_i32 = arith.constant 0 : i32
    %c0_i32_0 = arith.constant 0 : i32
    %c0_i32_1 = arith.constant 0 : i32
    return %c0_i32, %c0_i32_0 : i32, i32
  }
  func.func @transform_4(%arg0: i32) -> (i32, i32) {
    %c0_i32 = arith.constant 0 : i32
    %c0_i32_0 = arith.constant 0 : i32
    %c0_i32_1 = arith.constant 0 : i32
    return %c0_i32, %c0_i32_0 : i32, i32
  }
  func.func @transform_5(%arg0: i32) -> (i32, i32) {
    %c0_i32 = arith.constant 0 : i32
    %c0_i32_0 = arith.constant 0 : i32
    %c0_i32_1 = arith.constant 0 : i32
    return %c0_i32, %c0_i32_0 : i32, i32
  }
  func.func @transform_6(%arg0: i32) -> (i32, i32) {
    %c0_i32 = arith.constant 0 : i32
    %c0_i32_0 = arith.constant 0 : i32
    %c0_i32_1 = arith.constant 0 : i32
    return %c0_i32, %c0_i32_0 : i32, i32
  }
  func.func @transform_7(%arg0: i32) -> (i32, i32) {
    %c0_i32 = arith.constant 0 : i32
    %c0_i32_0 = arith.constant 0 : i32
    %c0_i32_1 = arith.constant 0 : i32
    return %c0_i32, %c0_i32_0 : i32, i32
  }
  func.func @transform_8(%arg0: i32) -> (i32, i32) {
    %c0_i32 = arith.constant 0 : i32
    %c0_i32_0 = arith.constant 0 : i32
    %c0_i32_1 = arith.constant 0 : i32
    return %c0_i32, %c0_i32_0 : i32, i32
  }
  func.func @transform_9(%arg0: i32) -> (i32, i32) {
    %c0_i32 = arith.constant 0 : i32
    %c0_i32_0 = arith.constant 0 : i32
    %c0_i32_1 = arith.constant 0 : i32
    return %c0_i32, %c0_i32_0 : i32, i32
  }
  func.func @transform_10(%arg0: i32) -> (i32, i32) {
    %c0_i32 = arith.constant 0 : i32
    %c0_i32_0 = arith.constant 0 : i32
    %c0_i32_1 = arith.constant 0 : i32
    return %c0_i32, %c0_i32_0 : i32, i32
  }
  func.func @transform_11(%arg0: i32) -> (i32, i32) {
    %c0_i32 = arith.constant 0 : i32
    %c0_i32_0 = arith.constant 0 : i32
    return %arg0, %c0_i32 : i32, i32
  }
}

module attributes {stable_mosaic.version = 14 : i64} {
  func.func @_tc_gat_body(%arg0: i32, %arg1: memref<16x256x128xf32, #tpu.memory_space<vmem>>, %arg2: memref<256x128xf32, #tpu.memory_space<vmem>>, %arg3: memref<16x128xf32, #tpu.memory_space<vmem>>, %arg4: memref<128x128xf32, #tpu.memory_space<vmem>>, %arg5: memref<128x128xf32, #tpu.memory_space<vmem>>, %arg6: memref<128x128xf32, #tpu.memory_space<vmem>>, %arg7: memref<128x128xf32, #tpu.memory_space<vmem>>, %arg8: memref<128x128xf32, #tpu.memory_space<vmem>>, %arg9: memref<128x128xf32, #tpu.memory_space<vmem>>, %arg10: memref<128x128xf32, #tpu.memory_space<vmem>>, %arg11: memref<128x128xf32, #tpu.memory_space<vmem>>, %arg12: memref<16x128xf32, #tpu.memory_space<vmem>>) attributes {dimension_semantics = [#tpu.dimension_semantics<arbitrary>], iteration_bounds = array<i64: 32>, scalar_prefetch = 0 : i64, scratch_operands = 0 : i64, tpu.core_type = #tpu.core_type<tc>, window_params = [{transform_indices = @transform_0, window_bounds = array<i64: 16, 256, 128>}, {transform_indices = @transform_1, window_bounds = array<i64: 256, 128>}, {transform_indices = @transform_2, window_bounds = array<i64: 16, 128>}, {pipeline_mode = #tpu.pipeline_mode<synchronous>, transform_indices = @transform_3, window_bounds = array<i64: 128, 128>}, {pipeline_mode = #tpu.pipeline_mode<synchronous>, transform_indices = @transform_4, window_bounds = array<i64: 128, 128>}, {pipeline_mode = #tpu.pipeline_mode<synchronous>, transform_indices = @transform_5, window_bounds = array<i64: 128, 128>}, {pipeline_mode = #tpu.pipeline_mode<synchronous>, transform_indices = @transform_6, window_bounds = array<i64: 128, 128>}, {pipeline_mode = #tpu.pipeline_mode<synchronous>, transform_indices = @transform_7, window_bounds = array<i64: 128, 128>}, {pipeline_mode = #tpu.pipeline_mode<synchronous>, transform_indices = @transform_8, window_bounds = array<i64: 128, 128>}, {pipeline_mode = #tpu.pipeline_mode<synchronous>, transform_indices = @transform_9, window_bounds = array<i64: 128, 128>}, {pipeline_mode = #tpu.pipeline_mode<synchronous>, transform_indices = @transform_10, window_bounds = array<i64: 128, 128>}, {transform_indices = @transform_11, window_bounds = array<i64: 16, 128>}]} {
    %iota3A = tpu.iota {dimensions = array<i32: 0>} : vector<128x128xi32>
    %jit3A = arith.constant 16 : i32
    %div3A = vector.broadcast %jit3A : i32 to vector<128x128xi32>
    %div3A_0 = arith.divsi %iota3A, %div3A : vector<128x128xi32>
    %sign3A = arith.constant 0 : i32
    %sign3A_1 = vector.broadcast %sign3A : i32 to vector<128x128xi32>
    %sign3A_2 = arith.cmpi sgt, %iota3A, %sign3A_1 : vector<128x128xi32>
    %sign3A_3 = arith.extui %sign3A_2 : vector<128x128xi1> to vector<128x128xi32>
    %sign3A_4 = arith.constant 0 : i32
    %sign3A_5 = vector.broadcast %sign3A_4 : i32 to vector<128x128xi32>
    %sign3A_6 = arith.cmpi slt, %iota3A, %sign3A_5 : vector<128x128xi32>
    %sign3A_7 = arith.extui %sign3A_6 : vector<128x128xi1> to vector<128x128xi32>
    %sign3A_8 = arith.subi %sign3A_3, %sign3A_7 : vector<128x128xi32>
    %sign3A_9 = arith.constant 0 : i32
    %sign3A_10 = arith.cmpi sgt, %jit3A, %sign3A_9 : i32
    %sign3A_11 = arith.extui %sign3A_10 : i1 to i32
    %sign3A_12 = arith.constant 0 : i32
    %sign3A_13 = arith.cmpi slt, %jit3A, %sign3A_12 : i32
    %sign3A_14 = arith.extui %sign3A_13 : i1 to i32
    %sign3A_15 = arith.subi %sign3A_11, %sign3A_14 : i32
    %ne3A = vector.broadcast %sign3A_15 : i32 to vector<128x128xi32>
    %ne3A_16 = arith.cmpi ne, %sign3A_8, %ne3A : vector<128x128xi32>
    %rem3A = vector.broadcast %jit3A : i32 to vector<128x128xi32>
    %rem3A_17 = arith.remsi %iota3A, %rem3A : vector<128x128xi32>
    %ne3A_18 = arith.constant 0 : i32
    %ne3A_19 = vector.broadcast %ne3A_18 : i32 to vector<128x128xi32>
    %ne3A_20 = arith.cmpi ne, %rem3A_17, %ne3A_19 : vector<128x128xi32>
    %and3A = arith.andi %ne3A_16, %ne3A_20 : vector<128x128xi1>
    %sub3A = arith.constant 1 : i32
    %sub3A_21 = vector.broadcast %sub3A : i32 to vector<128x128xi32>
    %sub3A_22 = arith.subi %div3A_0, %sub3A_21 : vector<128x128xi32>
    %select_n3A = arith.select %and3A, %sub3A_22, %div3A_0 : vector<128x128xi1>, vector<128x128xi32>
    %iota3A_23 = tpu.iota {dimensions = array<i32: 1>} : vector<128x128xi32>
    %jit3A_24 = arith.constant 16 : i32
    %div3A_25 = vector.broadcast %jit3A_24 : i32 to vector<128x128xi32>
    %div3A_26 = arith.divsi %iota3A_23, %div3A_25 : vector<128x128xi32>
    %sign3A_27 = arith.constant 0 : i32
    %sign3A_28 = vector.broadcast %sign3A_27 : i32 to vector<128x128xi32>
    %sign3A_29 = arith.cmpi sgt, %iota3A_23, %sign3A_28 : vector<128x128xi32>
    %sign3A_30 = arith.extui %sign3A_29 : vector<128x128xi1> to vector<128x128xi32>
    %sign3A_31 = arith.constant 0 : i32
    %sign3A_32 = vector.broadcast %sign3A_31 : i32 to vector<128x128xi32>
    %sign3A_33 = arith.cmpi slt, %iota3A_23, %sign3A_32 : vector<128x128xi32>
    %sign3A_34 = arith.extui %sign3A_33 : vector<128x128xi1> to vector<128x128xi32>
    %sign3A_35 = arith.subi %sign3A_30, %sign3A_34 : vector<128x128xi32>
    %sign3A_36 = arith.constant 0 : i32
    %sign3A_37 = arith.cmpi sgt, %jit3A_24, %sign3A_36 : i32
    %sign3A_38 = arith.extui %sign3A_37 : i1 to i32
    %sign3A_39 = arith.constant 0 : i32
    %sign3A_40 = arith.cmpi slt, %jit3A_24, %sign3A_39 : i32
    %sign3A_41 = arith.extui %sign3A_40 : i1 to i32
    %sign3A_42 = arith.subi %sign3A_38, %sign3A_41 : i32
    %ne3A_43 = vector.broadcast %sign3A_42 : i32 to vector<128x128xi32>
    %ne3A_44 = arith.cmpi ne, %sign3A_35, %ne3A_43 : vector<128x128xi32>
    %rem3A_45 = vector.broadcast %jit3A_24 : i32 to vector<128x128xi32>
    %rem3A_46 = arith.remsi %iota3A_23, %rem3A_45 : vector<128x128xi32>
    %ne3A_47 = arith.constant 0 : i32
    %ne3A_48 = vector.broadcast %ne3A_47 : i32 to vector<128x128xi32>
    %ne3A_49 = arith.cmpi ne, %rem3A_46, %ne3A_48 : vector<128x128xi32>
    %and3A_50 = arith.andi %ne3A_44, %ne3A_49 : vector<128x128xi1>
    %sub3A_51 = arith.constant 1 : i32
    %sub3A_52 = vector.broadcast %sub3A_51 : i32 to vector<128x128xi32>
    %sub3A_53 = arith.subi %div3A_26, %sub3A_52 : vector<128x128xi32>
    %select_n3A_54 = arith.select %and3A_50, %sub3A_53, %div3A_26 : vector<128x128xi1>, vector<128x128xi32>
    %eq3A = arith.cmpi eq, %select_n3A, %select_n3A_54 : vector<128x128xi32>
    %convert_element_type3A = arith.extui %eq3A : vector<128x128xi1> to vector<128x128xi32>
    %convert_element_type3A_55 = arith.sitofp %convert_element_type3A : vector<128x128xi32> to vector<128x128xf32>
    %convert_element_type3A_56 = arith.truncf %convert_element_type3A_55 : vector<128x128xf32> to vector<128x128xbf16>
    %get3A = arith.constant 0 : index
    %get3A_57 = arith.constant 0 : index
    %get3A_58 = arith.constant 0 : index
    %get3A_59 = vector.load %arg1[%get3A, %get3A_57, %get3A_58] : memref<16x256x128xf32, #tpu.memory_space<vmem>>, vector<16x256x128xf32>
    %reshape3A = vector.shape_cast %get3A_59 : vector<16x256x128xf32> to vector<4096x128xf32>
    %get3A_60 = arith.constant 0 : index
    %get3A_61 = arith.constant 0 : index
    %get3A_62 = vector.load %arg2[%get3A_60, %get3A_61] : memref<256x128xf32, #tpu.memory_space<vmem>>, vector<256x128xf32>
    %get3A_63 = arith.constant 0 : index
    %get3A_64 = arith.constant 0 : index
    %get3A_65 = vector.load %arg3[%get3A_63, %get3A_64] : memref<16x128xf32, #tpu.memory_space<vmem>>, vector<16x128xf32>
    %get3A_66 = arith.constant 0 : index
    %get3A_67 = arith.constant 0 : index
    %get3A_68 = vector.load %arg4[%get3A_66, %get3A_67] : memref<128x128xf32, #tpu.memory_space<vmem>>, vector<128x128xf32>
    %get3A_69 = arith.constant 0 : index
    %get3A_70 = arith.constant 0 : index
    %get3A_71 = vector.load %arg5[%get3A_69, %get3A_70] : memref<128x128xf32, #tpu.memory_space<vmem>>, vector<128x128xf32>
    %get3A_72 = arith.constant 0 : index
    %get3A_73 = arith.constant 0 : index
    %get3A_74 = vector.load %arg6[%get3A_72, %get3A_73] : memref<128x128xf32, #tpu.memory_space<vmem>>, vector<128x128xf32>
    %get3A_75 = arith.constant 0 : index
    %get3A_76 = arith.constant 0 : index
    %get3A_77 = vector.load %arg7[%get3A_75, %get3A_76] : memref<128x128xf32, #tpu.memory_space<vmem>>, vector<128x128xf32>
    %dot_general3A = arith.constant dense<0.000000e+00> : vector<256x128xf32>
    %dot_general3A_78 = tpu.matmul %get3A_62, %get3A_68, %dot_general3A {dimension_numbers = #tpu.dot_dimension_numbers<[1], [1], [0], [0], [0, 0, 1, 0], [], []>, transpose_lhs_hint = false} : vector<256x128xf32>, vector<128x128xf32>, vector<256x128xf32> -> vector<256x128xf32>
    %mul3A = arith.constant 2.500000e-01 : f32
    %mul3A_79 = vector.broadcast %mul3A : f32 to vector<256x128xf32>
    %mul3A_80 = arith.mulf %dot_general3A_78, %mul3A_79 : vector<256x128xf32>
    %convert_element_type3A_81 = arith.truncf %reshape3A : vector<4096x128xf32> to vector<4096x128xbf16>
    %convert_element_type3A_82 = arith.truncf %get3A_71 : vector<128x128xf32> to vector<128x128xbf16>
    %dot_general3A_83 = arith.constant dense<0.000000e+00> : vector<4096x128xf32>
    %dot_general3A_84 = tpu.matmul %convert_element_type3A_81, %convert_element_type3A_82, %dot_general3A_83 {dimension_numbers = #tpu.dot_dimension_numbers<[1], [1], [0], [0], [0, 0, 1, 0], [], []>, transpose_lhs_hint = false} : vector<4096x128xbf16>, vector<128x128xbf16>, vector<4096x128xf32> -> vector<4096x128xf32>
    %convert_element_type3A_85 = arith.truncf %get3A_74 : vector<128x128xf32> to vector<128x128xbf16>
    %dot_general3A_86 = arith.constant dense<0.000000e+00> : vector<4096x128xf32>
    %dot_general3A_87 = tpu.matmul %convert_element_type3A_81, %convert_element_type3A_85, %dot_general3A_86 {dimension_numbers = #tpu.dot_dimension_numbers<[1], [1], [0], [0], [0, 0, 1, 0], [], []>, transpose_lhs_hint = false} : vector<4096x128xbf16>, vector<128x128xbf16>, vector<4096x128xf32> -> vector<4096x128xf32>
    %reshape3A_88 = vector.shape_cast %dot_general3A_84 : vector<4096x128xf32> to vector<16x256x128xf32>
    %broadcast_in_dim3A = vector.shape_cast %mul3A_80 : vector<256x128xf32> to vector<1x256x128xf32>
    %mul3A_89 = vector.broadcast %broadcast_in_dim3A : vector<1x256x128xf32> to vector<16x256x128xf32>
    %mul3A_90 = arith.mulf %reshape3A_88, %mul3A_89 : vector<16x256x128xf32>
    %reshape3A_91 = vector.shape_cast %mul3A_90 : vector<16x256x128xf32> to vector<4096x128xf32>
    %convert_element_type3A_92 = arith.truncf %reshape3A_91 : vector<4096x128xf32> to vector<4096x128xbf16>
    %dot_general3A_93 = arith.constant dense<0.000000e+00> : vector<4096x128xf32>
    %dot_general3A_94 = tpu.matmul %convert_element_type3A_92, %convert_element_type3A_56, %dot_general3A_93 {dimension_numbers = #tpu.dot_dimension_numbers<[1], [0], [0], [1], [0, 0, 1, 1], [], []>, transpose_lhs_hint = false} : vector<4096x128xbf16>, vector<128x128xbf16>, vector<4096x128xf32> -> vector<4096x128xf32>
    %reshape3A_95 = vector.shape_cast %dot_general3A_94 : vector<4096x128xf32> to vector<16x256x128xf32>
    %exp3A = math.exp %reshape3A_95 : vector<16x256x128xf32>
    %reduce_sum3A = arith.constant dense<0.000000e+00> : vector<256x128xf32>
    %reduce_sum3A_96 = vector.multi_reduction <add>, %exp3A, %reduce_sum3A [0] : vector<16x256x128xf32> to vector<256x128xf32>
    %reshape3A_97 = vector.shape_cast %dot_general3A_87 : vector<4096x128xf32> to vector<16x256x128xf32>
    %mul3A_98 = arith.mulf %exp3A, %reshape3A_97 : vector<16x256x128xf32>
    %reduce_sum3A_99 = arith.constant dense<0.000000e+00> : vector<256x128xf32>
    %reduce_sum3A_100 = vector.multi_reduction <add>, %mul3A_98, %reduce_sum3A_99 [0] : vector<16x256x128xf32> to vector<256x128xf32>
    %div3A_101 = arith.divf %reduce_sum3A_100, %reduce_sum3A_96 : vector<256x128xf32>
    %dot_general3A_102 = arith.constant dense<0.000000e+00> : vector<256x128xf32>
    %dot_general3A_103 = tpu.matmul %get3A_62, %get3A_77, %dot_general3A_102 {dimension_numbers = #tpu.dot_dimension_numbers<[1], [1], [0], [0], [0, 0, 1, 0], [], []>, transpose_lhs_hint = false} : vector<256x128xf32>, vector<128x128xf32>, vector<256x128xf32> -> vector<256x128xf32>
    %add3A = arith.addf %dot_general3A_103, %div3A_101 : vector<256x128xf32>
    %max3A = arith.constant 0.000000e+00 : f32
    %max3A_104 = vector.broadcast %max3A : f32 to vector<256x128xf32>
    %max3A_105 = arith.maximumf %add3A, %max3A_104 : vector<256x128xf32>
    %get3A_106 = arith.constant 0 : index
    %get3A_107 = arith.constant 0 : index
    %get3A_108 = vector.load %arg8[%get3A_106, %get3A_107] : memref<128x128xf32, #tpu.memory_space<vmem>>, vector<128x128xf32>
    %get3A_109 = arith.constant 0 : index
    %get3A_110 = arith.constant 0 : index
    %get3A_111 = vector.load %arg9[%get3A_109, %get3A_110] : memref<128x128xf32, #tpu.memory_space<vmem>>, vector<128x128xf32>
    %get3A_112 = arith.constant 0 : index
    %get3A_113 = arith.constant 0 : index
    %get3A_114 = vector.load %arg10[%get3A_112, %get3A_113] : memref<128x128xf32, #tpu.memory_space<vmem>>, vector<128x128xf32>
    %get3A_115 = arith.constant 0 : index
    %get3A_116 = arith.constant 0 : index
    %get3A_117 = vector.load %arg11[%get3A_115, %get3A_116] : memref<128x128xf32, #tpu.memory_space<vmem>>, vector<128x128xf32>
    %dot_general3A_118 = arith.constant dense<0.000000e+00> : vector<16x128xf32>
    %dot_general3A_119 = tpu.matmul %get3A_65, %get3A_108, %dot_general3A_118 {dimension_numbers = #tpu.dot_dimension_numbers<[1], [1], [0], [0], [0, 0, 1, 0], [], []>, transpose_lhs_hint = false} : vector<16x128xf32>, vector<128x128xf32>, vector<16x128xf32> -> vector<16x128xf32>
    %mul3A_120 = arith.constant 2.500000e-01 : f32
    %mul3A_121 = vector.broadcast %mul3A_120 : f32 to vector<16x128xf32>
    %mul3A_122 = arith.mulf %dot_general3A_119, %mul3A_121 : vector<16x128xf32>
    %convert_element_type3A_123 = arith.truncf %max3A_105 : vector<256x128xf32> to vector<256x128xbf16>
    %convert_element_type3A_124 = arith.truncf %get3A_111 : vector<128x128xf32> to vector<128x128xbf16>
    %dot_general3A_125 = arith.constant dense<0.000000e+00> : vector<256x128xf32>
    %dot_general3A_126 = tpu.matmul %convert_element_type3A_123, %convert_element_type3A_124, %dot_general3A_125 {dimension_numbers = #tpu.dot_dimension_numbers<[1], [1], [0], [0], [0, 0, 1, 0], [], []>, transpose_lhs_hint = false} : vector<256x128xbf16>, vector<128x128xbf16>, vector<256x128xf32> -> vector<256x128xf32>
    %convert_element_type3A_127 = arith.truncf %get3A_114 : vector<128x128xf32> to vector<128x128xbf16>
    %dot_general3A_128 = arith.constant dense<0.000000e+00> : vector<256x128xf32>
    %dot_general3A_129 = tpu.matmul %convert_element_type3A_123, %convert_element_type3A_127, %dot_general3A_128 {dimension_numbers = #tpu.dot_dimension_numbers<[1], [1], [0], [0], [0, 0, 1, 0], [], []>, transpose_lhs_hint = false} : vector<256x128xbf16>, vector<128x128xbf16>, vector<256x128xf32> -> vector<256x128xf32>
    %reshape3A_130 = vector.shape_cast %dot_general3A_126 : vector<256x128xf32> to vector<16x16x128xf32>
    %broadcast_in_dim3A_131 = vector.shape_cast %mul3A_122 : vector<16x128xf32> to vector<16x1x128xf32>
    %mul3A_132 = vector.broadcast %broadcast_in_dim3A_131 : vector<16x1x128xf32> to vector<16x16x128xf32>
    %mul3A_133 = arith.mulf %reshape3A_130, %mul3A_132 : vector<16x16x128xf32>
    %reshape3A_134 = vector.shape_cast %mul3A_133 : vector<16x16x128xf32> to vector<256x128xf32>
    %convert_element_type3A_135 = arith.truncf %reshape3A_134 : vector<256x128xf32> to vector<256x128xbf16>
    %dot_general3A_136 = arith.constant dense<0.000000e+00> : vector<256x128xf32>
    %dot_general3A_137 = tpu.matmul %convert_element_type3A_135, %convert_element_type3A_56, %dot_general3A_136 {dimension_numbers = #tpu.dot_dimension_numbers<[1], [0], [0], [1], [0, 0, 1, 1], [], []>, transpose_lhs_hint = false} : vector<256x128xbf16>, vector<128x128xbf16>, vector<256x128xf32> -> vector<256x128xf32>
    %reshape3A_138 = vector.shape_cast %dot_general3A_137 : vector<256x128xf32> to vector<16x16x128xf32>
    %exp3A_139 = math.exp %reshape3A_138 : vector<16x16x128xf32>
    %reduce_sum3A_140 = arith.constant dense<0.000000e+00> : vector<16x128xf32>
    %reduce_sum3A_141 = vector.multi_reduction <add>, %exp3A_139, %reduce_sum3A_140 [1] : vector<16x16x128xf32> to vector<16x128xf32>
    %reshape3A_142 = vector.shape_cast %dot_general3A_129 : vector<256x128xf32> to vector<16x16x128xf32>
    %mul3A_143 = arith.mulf %exp3A_139, %reshape3A_142 : vector<16x16x128xf32>
    %reduce_sum3A_144 = arith.constant dense<0.000000e+00> : vector<16x128xf32>
    %reduce_sum3A_145 = vector.multi_reduction <add>, %mul3A_143, %reduce_sum3A_144 [1] : vector<16x16x128xf32> to vector<16x128xf32>
    %div3A_146 = arith.divf %reduce_sum3A_145, %reduce_sum3A_141 : vector<16x128xf32>
    %dot_general3A_147 = arith.constant dense<0.000000e+00> : vector<16x128xf32>
    %dot_general3A_148 = tpu.matmul %get3A_65, %get3A_117, %dot_general3A_147 {dimension_numbers = #tpu.dot_dimension_numbers<[1], [1], [0], [0], [0, 0, 1, 0], [], []>, transpose_lhs_hint = false} : vector<16x128xf32>, vector<128x128xf32>, vector<16x128xf32> -> vector<16x128xf32>
    %add3A_149 = arith.addf %dot_general3A_148, %div3A_146 : vector<16x128xf32>
    %max3A_150 = arith.constant 0.000000e+00 : f32
    %max3A_151 = vector.broadcast %max3A_150 : f32 to vector<16x128xf32>
    %max3A_152 = arith.maximumf %add3A_149, %max3A_151 : vector<16x128xf32>
    %swap3A = arith.constant 0 : index
    %swap3A_153 = arith.constant 0 : index
    %swap3A_154 = vector.load %arg12[%swap3A, %swap3A_153] : memref<16x128xf32, #tpu.memory_space<vmem>>, vector<16x128xf32>
    tpu.vector_store %arg12[%swap3A, %swap3A_153], %max3A_152 {strides = array<i32>} : memref<16x128xf32, #tpu.memory_space<vmem>>, vector<16x128xf32>,
    return
  }
  func.func @transform_0(%arg0: i32) -> (i32, i32, i32) {
    %c0_i32 = arith.constant 0 : i32
    %c0_i32_0 = arith.constant 0 : i32
    %c0_i32_1 = arith.constant 0 : i32
    return %c0_i32, %arg0, %c0_i32_0 : i32, i32, i32
  }
  func.func @transform_1(%arg0: i32) -> (i32, i32) {
    %add3A = arith.constant 96 : i32
    %add3A_0 = arith.addi %arg0, %add3A : i32
    %c0_i32 = arith.constant 0 : i32
    %c0_i32_1 = arith.constant 0 : i32
    return %add3A_0, %c0_i32 : i32, i32
  }
  func.func @transform_2(%arg0: i32) -> (i32, i32) {
    %add3A = arith.constant 2144 : i32
    %add3A_0 = arith.addi %arg0, %add3A : i32
    %c0_i32 = arith.constant 0 : i32
    %c0_i32_1 = arith.constant 0 : i32
    return %add3A_0, %c0_i32 : i32, i32
  }
  func.func @transform_3(%arg0: i32) -> (i32, i32) {
    %c0_i32 = arith.constant 0 : i32
    %c0_i32_0 = arith.constant 0 : i32
    %c0_i32_1 = arith.constant 0 : i32
    return %c0_i32, %c0_i32_0 : i32, i32
  }
  func.func @transform_4(%arg0: i32) -> (i32, i32) {
    %c0_i32 = arith.constant 0 : i32
    %c0_i32_0 = arith.constant 0 : i32
    %c0_i32_1 = arith.constant 0 : i32
    return %c0_i32, %c0_i32_0 : i32, i32
  }
  func.func @transform_5(%arg0: i32) -> (i32, i32) {
    %c0_i32 = arith.constant 0 : i32
    %c0_i32_0 = arith.constant 0 : i32
    %c0_i32_1 = arith.constant 0 : i32
    return %c0_i32, %c0_i32_0 : i32, i32
  }
  func.func @transform_6(%arg0: i32) -> (i32, i32) {
    %c0_i32 = arith.constant 0 : i32
    %c0_i32_0 = arith.constant 0 : i32
    %c0_i32_1 = arith.constant 0 : i32
    return %c0_i32, %c0_i32_0 : i32, i32
  }
  func.func @transform_7(%arg0: i32) -> (i32, i32) {
    %c0_i32 = arith.constant 0 : i32
    %c0_i32_0 = arith.constant 0 : i32
    %c0_i32_1 = arith.constant 0 : i32
    return %c0_i32, %c0_i32_0 : i32, i32
  }
  func.func @transform_8(%arg0: i32) -> (i32, i32) {
    %c0_i32 = arith.constant 0 : i32
    %c0_i32_0 = arith.constant 0 : i32
    %c0_i32_1 = arith.constant 0 : i32
    return %c0_i32, %c0_i32_0 : i32, i32
  }
  func.func @transform_9(%arg0: i32) -> (i32, i32) {
    %c0_i32 = arith.constant 0 : i32
    %c0_i32_0 = arith.constant 0 : i32
    %c0_i32_1 = arith.constant 0 : i32
    return %c0_i32, %c0_i32_0 : i32, i32
  }
  func.func @transform_10(%arg0: i32) -> (i32, i32) {
    %c0_i32 = arith.constant 0 : i32
    %c0_i32_0 = arith.constant 0 : i32
    %c0_i32_1 = arith.constant 0 : i32
    return %c0_i32, %c0_i32_0 : i32, i32
  }
  func.func @transform_11(%arg0: i32) -> (i32, i32) {
    %c0_i32 = arith.constant 0 : i32
    %c0_i32_0 = arith.constant 0 : i32
    return %arg0, %c0_i32 : i32, i32
  }
}

</mosaic_0001>

<sc_bundles>
// kernel: kernel.10.cloned.1.call-start
scs
__scs_entry_jumppad:
0x0: {  	(pc) =	sbr.rel $0x88, $3  }
0x1: {  	(tag) =	ssettag $0x0;
	lr =	simm.s32 $0x1  }
0x2: {  	[smem:$0x3F95] =	sst lr;
	_ =	strace $0xD0000000  }
0x3: {  	_ = 	snop  }
0x4: {  	_ = 	snop  }
0x5: {  	_ = 	snop  }
0x6: {  	_ = 	snop  }
0x7: {  	_ = 	snop  }
__scs_overlays_trampoline_lowered:
0x8: {  	[smem:$0x3FA4] =	sst s0  }
0x9: {  	[smem:$0x3FA5] =	sst s1  }
0xa: {  	[smem:$0x3FA6] =	sst s2  }
0xb: {  	[smem:$0x3FA7] =	sst s3  }
0xc: {  	[smem:$0x3FA8] =	sst s4  }
0xd: {  	[smem:$0x3FA9] =	sst s5  }
0xe: {  	[smem:$0x3FAA] =	sst s6  }
0xf: {  	[smem:$0x3FAB] =	sst s7  }
0x10: {  	[smem:$0x3FAC] =	sst s8  }
0x11: {  	[smem:$0x3FAD] =	sst s9;
	s0 =	simm.s32 @!p0 $0x0  }
0x12: {  	s1 =	sld [smem:$0x3F93];
	s0 =	simm.s32 @p0 $0x1  }
0x13: {  	[smem:$0x3FAE] =	sst s0;
	s0 =	simm.s32 @!p1 $0x0  }
0x14: {  	s2 =	sld [smem:$0x3F92];
	s0 =	simm.s32 @p1 $0x1  }
0x15: {  	[smem:$0x3FAF] =	sst s0;
	s0 =	simm.s32 @!p2 $0x0  }
0x16: {  	s3 =	sld [smem:$0x3FDB];
	s0 =	simm.s32 @p2 $0x1  }
0x17: {  	s4 =	simm.s32 $0x1BF5;
	[smem:$0x3FB1] =	sst s0  }
0x18: {  	s0 =	sld [smem:$0x3F94];
	_ =	swait.ge [sflag:s4], $0x0  }
0x19: {  	s7 =	sld [smem:$0x3F95]  }
0x1a: {  	s8 =	sadd.s32 $0xFFFFE003, lr  }
0x1b: {  	s9 =	sadd.s32 $0xFFFFFEF7, lr;
	s5 =	simm.s32 $0xFFFFFFFF;
	p2 =	slt.u32 s8, $0xFFFFF086  }
0x1c: {  	p1 =	slt.u32 s9, $0xF7A;
	s5 =	simm.s32 @!p2 $0x0  }
0x1d: {  	s5 =	simm.s32 @p1 $0x1;
	p0 =	seq.s32 s7, s2  }
0x1e: {  	s7 =	smul.u32 @!p0 $0xF7A, s2;
	p2 =	seq.s32 @!p0 s5, $0x0  }
0x1f: {  	s9 =	smul.u32 $0xF7A, s1;
	s8 =	simm.s32 @!p0 $0x1BF5;
	p2 =	por !p2, p0  }
0x20: {  	[sflag:s8] =	ssyncset.s32 @!p0 $0xFFFFF086;
	s6 =	sadd.s32 @!p0 s3, s7;
	s7 =	simm.s32 @!p0 $0x108  }
0x21: {  	s3 =	sadd.s32 s3, s9;
	s6 =	sadd.s32 @!p0 $0x88, s6;
	s7 =	simm.s32 @p2 $0x1082  }
0x22: {  	[simem:s7], [sflag:s8] =	dma.local @!p0 [hbm:s6], $0xF7A  }
0x23: {  	s9 =	sor.u32 $0xD0000000, s2;
	s6 =	simm.s32 $0x108;
	_ =	swait.ge @!p0 [sflag:s8], $0x0  }
0x24: {  	s3 =	sadd.s32 $0x88, s3;
	s6 =	simm.s32 @!p1 $0x1082;
	[sflag:s4] =	ssyncset.s32 $0xFFFFF086  }
0x25: {  	[simem:s6], [sflag:s4] =	dma.local [hbm:s3], $0xF7A  }
0x26: {  	[smem:$0x3F95] =	sst s1;
	(tag) =	ssettag s2;
	_ =	strace s9  }
0x27: {  	s1 =	sld [smem:$0x3FA5]  }
0x28: {  	s2 =	sld [smem:$0x3FA6]  }
0x29: {  	s4 =	sld [smem:$0x3FA8]  }
0x2a: {  	p0 =	seq.s32 s5, $0x0;
	s5 =	sld [smem:$0x3FA9]  }
0x2b: {  	s6 =	sld [smem:$0x3FAA]  }
0x2c: {  	s7 =	sld [smem:$0x3FAB]  }
0x2d: {  	s3 =	simm.s32 $0x108;
	s8 =	sld [smem:$0x3FAC]  }
0x2e: {  	s3 =	simm.s32 @!p0 $0x1082;
	s9 =	sld [smem:$0x3FAD]  }
0x2f: {  	lr =	sadd.s32 s0, s3;
	s0 =	sld [smem:$0x3FA4]  }
0x30: {  	s3 =	sld [smem:$0x3FA7]  }
0x31: {  	[smem:$0x3FB0] =	sst s10  }
0x32: {  	s10 =	sld [smem:$0x3FAE];
	_ =	sdelay $0x3  }
0x33: {  	p0 =	seq.s32 s10, $0x1;
	s10 =	sld [smem:$0x3FB0];
	_ =	sdelay $0x3  }
0x34: {  	[smem:$0x3FB0] =	sst s10  }
0x35: {  	s10 =	sld [smem:$0x3FAF];
	_ =	sdelay $0x3  }
0x36: {  	p1 =	seq.s32 s10, $0x1;
	s10 =	sld [smem:$0x3FB0];
	_ =	sdelay $0x3  }
0x37: {  	[smem:$0x3FB0] =	sst s10  }
0x38: {  	s10 =	sld [smem:$0x3FB1]  }
0x39: {  	_ = 	snop;
	(pc) =	sbr.ind lr, $3  }
0x3a: {  	_ = 	snop  }
0x3b: {  	_ = 	snop  }
0x3c: {  	p2 =	seq.s32 s10, $0x1;
	s10 =	sld [smem:$0x3FB0]  }
0x3d: {  	_ =	shalt  }
0x3e: {  	_ =	shalt  }
0x3f: {  	_ =	shalt  }
0x40: {  	_ =	shalt  }
0x41: {  	_ =	shalt  }
0x42: {  	_ =	shalt  }
0x43: {  	_ =	shalt  }
0x44: {  	_ =	shalt  }
0x45: {  	_ =	shalt  }
0x46: {  	_ =	shalt  }
0x47: {  	_ =	shalt  }
0x48: {  	_ =	shalt  }
0x49: {  	_ =	shalt  }
0x4a: {  	_ =	shalt  }
0x4b: {  	_ =	shalt  }
0x4c: {  	_ =	shalt  }
0x4d: {  	_ =	shalt  }
0x4e: {  	_ =	shalt  }
0x4f: {  	_ =	shalt  }
0x50: {  	_ =	shalt  }
0x51: {  	_ =	shalt  }
0x52: {  	_ =	shalt  }
0x53: {  	_ =	shalt  }
0x54: {  	_ =	shalt  }
0x55: {  	_ =	shalt  }
0x56: {  	_ =	shalt  }
0x57: {  	_ =	shalt  }
0x58: {  	_ =	shalt  }
0x59: {  	_ =	shalt  }
0x5a: {  	_ =	shalt  }
0x5b: {  	_ =	shalt  }
0x5c: {  	_ =	shalt  }
0x5d: {  	_ =	shalt  }
0x5e: {  	_ =	shalt  }
0x5f: {  	_ =	shalt  }
0x60: {  	_ =	shalt  }
0x61: {  	_ =	shalt  }
0x62: {  	_ =	shalt  }
0x63: {  	_ =	shalt  }
0x64: {  	_ =	shalt  }
0x65: {  	_ =	shalt  }
0x66: {  	_ =	shalt  }
0x67: {  	_ =	shalt  }
0x68: {  	_ =	shalt  }
0x69: {  	_ =	shalt  }
0x6a: {  	_ =	shalt  }
0x6b: {  	_ =	shalt  }
0x6c: {  	_ =	shalt  }
0x6d: {  	_ =	shalt  }
0x6e: {  	_ =	shalt  }
0x6f: {  	_ =	shalt  }
0x70: {  	_ =	shalt  }
0x71: {  	_ =	shalt  }
0x72: {  	_ =	shalt  }
0x73: {  	_ =	shalt  }
0x74: {  	_ =	shalt  }
0x75: {  	_ =	shalt  }
0x76: {  	_ =	shalt  }
0x77: {  	_ =	shalt  }
0x78: {  	_ =	shalt  }
0x79: {  	_ =	shalt  }
0x7a: {  	_ =	shalt  }
0x7b: {  	_ =	shalt  }
0x7c: {  	_ =	shalt  }
0x7d: {  	_ =	shalt  }
0x7e: {  	_ =	shalt  }
0x7f: {  	_ =	shalt  }
0x80: {  	_ =	shalt  }
0x81: {  	_ =	shalt  }
0x82: {  	_ =	shalt  }
0x83: {  	_ =	shalt  }
0x84: {  	_ =	shalt  }
0x85: {  	_ =	shalt  }
0x86: {  	_ =	shalt  }
0x87: {  	_ =	shalt  }
.Lfunc_end0:
.L_simem_size_0:
called_computation_lowered:
.L_overlay_start_0:
0x88: {  	s2 =	sld [smem:$0x3FD9]  }
0x89: {  	s3 =	sld [smem:$0x3FFE];
	_ =	sdelay $0x1  }
0x8a: {  	s1 =	srdreg.scid  }
0x8b: {  	s0 =	sand.u32 $0x1, s1  }
0x8c: {  	s17 =	sshll.u32 s0, $0xA;
	s2 =	sadd.s32 s3, s2  }
0x8d: {  	s2 =	sadd.s32 s2, s17  }
0x8e: {  	[smem:$0x3FBC] =	sst s2  }
0x8f: {  	_ = 	snop  }
0x90: {  	s2 =	sld [smem:$0x3FC6];
	(tm) =	ssettm $0x1  }
0x91: {  	s18 =	sld [smem:$0x3FFB];
	_ =	sdelay $0x3  }
0x92: {  	_ =	strace s18  }
0x93: {  	s3 =	sld [smem:$0x3FFC];
	_ =	sdelay $0x3  }
0x94: {  	_ =	strace s3  }
0x95: {  	s3 =	sld [smem:$0x3FFD];
	_ =	sdelay $0x3  }
0x96: {  	_ =	strace s3  }
0x97: {  	_ =	strace $0x8FFFFFFF  }
0x98: {  	s19 =	sld [smem:$0x3FDB];
	_ =	sdelay $0x1  }
0x99: {  	s4 =	simm.s32 $_scs_section_size  }
0x9a: {  	s5 =	simm.s32 $_size__tile_overlayer_lowered;
	s6 =	simm.s32 $_tile_overlayer_lowered  }
0x9b: {  	s22 =	simm.s32 $0x1BFF;
	s21 =	sshll.u32 s6, $0x1;
	s3 =	sadd.s32 s4, s19  }
0x9c: {  	s7 =	simm.s32 $0x0;
	s20 =	sshll.u32 s5, $0x1;
	s5 =	sadd.s32 s21, s3  }
0x9d: {  	[timem:s7], [sflag:s22] =	dma.local [hbm:s5], s20  }
0x9e: {  	_ =	swait.ge [sflag:s22], s20  }
0x9f: {  	s4 =	ssub.s32 $0x0, s20;
	[sflag:s22] =	ssyncset.done $0x0  }
0xa0: {  	[sflag:s22] =	ssyncadd.s32 s4;
	_ =	sdelay $0x1  }
0xa1: {  	s23 =	simm.s32 $0x1B8B  }
0xa2: {  	_ =	swait.ge [sflag:s23], $0x1  }
0xa3: {  	[sflag:s23] =	ssyncset.done $0x0  }
0xa4: {  	s25 =	simm.s32 $0x1B8E;
	s24 =	sld [smem:$0x3FFE];
	[sflag:s23] =	ssyncadd.s32 $0xFFFFFFFF  }
0xa5: {  	s26 =	simm.s32 $execute0_lowered;
	[smem:$0x3FD2] =	sst s25  }
0xa6: {  	s5 =	sshll.u32 s26, $0x1;
	_ =	strace $0x80000046;
	[dreg:$0x1] =	wrdreg $0xFFFFFFFF  }
0xa7: {  	s28 =	simm.s32 $_size_execute0_lowered;
	s3 =	sadd.s32 s3, s5;
	[dreg:$0x0] =	wrdreg $0x0  }
0xa8: {  	s5 =	sshll.u32 s28, $0x1;
	[dreg:$0x2] =	wrdreg s3  }
0xa9: {  	[dreg:$0x3] =	wrdreg s5  }
0xaa: {  	[dreg:$0x4] =	wrdreg $0xC0  }
0xab: {  	_ =	task [dreg:s7], $0x5FFFF  }
0xac: {  	[dreg:$0x1] =	wrdreg $0xFFFFFFFF  }
0xad: {  	[dreg:$0x0] =	wrdreg $0x60  }
0xae: {  	[dreg:$0x2] =	wrdreg s2  }
0xaf: {  	[dreg:$0x3] =	wrdreg s24  }
0xb0: {  	[dreg:$0x4] =	wrdreg $0x9  }
0xb1: {  	_ =	task.clear_ibuf [dreg:s7], $0x5FFFF;
	_ =	strace $0x90000046  }
0xb2: {  	s29 =	simm.s32 $0x9;
	_ =	strace $0x80000048  }
0xb3: {  	_ =	swait.ge [sflag:s29], $0x1  }
0xb4: {  	[sflag:s29] =	ssyncadd.s32 $0xFFFFFFFF  }
0xb5: {  	_ =	strace $0x90000048  }
0xb6: {  	_ =	sfence  }
0xb7: {  	s30 =	sld [smem:$0x0];
	_ =	sdelay $0x2  }
0xb8: {  	s31 =	sshll.u32 s1, $0xD;
	s1 =	sshrl.u32 s1, $0x2  }
0xb9: {  	s3 =	sand.u32 $0x4000, s31;
	s1 =	sadd.s32 s1, s30  }
0xba: {  	s0 =	sor.u32 s3, s0;
	s1 =	sshll.u32 s1, $0x11  }
0xbb: {  	s0 =	sor.u32 s1, s0  }
0xbc: {  	s0 =	sadd.s32 $0x8F2B, s0  }
0xbd: {  	[sflag:s0] =	ssyncadd.remote.s32 $0x1  }
0xbe: {  	_ =	sfence.sel $0xFFFF  }
0xbf: {  	[dreg:$0x0] =	wrdreg $0xFFFFFFFF;
	(pc) =	sbr.abs _section_cstart, $3  }
0xc0: {  	[dreg:$0x1] =	wrdreg $0xFFFFFFFF  }
0xc1: {  	_ =	task.clear_ibuf [dreg:s7], $0x2FFFF;
	_ =	strace $0x9FFFFFFF  }
0xc2: {  	(tm) =	ssettm $0x7FFFFFFF  }
0xc3: {  	_ =	shalt  }
tec
execute0_lowered:
.L_overlay_start_1:
0x0: {  	(tag) =	ssettag $0x1  }
0x1: {  	s2 =	rddreg [dreg:$0x0];
	s1 =	srdreg.scid  }
0x2: {  	s0 =	stileid.u32;
	s4 =	rddreg [dreg:$0x1]  }
0x3: {  	s3 =	simm.s32 $0x0;
	s17 =	simm.s32 $0xB480;
	s18 =	simm.s32 $0x1  }
0x4: {  	s19 =	simm.s32 $0x2;
	s20 =	simm.s32 $0x1000;
	s21 =	simm.s32 $0x80  }
0x5: {  	s22 =	simm.s32 $0x5000;
	s10 =	sand.u32 $0x1, s1;
	s1 =	rddreg [dreg:$0x2]  }
0x6: {  	s5 =	sshll.u32 s0, $0x1;
	[smem:$0x7FF] =	sst s3;
	s13 =	smul.u32 $0x44000, s0  }
0x7: {  	s11 =	sadd.s32 $0x93E00, s4;
	s12 =	sadd.s32 $0xBE00, s4;
	s16 =	smul.u32 $0x8800, s0  }
0x8: {  	s29 =	sshll.u32 s0, $0x11;
	s6 =	sor.u32 s10, s5;
	s15 =	smul.u32 $0x22000, s10  }
0x9: {  	_ =	strace $0x80000047;
	s9 =	ssub.s32 $0x2, s10;
	s26 =	smul.u32 $0x4400, s10  }
0xa: {  	s30 =	sadd.s32 s29, s11;
	s31 =	sshll.u32 s10, $0x10;
	s5 =	smul.u32 $0x440, s6  }
0xb: {  	s7 =	sshll.u32 s6, $0x9;
	s8 =	smul.u32 $0x22000, s6;
	s23 =	sshrl.u32 s9, $0x1  }
0xc: {  	s25 =	sshll.u32 s6, $0x10;
	s28 =	sadd.s32 s16, s12;
	s16 =	simm.s32 $0x9480  }
0xd: {  	s7 =	sadd.s32 s7, s4;
	s9 =	ssub.s32 s9, s23;
	s14 =	sadd.s32 s11, s25  }
0xe: {  	s13 =	sadd.s32 s15, s13;
	s15 =	simm.s32 $0x40;
	s23 =	simm.s32 $0xF80  }
0xf: {  	s5 =	sshrl.u32 s5, $0x3;
	s8 =	sshrl.u32 s8, $0x3;
	s6 =	sadd.s32 $0x6C00, s7  }
0x10: {  	s7 =	smax.u32 s9, $0x1;
	s9 =	sadd.s32 $0xF800, s14;
	s13 =	sshrl.u32 s13, $0x3  }
0x11: {  	s5 =	sadd.s32 s5, s4;
	s24 =	sadd.s32 s12, s8;
	s8 =	sadd.s32 $0xF000, s14  }
0x12: {  	s14 =	sadd.s32 s26, s28;
	s10 =	sadd.s32 s13, s12;
	s12 =	sadd.s32 s31, s30  }
0x13: {  	s13 =	simm.s32 $0x9000;
	s4 =	sadd.s32 $0xAC00, s5;
	s5 =	sadd.s32 $0x4000, s24  }
0x14: {  	s11 =	sadd.s32 $0x400, s14;
	s14 =	simm.s32 $0x3;
	s24 =	simm.s32 $0x0  }
.LBB2_1:
0x15: {  	[tilespmem:s13], [sflag:$0x3] =	stream.linear.gather [hbm4b:s4+s3], $0x440, $0x38;
	[tilespmem:$0xD480] =	vst v63  }
0x16: {  	_ =	swait.ge [sflag:s14], $0x440  }
0x17: {  	[sflag:s14] =	ssyncset.done $0x0  }
0x18: {  	[sflag:s14] =	ssyncadd.s32 $0xFFFFFBC0  }
0x19: {  	[tilespmem:s16], [sflag:$0x1] =	stream.indirect.gather [hbm4b:s2+s15], $0x80, s13, s15, $0xb8;
	[tilespmem:$0xD480] =	vst v63  }
0x1a: {  	s25 =	simm.s32 $0x9040  }
0x1b: {  	[tilespmem:s17], [sflag:$0x2] =	stream.indirect.gather [hbm4b:s2+s15], $0x80, s25, s15, $0xb8;
	[tilespmem:$0xD480] =	vst v63  }
0x1c: {  	_ =	swait.ge [sflag:s18], $0x2000  }
0x1d: {  	[sflag:s18] =	ssyncset.done $0x0  }
0x1e: {  	s26 =	sadd.s32 $0x0, s10;
	[sflag:s18] =	ssyncadd.s32 $0xFFFFE000  }
0x1f: {  	[hbm4b:s26+s3] =	stream.linear.scatter [tilespmem:s16], [sflag:$0x3], $0x2000, $0x38;
	[tilespmem:$0xD480] =	vst v63  }
0x20: {  	_ =	swait.ge [sflag:s14], $0x2000  }
0x21: {  	[sflag:s14] =	ssyncset.done $0x0  }
0x22: {  	s30 =	simm.s32 $0x9080;
	[sflag:s14] =	ssyncadd.s32 $0xFFFFE000  }
0x23: {  	[tilespmem:s16], [sflag:$0x1] =	stream.indirect.gather [hbm4b:s2+s15], $0x80, s30, s15, $0xb8;
	[tilespmem:$0xD480] =	vst v63  }
0x24: {  	_ =	swait.ge [sflag:s19], $0x2000  }
0x25: {  	[sflag:s19] =	ssyncset.done $0x0  }
0x26: {  	s31 =	sadd.s32 $0x0, s11;
	[sflag:s19] =	ssyncadd.s32 $0xFFFFE000  }
0x27: {  	[hbm4b:s31+s3] =	stream.linear.scatter [tilespmem:s17], [sflag:$0x3], $0x2000, $0x38;
	[tilespmem:$0xD480] =	vst v63  }
0x28: {  	_ =	swait.ge [sflag:s14], $0x2000  }
0x29: {  	s26 =	simm.s32 $0x800;
	[sflag:s14] =	ssyncset.done $0x0  }
.LBB2_2:
0x2a: {  	p0 =	sne.s32 s26, $0x3800;
	[sflag:s14] =	ssyncadd.s32 $0xFFFFE000;
	s25 =	sadd.s32 $0x80, s25  }
0x2b: {  	[tilespmem:s17], [sflag:$0x2] =	stream.indirect.gather [hbm4b:s2+s15], $0x80, s25, s15, $0xb8;
	[tilespmem:$0xD480] =	vst v63  }
0x2c: {  	s28 =	smov.u32 s26;
	s26 =	sadd.s32 $0x800, s26;
	_ =	swait.ge [sflag:s18], $0x2000  }
0x2d: {  	[sflag:s18] =	ssyncset.done $0x0  }
0x2e: {  	s29 =	sadd.s32 s28, s10;
	[sflag:s18] =	ssyncadd.s32 $0xFFFFE000  }
0x2f: {  	[hbm4b:s29+s3] =	stream.linear.scatter [tilespmem:s16], [sflag:$0x3], $0x2000, $0x38;
	[tilespmem:$0xD480] =	vst v63  }
0x30: {  	_ =	swait.ge [sflag:s14], $0x2000  }
0x31: {  	[sflag:s14] =	ssyncset.done $0x0  }
0x32: {  	s29 =	sadd.s32 $0x40, s25;
	[sflag:s14] =	ssyncadd.s32 $0xFFFFE000  }
0x33: {  	[tilespmem:s16], [sflag:$0x1] =	stream.indirect.gather [hbm4b:s2+s15], $0x80, s29, s15, $0xb8;
	[tilespmem:$0xD480] =	vst v63  }
0x34: {  	_ =	swait.ge [sflag:s19], $0x2000  }
.Ltmp0:
0x35: {  	[sflag:s19] =	ssyncset.done $0x0;
	(pc) =	sbr.rel @p0 .LBB2_2-.Ltmp0, $4  }
0x36: {  	s28 =	sadd.s32 s28, s11;
	[sflag:s19] =	ssyncadd.s32 $0xFFFFE000  }
0x37: {  	[hbm4b:s28+s3] =	stream.linear.scatter [tilespmem:s17], [sflag:$0x3], $0x2000, $0x38;
	[tilespmem:$0xD480] =	vst v63  }
0x38: {  	_ =	swait.ge [sflag:s14], $0x2000  }
0x39: {  	[sflag:s14] =	ssyncset.done $0x0  }
0x3a: {  	[sflag:s14] =	ssyncadd.s32 $0xFFFFE000  }
0x3b: {  	_ =	swait.ge [sflag:s18], $0x2000  }
0x3c: {  	[sflag:s18] =	ssyncset.done $0x0  }
0x3d: {  	s26 =	simm.s32 $0x0;
	[sflag:s18] =	ssyncadd.s32 $0xFFFFE000  }
0x3e: {  	[hbm4b:s5+s26] =	stream.linear.scatter [tilespmem:s16], [sflag:$0x3], $0x2000, $0x38;
	[tilespmem:$0xD480] =	vst v63  }
0x3f: {  	_ =	swait.ge [sflag:s14], $0x2000  }
0x40: {  	[sflag:s14] =	ssyncset.done $0x0  }
0x41: {  	[sflag:s14] =	ssyncadd.s32 $0xFFFFE000  }
0x42: {  	[tilespmem:s26], [sflag:$0x3] =	stream.linear.gather [hbm4b:s6+s26], $0x1000, $0x38;
	[tilespmem:$0xD480] =	vst v63  }
0x43: {  	_ =	swait.ge [sflag:s14], $0x1000  }
0x44: {  	[sflag:s14] =	ssyncset.done $0x0  }
0x45: {  	s25 =	simm.s32 $0x80;
	[sflag:s14] =	ssyncadd.s32 $0xFFFFF000  }
0x46: {  	[tilespmem:s20], [sflag:$0x1] =	stream.indirect.gather [hbm4b:s2+s25], $0x80, s26, s25, $0xb8;
	[tilespmem:$0xD480] =	vst v63  }
0x47: {  	_ = 	snop  }
0x48: {  	[tilespmem:s22], [sflag:$0x2] =	stream.indirect.gather [hbm4b:s2+s21], $0x80, s25, s21, $0xb8;
	[tilespmem:$0xD480] =	vst v63  }
0x49: {  	_ =	swait.ge [sflag:s18], $0x4000  }
0x4a: {  	[sflag:s18] =	ssyncset.done $0x0  }
0x4b: {  	s31 =	sadd.s32 $0x0, s12;
	[sflag:s18] =	ssyncadd.s32 $0xFFFFC000  }
0x4c: {  	[hbm4b:s31+s3] =	stream.linear.scatter [tilespmem:s20], [sflag:$0x3], $0x4000, $0x38;
	[tilespmem:$0xD480] =	vst v63  }
0x4d: {  	_ =	swait.ge [sflag:s14], $0x4000  }
0x4e: {  	[sflag:s14] =	ssyncset.done $0x0  }
0x4f: {  	s28 =	simm.s32 $0x100;
	[sflag:s14] =	ssyncadd.s32 $0xFFFFC000  }
0x50: {  	[tilespmem:s20], [sflag:$0x1] =	stream.indirect.gather [hbm4b:s2+s21], $0x80, s28, s21, $0xb8;
	[tilespmem:$0xD480] =	vst v63  }
0x51: {  	_ =	swait.ge [sflag:s19], $0x4000  }
0x52: {  	[sflag:s19] =	ssyncset.done $0x0  }
0x53: {  	s26 =	sadd.s32 $0x800, s31;
	[sflag:s19] =	ssyncadd.s32 $0xFFFFC000  }
0x54: {  	[hbm4b:s26+s3] =	stream.linear.scatter [tilespmem:s22], [sflag:$0x3], $0x4000, $0x38;
	[tilespmem:$0xD480] =	vst v63  }
0x55: {  	_ =	swait.ge [sflag:s14], $0x4000  }
0x56: {  	s26 =	simm.s32 $0x1000;
	[sflag:s14] =	ssyncset.done $0x0  }
.LBB2_4:
0x57: {  	p0 =	sne.s32 s26, $0xE000;
	[sflag:s14] =	ssyncadd.s32 $0xFFFFC000;
	s25 =	sadd.s32 $0x100, s25  }
0x58: {  	[tilespmem:s22], [sflag:$0x2] =	stream.indirect.gather [hbm4b:s2+s21], $0x80, s25, s21, $0xb8;
	[tilespmem:$0xD480] =	vst v63  }
0x59: {  	s28 =	smov.u32 s26;
	s26 =	sadd.s32 $0x1000, s26;
	_ =	swait.ge [sflag:s18], $0x4000  }
0x5a: {  	[sflag:s18] =	ssyncset.done $0x0  }
0x5b: {  	s28 =	sadd.s32 s28, s12;
	[sflag:s18] =	ssyncadd.s32 $0xFFFFC000  }
0x5c: {  	[hbm4b:s28+s3] =	stream.linear.scatter [tilespmem:s20], [sflag:$0x3], $0x4000, $0x38;
	[tilespmem:$0xD480] =	vst v63  }
0x5d: {  	_ =	swait.ge [sflag:s14], $0x4000  }
0x5e: {  	[sflag:s14] =	ssyncset.done $0x0  }
0x5f: {  	s29 =	sadd.s32 $0x80, s25;
	[sflag:s14] =	ssyncadd.s32 $0xFFFFC000  }
0x60: {  	[tilespmem:s20], [sflag:$0x1] =	stream.indirect.gather [hbm4b:s2+s21], $0x80, s29, s21, $0xb8;
	[tilespmem:$0xD480] =	vst v63  }
0x61: {  	_ =	swait.ge [sflag:s19], $0x4000  }
.Ltmp1:
0x62: {  	[sflag:s19] =	ssyncset.done $0x0;
	(pc) =	sbr.rel @p0 .LBB2_4-.Ltmp1, $4  }
0x63: {  	s28 =	sadd.s32 $0x800, s28;
	[sflag:s19] =	ssyncadd.s32 $0xFFFFC000  }
0x64: {  	[hbm4b:s28+s3] =	stream.linear.scatter [tilespmem:s22], [sflag:$0x3], $0x4000, $0x38;
	[tilespmem:$0xD480] =	vst v63  }
0x65: {  	_ =	swait.ge [sflag:s14], $0x4000  }
0x66: {  	[sflag:s14] =	ssyncset.done $0x0  }
0x67: {  	[sflag:s14] =	ssyncadd.s32 $0xFFFFC000  }
0x68: {  	[tilespmem:s22], [sflag:$0x2] =	stream.indirect.gather [hbm4b:s2+s21], $0x80, s23, s21, $0xb8;
	[tilespmem:$0xD480] =	vst v63  }
0x69: {  	_ =	swait.ge [sflag:s18], $0x4000  }
0x6a: {  	[sflag:s18] =	ssyncset.done $0x0  }
0x6b: {  	[sflag:s18] =	ssyncadd.s32 $0xFFFFC000  }
0x6c: {  	[hbm4b:s8+s3] =	stream.linear.scatter [tilespmem:s20], [sflag:$0x3], $0x4000, $0x38;
	[tilespmem:$0xD480] =	vst v63  }
0x6d: {  	_ =	swait.ge [sflag:s14], $0x4000  }
0x6e: {  	[sflag:s14] =	ssyncset.done $0x0  }
0x6f: {  	[sflag:s14] =	ssyncadd.s32 $0xFFFFC000  }
0x70: {  	s24 =	sadd.s32 $0x1, s24;
	_ =	swait.ge [sflag:s19], $0x4000  }
0x71: {  	p0 =	sne.s32 s24, s7;
	[sflag:s19] =	ssyncset.done $0x0  }
.Ltmp2:
0x72: {  	[sflag:s19] =	ssyncadd.s32 $0xFFFFC000;
	(pc) =	sbr.rel @p0 .LBB2_1-.Ltmp2, $4  }
0x73: {  	[hbm4b:s9+s3] =	stream.linear.scatter [tilespmem:s22], [sflag:$0x3], $0x4000, $0x38;
	[tilespmem:$0xD480] =	vst v63  }
0x74: {  	_ =	swait.ge [sflag:s14], $0x4000  }
0x75: {  	[sflag:s14] =	ssyncset.done $0x0  }
0x76: {  	[sflag:s14] =	ssyncadd.s32 $0xFFFFC000  }
0x77: {  	_ =	sfence.sel $0x180000  }
0x78: {  	[bflag:$0x0] =	sbarrier.arrive $0xFFFF  }
0x79: {  	p0 =	sne.s32 s0, $0x0;
	_ =	strace $0x90000047  }
0x7a: {  	s0 =	sadd.s32 @!p0 $0x100000, s1;
	[bflag:$0x2] =	sbarrier.arrive $0xFFFF  }
0x7b: {  	[sflag:s0] =	ssyncadd.tile.s32 @!p0 $0x1;
	_ =	shalt  }
.Lfunc_end2:
_tile_overlayer_lowered:
.L_overlay_start_2:
0x7c: {  	(tag) =	ssettag $0x2  }
0x7d: {  	s0 =	rddreg [dreg:$0x0];
	s2 =	stileid.u32  }
0x7e: {  	s1 =	rddreg [dreg:$0x1];
	p0 =	sne.s32 s2, $0x0  }
0x7f: {  	s3 =	rddreg [dreg:$0x2];
	[bflag:$0x3] =	sbarrier.arrive $0xFFFF;
	s2 =	simm.s32 @!p0 $0x1C03  }
0x80: {  	[timem:s3], [sflag:s2] =	dma.local @!p0 [hbm:s0], s1  }
0x81: {  	s0 =	simm.s32 @!p0 $0x3  }
0x82: {  	_ =	swait.ge @!p0 [sflag:s0], s1  }
0x83: {  	s1 =	ssub.s32 @!p0 $0x0, s1;
	[sflag:s0] =	ssyncset.done @!p0 $0x0  }
0x84: {  	[sflag:s0] =	ssyncadd.s32 @!p0 s1  }
0x85: {  	[bflag:$0x3] =	sbarrier.arrive $0xFFFF  }
0x86: {  	_ =	shalt  }

// kernel: kernel.13.cloned.1.call-start
scs
__scs_entry_jumppad:
0x0: {  	(pc) =	sbr.rel $0x88, $3  }
0x1: {  	(tag) =	ssettag $0x0;
	lr =	simm.s32 $0x1  }
0x2: {  	[smem:$0x3F95] =	sst lr;
	_ =	strace $0xD0000000  }
0x3: {  	_ = 	snop  }
0x4: {  	_ = 	snop  }
0x5: {  	_ = 	snop  }
0x6: {  	_ = 	snop  }
0x7: {  	_ = 	snop  }
__scs_overlays_trampoline_lowered:
0x8: {  	[smem:$0x3FA4] =	sst s0  }
0x9: {  	[smem:$0x3FA5] =	sst s1  }
0xa: {  	[smem:$0x3FA6] =	sst s2  }
0xb: {  	[smem:$0x3FA7] =	sst s3  }
0xc: {  	[smem:$0x3FA8] =	sst s4  }
0xd: {  	[smem:$0x3FA9] =	sst s5  }
0xe: {  	[smem:$0x3FAA] =	sst s6  }
0xf: {  	[smem:$0x3FAB] =	sst s7  }
0x10: {  	[smem:$0x3FAC] =	sst s8  }
0x11: {  	[smem:$0x3FAD] =	sst s9;
	s0 =	simm.s32 @!p0 $0x0  }
0x12: {  	s1 =	sld [smem:$0x3F93];
	s0 =	simm.s32 @p0 $0x1  }
0x13: {  	[smem:$0x3FAE] =	sst s0;
	s0 =	simm.s32 @!p1 $0x0  }
0x14: {  	s2 =	sld [smem:$0x3F92];
	s0 =	simm.s32 @p1 $0x1  }
0x15: {  	[smem:$0x3FAF] =	sst s0;
	s0 =	simm.s32 @!p2 $0x0  }
0x16: {  	s3 =	sld [smem:$0x3FDB];
	s0 =	simm.s32 @p2 $0x1  }
0x17: {  	s4 =	simm.s32 $0x1BF5;
	[smem:$0x3FB1] =	sst s0  }
0x18: {  	s0 =	sld [smem:$0x3F94];
	_ =	swait.ge [sflag:s4], $0x0  }
0x19: {  	s7 =	sld [smem:$0x3F95]  }
0x1a: {  	s8 =	sadd.s32 $0xFFFFE003, lr  }
0x1b: {  	s9 =	sadd.s32 $0xFFFFFEF7, lr;
	s5 =	simm.s32 $0xFFFFFFFF;
	p2 =	slt.u32 s8, $0xFFFFF086  }
0x1c: {  	p1 =	slt.u32 s9, $0xF7A;
	s5 =	simm.s32 @!p2 $0x0  }
0x1d: {  	s5 =	simm.s32 @p1 $0x1;
	p0 =	seq.s32 s7, s2  }
0x1e: {  	s7 =	smul.u32 @!p0 $0xF7A, s2;
	p2 =	seq.s32 @!p0 s5, $0x0  }
0x1f: {  	s9 =	smul.u32 $0xF7A, s1;
	s8 =	simm.s32 @!p0 $0x1BF5;
	p2 =	por !p2, p0  }
0x20: {  	[sflag:s8] =	ssyncset.s32 @!p0 $0xFFFFF086;
	s6 =	sadd.s32 @!p0 s3, s7;
	s7 =	simm.s32 @!p0 $0x108  }
0x21: {  	s3 =	sadd.s32 s3, s9;
	s6 =	sadd.s32 @!p0 $0x88, s6;
	s7 =	simm.s32 @p2 $0x1082  }
0x22: {  	[simem:s7], [sflag:s8] =	dma.local @!p0 [hbm:s6], $0xF7A  }
0x23: {  	s9 =	sor.u32 $0xD0000000, s2;
	s6 =	simm.s32 $0x108;
	_ =	swait.ge @!p0 [sflag:s8], $0x0  }
0x24: {  	s3 =	sadd.s32 $0x88, s3;
	s6 =	simm.s32 @!p1 $0x1082;
	[sflag:s4] =	ssyncset.s32 $0xFFFFF086  }
0x25: {  	[simem:s6], [sflag:s4] =	dma.local [hbm:s3], $0xF7A  }
0x26: {  	[smem:$0x3F95] =	sst s1;
	(tag) =	ssettag s2;
	_ =	strace s9  }
0x27: {  	s1 =	sld [smem:$0x3FA5]  }
0x28: {  	s2 =	sld [smem:$0x3FA6]  }
0x29: {  	s4 =	sld [smem:$0x3FA8]  }
0x2a: {  	p0 =	seq.s32 s5, $0x0;
	s5 =	sld [smem:$0x3FA9]  }
0x2b: {  	s6 =	sld [smem:$0x3FAA]  }
0x2c: {  	s7 =	sld [smem:$0x3FAB]  }
0x2d: {  	s3 =	simm.s32 $0x108;
	s8 =	sld [smem:$0x3FAC]  }
0x2e: {  	s3 =	simm.s32 @!p0 $0x1082;
	s9 =	sld [smem:$0x3FAD]  }
0x2f: {  	lr =	sadd.s32 s0, s3;
	s0 =	sld [smem:$0x3FA4]  }
0x30: {  	s3 =	sld [smem:$0x3FA7]  }
0x31: {  	[smem:$0x3FB0] =	sst s10  }
0x32: {  	s10 =	sld [smem:$0x3FAE];
	_ =	sdelay $0x3  }
0x33: {  	p0 =	seq.s32 s10, $0x1;
	s10 =	sld [smem:$0x3FB0];
	_ =	sdelay $0x3  }
0x34: {  	[smem:$0x3FB0] =	sst s10  }
0x35: {  	s10 =	sld [smem:$0x3FAF];
	_ =	sdelay $0x3  }
0x36: {  	p1 =	seq.s32 s10, $0x1;
	s10 =	sld [smem:$0x3FB0];
	_ =	sdelay $0x3  }
0x37: {  	[smem:$0x3FB0] =	sst s10  }
0x38: {  	s10 =	sld [smem:$0x3FB1]  }
0x39: {  	_ = 	snop;
	(pc) =	sbr.ind lr, $3  }
0x3a: {  	_ = 	snop  }
0x3b: {  	_ = 	snop  }
0x3c: {  	p2 =	seq.s32 s10, $0x1;
	s10 =	sld [smem:$0x3FB0]  }
0x3d: {  	_ =	shalt  }
0x3e: {  	_ =	shalt  }
0x3f: {  	_ =	shalt  }
0x40: {  	_ =	shalt  }
0x41: {  	_ =	shalt  }
0x42: {  	_ =	shalt  }
0x43: {  	_ =	shalt  }
0x44: {  	_ =	shalt  }
0x45: {  	_ =	shalt  }
0x46: {  	_ =	shalt  }
0x47: {  	_ =	shalt  }
0x48: {  	_ =	shalt  }
0x49: {  	_ =	shalt  }
0x4a: {  	_ =	shalt  }
0x4b: {  	_ =	shalt  }
0x4c: {  	_ =	shalt  }
0x4d: {  	_ =	shalt  }
0x4e: {  	_ =	shalt  }
0x4f: {  	_ =	shalt  }
0x50: {  	_ =	shalt  }
0x51: {  	_ =	shalt  }
0x52: {  	_ =	shalt  }
0x53: {  	_ =	shalt  }
0x54: {  	_ =	shalt  }
0x55: {  	_ =	shalt  }
0x56: {  	_ =	shalt  }
0x57: {  	_ =	shalt  }
0x58: {  	_ =	shalt  }
0x59: {  	_ =	shalt  }
0x5a: {  	_ =	shalt  }
0x5b: {  	_ =	shalt  }
0x5c: {  	_ =	shalt  }
0x5d: {  	_ =	shalt  }
0x5e: {  	_ =	shalt  }
0x5f: {  	_ =	shalt  }
0x60: {  	_ =	shalt  }
0x61: {  	_ =	shalt  }
0x62: {  	_ =	shalt  }
0x63: {  	_ =	shalt  }
0x64: {  	_ =	shalt  }
0x65: {  	_ =	shalt  }
0x66: {  	_ =	shalt  }
0x67: {  	_ =	shalt  }
0x68: {  	_ =	shalt  }
0x69: {  	_ =	shalt  }
0x6a: {  	_ =	shalt  }
0x6b: {  	_ =	shalt  }
0x6c: {  	_ =	shalt  }
0x6d: {  	_ =	shalt  }
0x6e: {  	_ =	shalt  }
0x6f: {  	_ =	shalt  }
0x70: {  	_ =	shalt  }
0x71: {  	_ =	shalt  }
0x72: {  	_ =	shalt  }
0x73: {  	_ =	shalt  }
0x74: {  	_ =	shalt  }
0x75: {  	_ =	shalt  }
0x76: {  	_ =	shalt  }
0x77: {  	_ =	shalt  }
0x78: {  	_ =	shalt  }
0x79: {  	_ =	shalt  }
0x7a: {  	_ =	shalt  }
0x7b: {  	_ =	shalt  }
0x7c: {  	_ =	shalt  }
0x7d: {  	_ =	shalt  }
0x7e: {  	_ =	shalt  }
0x7f: {  	_ =	shalt  }
0x80: {  	_ =	shalt  }
0x81: {  	_ =	shalt  }
0x82: {  	_ =	shalt  }
0x83: {  	_ =	shalt  }
0x84: {  	_ =	shalt  }
0x85: {  	_ =	shalt  }
0x86: {  	_ =	shalt  }
0x87: {  	_ =	shalt  }
.Lfunc_end0:
.L_simem_size_0:
called_computation.1_lowered:
.L_overlay_start_0:
0x88: {  	s2 =	sld [smem:$0x3FD9]  }
0x89: {  	s3 =	sld [smem:$0x3FFE];
	_ =	sdelay $0x1  }
0x8a: {  	s1 =	srdreg.scid  }
0x8b: {  	s0 =	sand.u32 $0x1, s1  }
0x8c: {  	s17 =	sshll.u32 s0, $0xA;
	s2 =	sadd.s32 s3, s2  }
0x8d: {  	s2 =	sadd.s32 s2, s17  }
0x8e: {  	[smem:$0x3FBC] =	sst s2  }
0x8f: {  	_ = 	snop  }
0x90: {  	s18 =	sld [smem:$0x3FC6];
	(tm) =	ssettm $0x1  }
0x91: {  	s19 =	sld [smem:$0x3FFB];
	_ =	sdelay $0x3  }
0x92: {  	_ =	strace s19  }
0x93: {  	s2 =	sld [smem:$0x3FFC];
	_ =	sdelay $0x3  }
0x94: {  	_ =	strace s2  }
0x95: {  	s2 =	sld [smem:$0x3FFD];
	_ =	sdelay $0x3  }
0x96: {  	_ =	strace s2  }
0x97: {  	_ =	strace $0x8FFFFFFF  }
0x98: {  	s20 =	sld [smem:$0x3FDB];
	_ =	sdelay $0x1  }
0x99: {  	s4 =	simm.s32 $_scs_section_size  }
0x9a: {  	s5 =	simm.s32 $_size__tile_overlayer_lowered;
	s6 =	simm.s32 $_tile_overlayer_lowered  }
0x9b: {  	s7 =	simm.s32 $0x1BFF;
	s21 =	sshll.u32 s6, $0x1;
	s4 =	sadd.s32 s4, s20  }
0x9c: {  	s22 =	simm.s32 $0x0;
	s5 =	sshll.u32 s5, $0x1;
	s6 =	sadd.s32 s21, s4  }
0x9d: {  	[timem:s22], [sflag:s7] =	dma.local [hbm:s6], s5  }
0x9e: {  	_ =	swait.ge [sflag:s7], s5  }
0x9f: {  	s5 =	ssub.s32 $0x0, s5;
	[sflag:s7] =	ssyncset.done $0x0  }
0xa0: {  	[sflag:s7] =	ssyncadd.s32 s5;
	_ =	sdelay $0x1  }
0xa1: {  	s23 =	simm.s32 $0x1B8B  }
0xa2: {  	_ =	swait.ge [sflag:s23], $0x1  }
0xa3: {  	[sflag:s23] =	ssyncset.done $0x0  }
0xa4: {  	[sflag:s23] =	ssyncadd.s32 $0xFFFFFFFF  }
0xa5: {  	s5 =	sld [smem:$0x0]  }
0xa6: {  	s6 =	sand.u32 $0xFFFFFFFE, s1  }
0xa7: {  	p0 =	sne.s32 s1, s6  }
0xa8: {  	s6 =	sshll.u32 @p0 s6, $0xE  }
0xa9: {  	s6 =	sadd.s32 @p0 $0x11B8D, s6;
	s7 =	sshll.u32 @p0 s5, $0x11  }
0xaa: {  	s6 =	sor.u32 @p0 s7, s6  }
0xab: {  	[sflag:s6] =	ssyncadd.remote.s32 @p0 $0x1;
	_ =	sdelay $0x1  }
0xac: {  	s6 =	simm.s32 @p0 $0x1B8D  }
0xad: {  	_ =	swait.eq @p0 [sflag:s6], $0x1  }
0xae: {  	[sflag:s6] =	ssyncadd.s32 @p0 $0xFFFFFFFF  }
0xaf: {  	s7 =	sshll.u32 @!p0 s1, $0xE  }
0xb0: {  	s7 =	sor.u32 @!p0 $0x4000, s7;
	s6 =	simm.s32 @!p0 $0x1B8D  }
0xb1: {  	s5 =	sshll.u32 @!p0 s5, $0x11;
	s7 =	sadd.s32 @!p0 $0x11B8D, s7;
	_ =	swait.eq @!p0 [sflag:s6], $0x1  }
0xb2: {  	s5 =	sor.u32 @!p0 s5, s7;
	[sflag:s6] =	ssyncadd.s32 @!p0 $0xFFFFFFFF  }
0xb3: {  	s25 =	simm.s32 $0x1B8E;
	s24 =	sld [smem:$0x3FFE];
	[sflag:s5] =	ssyncadd.remote.s32 @!p0 $0x1  }
0xb4: {  	s26 =	simm.s32 $execute0_lowered;
	[smem:$0x3FD2] =	sst s25  }
0xb5: {  	s6 =	sshll.u32 s26, $0x1;
	_ =	strace $0x80000049;
	[dreg:$0x1] =	wrdreg $0xFFFFFFFF  }
0xb6: {  	s28 =	simm.s32 $_size_execute0_lowered;
	s4 =	sadd.s32 s4, s6;
	[dreg:$0x0] =	wrdreg $0x0  }
0xb7: {  	s6 =	sshll.u32 s28, $0x1;
	[dreg:$0x2] =	wrdreg s4  }
0xb8: {  	[dreg:$0x3] =	wrdreg s6  }
0xb9: {  	[dreg:$0x4] =	wrdreg $0xC0  }
0xba: {  	_ =	task [dreg:s22], $0x5FFFF  }
0xbb: {  	[dreg:$0x1] =	wrdreg $0xFFFFFFFF  }
0xbc: {  	[dreg:$0x0] =	wrdreg $0x60  }
0xbd: {  	[dreg:$0x2] =	wrdreg s18  }
0xbe: {  	[dreg:$0x3] =	wrdreg s24  }
0xbf: {  	[dreg:$0x4] =	wrdreg $0xA  }
0xc0: {  	_ =	task.clear_ibuf [dreg:s22], $0x5FFFF;
	_ =	strace $0x90000049  }
0xc1: {  	s29 =	simm.s32 $0xA;
	_ =	strace $0x8000004B  }
0xc2: {  	_ =	swait.ge [sflag:s29], $0x1  }
0xc3: {  	[sflag:s29] =	ssyncadd.s32 $0xFFFFFFFF  }
0xc4: {  	_ =	strace $0x9000004B  }
0xc5: {  	_ =	sfence  }
0xc6: {  	s30 =	sld [smem:$0x0];
	_ =	sdelay $0x2  }
0xc7: {  	s31 =	sshll.u32 s1, $0xD;
	s1 =	sshrl.u32 s1, $0x2  }
0xc8: {  	s4 =	sand.u32 $0x4000, s31;
	s1 =	sadd.s32 s1, s30  }
0xc9: {  	s0 =	sor.u32 s4, s0;
	s1 =	sshll.u32 s1, $0x11  }
0xca: {  	s0 =	sor.u32 s1, s0  }
0xcb: {  	s0 =	sadd.s32 $0x8F2B, s0  }
0xcc: {  	[sflag:s0] =	ssyncadd.remote.s32 $0x1  }
0xcd: {  	_ =	sfence.sel $0xFFFF  }
0xce: {  	[dreg:$0x0] =	wrdreg $0xFFFFFFFF;
	(pc) =	sbr.abs _section_cstart, $3  }
0xcf: {  	[dreg:$0x1] =	wrdreg $0xFFFFFFFF  }
0xd0: {  	_ =	task.clear_ibuf [dreg:s22], $0x2FFFF;
	_ =	strace $0x9FFFFFFF  }
0xd1: {  	(tm) =	ssettm $0x7FFFFFFF  }
tec
execute0_lowered:
.L_overlay_start_1:
0x0: {  	(tag) =	ssettag $0x1  }
0x1: {  	s1 =	srdreg.scid  }
0x2: {  	s2 =	rddreg [dreg:$0x0];
	s0 =	stileid.u32  }
0x3: {  	s4 =	rddreg [dreg:$0x1];
	s3 =	simm.s32 $0x0;
	s12 =	simm.s32 $0x5000  }
0x4: {  	s13 =	simm.s32 $0x1;
	s14 =	simm.s32 $0x2;
	s15 =	simm.s32 $0xF80  }
0x5: {  	s16 =	simm.s32 $0x0;
	s8 =	sand.u32 $0x1, s1;
	s1 =	rddreg [dreg:$0x2]  }
0x6: {  	s5 =	sshll.u32 s0, $0xD;
	[smem:$0x7FF] =	sst s3;
	s9 =	sadd.s32 $0x297E00, s4  }
0x7: {  	s11 =	sshll.u32 s0, $0x11;
	s6 =	sshll.u32 s8, $0xC;
	_ =	strace $0x8000004A  }
0x8: {  	s7 =	ssub.s32 $0x2, s8;
	s8 =	sshll.u32 s8, $0x10;
	s5 =	sor.u32 s6, s5  }
0x9: {  	s31 =	sshrl.u32 s7, $0x1;
	s6 =	sshrl.u32 s5, $0x3;
	s5 =	sshll.u32 s5, $0x4  }
0xa: {  	s7 =	ssub.s32 s7, s31;
	s6 =	sadd.s32 s6, s4;
	s10 =	sadd.s32 s9, s5  }
0xb: {  	s5 =	smax.u32 s7, $0x1;
	s9 =	sadd.s32 s11, s9;
	s11 =	simm.s32 $0x80  }
0xc: {  	s4 =	sadd.s32 $0x293E00, s6;
	s6 =	sadd.s32 $0xF000, s10;
	s7 =	sadd.s32 $0xF800, s10  }
0xd: {  	s8 =	sadd.s32 s8, s9;
	s9 =	simm.s32 $0x3;
	s10 =	simm.s32 $0x1000  }
.LBB2_1:
0xe: {  	[tilespmem:s3], [sflag:$0x3] =	stream.linear.gather [hbm4b:s4+s3], $0x1000, $0x38;
	[tilespmem:$0x9000] =	vst v63  }
0xf: {  	_ =	swait.ge [sflag:s9], $0x1000  }
0x10: {  	[sflag:s9] =	ssyncset.done $0x0  }
0x11: {  	[sflag:s9] =	ssyncadd.s32 $0xFFFFF000  }
0x12: {  	[tilespmem:s10], [sflag:$0x1] =	stream.indirect.gather [hbm4b:s2+s11], $0x80, s3, s11, $0xb8;
	[tilespmem:$0x9000] =	vst v63  }
0x13: {  	_ = 	snop  }
0x14: {  	[tilespmem:s12], [sflag:$0x2] =	stream.indirect.gather [hbm4b:s2+s11], $0x80, s11, s11, $0xb8;
	[tilespmem:$0x9000] =	vst v63  }
0x15: {  	_ =	swait.ge [sflag:s13], $0x4000  }
0x16: {  	[sflag:s13] =	ssyncset.done $0x0  }
0x17: {  	s17 =	sadd.s32 $0x0, s8;
	[sflag:s13] =	ssyncadd.s32 $0xFFFFC000  }
0x18: {  	[hbm4b:s17+s3] =	stream.linear.scatter [tilespmem:s10], [sflag:$0x3], $0x4000, $0x38;
	[tilespmem:$0x9000] =	vst v63  }
0x19: {  	_ =	swait.ge [sflag:s9], $0x4000  }
0x1a: {  	[sflag:s9] =	ssyncset.done $0x0  }
0x1b: {  	s18 =	simm.s32 $0x100;
	[sflag:s9] =	ssyncadd.s32 $0xFFFFC000  }
0x1c: {  	[tilespmem:s10], [sflag:$0x1] =	stream.indirect.gather [hbm4b:s2+s11], $0x80, s18, s11, $0xb8;
	[tilespmem:$0x9000] =	vst v63  }
0x1d: {  	_ =	swait.ge [sflag:s14], $0x4000  }
0x1e: {  	[sflag:s14] =	ssyncset.done $0x0  }
0x1f: {  	s17 =	sadd.s32 $0x800, s17;
	[sflag:s14] =	ssyncadd.s32 $0xFFFFC000  }
0x20: {  	[hbm4b:s17+s3] =	stream.linear.scatter [tilespmem:s12], [sflag:$0x3], $0x4000, $0x38;
	[tilespmem:$0x9000] =	vst v63  }
0x21: {  	_ =	swait.ge [sflag:s9], $0x4000  }
0x22: {  	s18 =	simm.s32 $0x80;
	s17 =	simm.s32 $0x1000;
	[sflag:s9] =	ssyncset.done $0x0  }
.LBB2_2:
0x23: {  	p0 =	sne.s32 s17, $0xE000;
	[sflag:s9] =	ssyncadd.s32 $0xFFFFC000;
	s18 =	sadd.s32 $0x100, s18  }
0x24: {  	[tilespmem:s12], [sflag:$0x2] =	stream.indirect.gather [hbm4b:s2+s11], $0x80, s18, s11, $0xb8;
	[tilespmem:$0x9000] =	vst v63  }
0x25: {  	s19 =	smov.u32 s17;
	s17 =	sadd.s32 $0x1000, s17;
	_ =	swait.ge [sflag:s13], $0x4000  }
0x26: {  	[sflag:s13] =	ssyncset.done $0x0  }
0x27: {  	s19 =	sadd.s32 s19, s8;
	[sflag:s13] =	ssyncadd.s32 $0xFFFFC000  }
0x28: {  	[hbm4b:s19+s3] =	stream.linear.scatter [tilespmem:s10], [sflag:$0x3], $0x4000, $0x38;
	[tilespmem:$0x9000] =	vst v63  }
0x29: {  	_ =	swait.ge [sflag:s9], $0x4000  }
0x2a: {  	[sflag:s9] =	ssyncset.done $0x0  }
0x2b: {  	s20 =	sadd.s32 $0x80, s18;
	[sflag:s9] =	ssyncadd.s32 $0xFFFFC000  }
0x2c: {  	[tilespmem:s10], [sflag:$0x1] =	stream.indirect.gather [hbm4b:s2+s11], $0x80, s20, s11, $0xb8;
	[tilespmem:$0x9000] =	vst v63  }
0x2d: {  	_ =	swait.ge [sflag:s14], $0x4000  }
.Ltmp0:
0x2e: {  	[sflag:s14] =	ssyncset.done $0x0;
	(pc) =	sbr.rel @p0 .LBB2_2-.Ltmp0, $4  }
0x2f: {  	s19 =	sadd.s32 $0x800, s19;
	[sflag:s14] =	ssyncadd.s32 $0xFFFFC000  }
0x30: {  	[hbm4b:s19+s3] =	stream.linear.scatter [tilespmem:s12], [sflag:$0x3], $0x4000, $0x38;
	[tilespmem:$0x9000] =	vst v63  }
0x31: {  	_ =	swait.ge [sflag:s9], $0x4000  }
0x32: {  	[sflag:s9] =	ssyncset.done $0x0  }
0x33: {  	[sflag:s9] =	ssyncadd.s32 $0xFFFFC000  }
0x34: {  	[tilespmem:s12], [sflag:$0x2] =	stream.indirect.gather [hbm4b:s2+s11], $0x80, s15, s11, $0xb8;
	[tilespmem:$0x9000] =	vst v63  }
0x35: {  	_ =	swait.ge [sflag:s13], $0x4000  }
0x36: {  	[sflag:s13] =	ssyncset.done $0x0  }
0x37: {  	[sflag:s13] =	ssyncadd.s32 $0xFFFFC000  }
0x38: {  	[hbm4b:s6+s3] =	stream.linear.scatter [tilespmem:s10], [sflag:$0x3], $0x4000, $0x38;
	[tilespmem:$0x9000] =	vst v63  }
0x39: {  	_ =	swait.ge [sflag:s9], $0x4000  }
0x3a: {  	[sflag:s9] =	ssyncset.done $0x0  }
0x3b: {  	[sflag:s9] =	ssyncadd.s32 $0xFFFFC000  }
0x3c: {  	s16 =	sadd.s32 $0x1, s16;
	_ =	swait.ge [sflag:s14], $0x4000  }
0x3d: {  	p0 =	sne.s32 s16, s5;
	[sflag:s14] =	ssyncset.done $0x0  }
.Ltmp1:
0x3e: {  	[sflag:s14] =	ssyncadd.s32 $0xFFFFC000;
	(pc) =	sbr.rel @p0 .LBB2_1-.Ltmp1, $4  }
0x3f: {  	[hbm4b:s7+s3] =	stream.linear.scatter [tilespmem:s12], [sflag:$0x3], $0x4000, $0x38;
	[tilespmem:$0x9000] =	vst v63  }
0x40: {  	_ =	swait.ge [sflag:s9], $0x4000  }
0x41: {  	[sflag:s9] =	ssyncset.done $0x0  }
0x42: {  	[sflag:s9] =	ssyncadd.s32 $0xFFFFC000  }
0x43: {  	_ =	sfence.sel $0x180000  }
0x44: {  	[bflag:$0x0] =	sbarrier.arrive $0xFFFF  }
0x45: {  	p0 =	sne.s32 s0, $0x0;
	_ =	strace $0x9000004A  }
0x46: {  	s0 =	sadd.s32 @!p0 $0x100000, s1;
	[bflag:$0x2] =	sbarrier.arrive $0xFFFF  }
0x47: {  	[sflag:s0] =	ssyncadd.tile.s32 @!p0 $0x1;
	_ =	shalt  }
.Lfunc_end2:
_tile_overlayer_lowered:
.L_overlay_start_2:
0x48: {  	(tag) =	ssettag $0x2  }
0x49: {  	s0 =	rddreg [dreg:$0x0];
	s2 =	stileid.u32  }
0x4a: {  	s1 =	rddreg [dreg:$0x1];
	p0 =	sne.s32 s2, $0x0  }
0x4b: {  	s3 =	rddreg [dreg:$0x2];
	[bflag:$0x3] =	sbarrier.arrive $0xFFFF;
	s2 =	simm.s32 @!p0 $0x1C03  }
0x4c: {  	[timem:s3], [sflag:s2] =	dma.local @!p0 [hbm:s0], s1  }
0x4d: {  	s0 =	simm.s32 @!p0 $0x3  }
0x4e: {  	_ =	swait.ge @!p0 [sflag:s0], s1  }
0x4f: {  	s1 =	ssub.s32 @!p0 $0x0, s1;
	[sflag:s0] =	ssyncset.done @!p0 $0x0  }
0x50: {  	[sflag:s0] =	ssyncadd.s32 @!p0 s1  }
0x51: {  	[bflag:$0x3] =	sbarrier.arrive $0xFFFF  }
0x52: {  	_ =	shalt  }

// kernel: kernel.16.cloned.1.call-start
scs
__scs_entry_jumppad:
0x0: {  	(pc) =	sbr.rel $0x88, $3  }
0x1: {  	(tag) =	ssettag $0x0;
	lr =	simm.s32 $0x1  }
0x2: {  	[smem:$0x3F95] =	sst lr;
	_ =	strace $0xD0000000  }
0x3: {  	_ = 	snop  }
0x4: {  	_ = 	snop  }
0x5: {  	_ = 	snop  }
0x6: {  	_ = 	snop  }
0x7: {  	_ = 	snop  }
__scs_overlays_trampoline_lowered:
0x8: {  	[smem:$0x3FA4] =	sst s0  }
0x9: {  	[smem:$0x3FA5] =	sst s1  }
0xa: {  	[smem:$0x3FA6] =	sst s2  }
0xb: {  	[smem:$0x3FA7] =	sst s3  }
0xc: {  	[smem:$0x3FA8] =	sst s4  }
0xd: {  	[smem:$0x3FA9] =	sst s5  }
0xe: {  	[smem:$0x3FAA] =	sst s6  }
0xf: {  	[smem:$0x3FAB] =	sst s7  }
0x10: {  	[smem:$0x3FAC] =	sst s8  }
0x11: {  	[smem:$0x3FAD] =	sst s9;
	s0 =	simm.s32 @!p0 $0x0  }
0x12: {  	s1 =	sld [smem:$0x3F93];
	s0 =	simm.s32 @p0 $0x1  }
0x13: {  	[smem:$0x3FAE] =	sst s0;
	s0 =	simm.s32 @!p1 $0x0  }
0x14: {  	s2 =	sld [smem:$0x3F92];
	s0 =	simm.s32 @p1 $0x1  }
0x15: {  	[smem:$0x3FAF] =	sst s0;
	s0 =	simm.s32 @!p2 $0x0  }
0x16: {  	s3 =	sld [smem:$0x3FDB];
	s0 =	simm.s32 @p2 $0x1  }
0x17: {  	s4 =	simm.s32 $0x1BF5;
	[smem:$0x3FB1] =	sst s0  }
0x18: {  	s0 =	sld [smem:$0x3F94];
	_ =	swait.ge [sflag:s4], $0x0  }
0x19: {  	s7 =	sld [smem:$0x3F95]  }
0x1a: {  	s8 =	sadd.s32 $0xFFFFE003, lr  }
0x1b: {  	s9 =	sadd.s32 $0xFFFFFEF7, lr;
	s5 =	simm.s32 $0xFFFFFFFF;
	p2 =	slt.u32 s8, $0xFFFFF086  }
0x1c: {  	p1 =	slt.u32 s9, $0xF7A;
	s5 =	simm.s32 @!p2 $0x0  }
0x1d: {  	s5 =	simm.s32 @p1 $0x1;
	p0 =	seq.s32 s7, s2  }
0x1e: {  	s7 =	smul.u32 @!p0 $0xF7A, s2;
	p2 =	seq.s32 @!p0 s5, $0x0  }
0x1f: {  	s9 =	smul.u32 $0xF7A, s1;
	s8 =	simm.s32 @!p0 $0x1BF5;
	p2 =	por !p2, p0  }
0x20: {  	[sflag:s8] =	ssyncset.s32 @!p0 $0xFFFFF086;
	s6 =	sadd.s32 @!p0 s3, s7;
	s7 =	simm.s32 @!p0 $0x108  }
0x21: {  	s3 =	sadd.s32 s3, s9;
	s6 =	sadd.s32 @!p0 $0x88, s6;
	s7 =	simm.s32 @p2 $0x1082  }
0x22: {  	[simem:s7], [sflag:s8] =	dma.local @!p0 [hbm:s6], $0xF7A  }
0x23: {  	s9 =	sor.u32 $0xD0000000, s2;
	s6 =	simm.s32 $0x108;
	_ =	swait.ge @!p0 [sflag:s8], $0x0  }
0x24: {  	s3 =	sadd.s32 $0x88, s3;
	s6 =	simm.s32 @!p1 $0x1082;
	[sflag:s4] =	ssyncset.s32 $0xFFFFF086  }
0x25: {  	[simem:s6], [sflag:s4] =	dma.local [hbm:s3], $0xF7A  }
0x26: {  	[smem:$0x3F95] =	sst s1;
	(tag) =	ssettag s2;
	_ =	strace s9  }
0x27: {  	s1 =	sld [smem:$0x3FA5]  }
0x28: {  	s2 =	sld [smem:$0x3FA6]  }
0x29: {  	s4 =	sld [smem:$0x3FA8]  }
0x2a: {  	p0 =	seq.s32 s5, $0x0;
	s5 =	sld [smem:$0x3FA9]  }
0x2b: {  	s6 =	sld [smem:$0x3FAA]  }
0x2c: {  	s7 =	sld [smem:$0x3FAB]  }
0x2d: {  	s3 =	simm.s32 $0x108;
	s8 =	sld [smem:$0x3FAC]  }
0x2e: {  	s3 =	simm.s32 @!p0 $0x1082;
	s9 =	sld [smem:$0x3FAD]  }
0x2f: {  	lr =	sadd.s32 s0, s3;
	s0 =	sld [smem:$0x3FA4]  }
0x30: {  	s3 =	sld [smem:$0x3FA7]  }
0x31: {  	[smem:$0x3FB0] =	sst s10  }
0x32: {  	s10 =	sld [smem:$0x3FAE];
	_ =	sdelay $0x3  }
0x33: {  	p0 =	seq.s32 s10, $0x1;
	s10 =	sld [smem:$0x3FB0];
	_ =	sdelay $0x3  }
0x34: {  	[smem:$0x3FB0] =	sst s10  }
0x35: {  	s10 =	sld [smem:$0x3FAF];
	_ =	sdelay $0x3  }
0x36: {  	p1 =	seq.s32 s10, $0x1;
	s10 =	sld [smem:$0x3FB0];
	_ =	sdelay $0x3  }
0x37: {  	[smem:$0x3FB0] =	sst s10  }
0x38: {  	s10 =	sld [smem:$0x3FB1]  }
0x39: {  	_ = 	snop;
	(pc) =	sbr.ind lr, $3  }
0x3a: {  	_ = 	snop  }
0x3b: {  	_ = 	snop  }
0x3c: {  	p2 =	seq.s32 s10, $0x1;
	s10 =	sld [smem:$0x3FB0]  }
0x3d: {  	_ =	shalt  }
0x3e: {  	_ =	shalt  }
0x3f: {  	_ =	shalt  }
0x40: {  	_ =	shalt  }
0x41: {  	_ =	shalt  }
0x42: {  	_ =	shalt  }
0x43: {  	_ =	shalt  }
0x44: {  	_ =	shalt  }
0x45: {  	_ =	shalt  }
0x46: {  	_ =	shalt  }
0x47: {  	_ =	shalt  }
0x48: {  	_ =	shalt  }
0x49: {  	_ =	shalt  }
0x4a: {  	_ =	shalt  }
0x4b: {  	_ =	shalt  }
0x4c: {  	_ =	shalt  }
0x4d: {  	_ =	shalt  }
0x4e: {  	_ =	shalt  }
0x4f: {  	_ =	shalt  }
0x50: {  	_ =	shalt  }
0x51: {  	_ =	shalt  }
0x52: {  	_ =	shalt  }
0x53: {  	_ =	shalt  }
0x54: {  	_ =	shalt  }
0x55: {  	_ =	shalt  }
0x56: {  	_ =	shalt  }
0x57: {  	_ =	shalt  }
0x58: {  	_ =	shalt  }
0x59: {  	_ =	shalt  }
0x5a: {  	_ =	shalt  }
0x5b: {  	_ =	shalt  }
0x5c: {  	_ =	shalt  }
0x5d: {  	_ =	shalt  }
0x5e: {  	_ =	shalt  }
0x5f: {  	_ =	shalt  }
0x60: {  	_ =	shalt  }
0x61: {  	_ =	shalt  }
0x62: {  	_ =	shalt  }
0x63: {  	_ =	shalt  }
0x64: {  	_ =	shalt  }
0x65: {  	_ =	shalt  }
0x66: {  	_ =	shalt  }
0x67: {  	_ =	shalt  }
0x68: {  	_ =	shalt  }
0x69: {  	_ =	shalt  }
0x6a: {  	_ =	shalt  }
0x6b: {  	_ =	shalt  }
0x6c: {  	_ =	shalt  }
0x6d: {  	_ =	shalt  }
0x6e: {  	_ =	shalt  }
0x6f: {  	_ =	shalt  }
0x70: {  	_ =	shalt  }
0x71: {  	_ =	shalt  }
0x72: {  	_ =	shalt  }
0x73: {  	_ =	shalt  }
0x74: {  	_ =	shalt  }
0x75: {  	_ =	shalt  }
0x76: {  	_ =	shalt  }
0x77: {  	_ =	shalt  }
0x78: {  	_ =	shalt  }
0x79: {  	_ =	shalt  }
0x7a: {  	_ =	shalt  }
0x7b: {  	_ =	shalt  }
0x7c: {  	_ =	shalt  }
0x7d: {  	_ =	shalt  }
0x7e: {  	_ =	shalt  }
0x7f: {  	_ =	shalt  }
0x80: {  	_ =	shalt  }
0x81: {  	_ =	shalt  }
0x82: {  	_ =	shalt  }
0x83: {  	_ =	shalt  }
0x84: {  	_ =	shalt  }
0x85: {  	_ =	shalt  }
0x86: {  	_ =	shalt  }
0x87: {  	_ =	shalt  }
.Lfunc_end0:
.L_simem_size_0:
called_computation.2_lowered:
.L_overlay_start_0:
0x88: {  	s2 =	sld [smem:$0x3FD9]  }
0x89: {  	s3 =	sld [smem:$0x3FFE];
	_ =	sdelay $0x1  }
0x8a: {  	s1 =	srdreg.scid  }
0x8b: {  	s0 =	sand.u32 $0x1, s1  }
0x8c: {  	s17 =	sshll.u32 s0, $0xA;
	s2 =	sadd.s32 s3, s2  }
0x8d: {  	s2 =	sadd.s32 s2, s17  }
0x8e: {  	[smem:$0x3FBC] =	sst s2  }
0x8f: {  	_ = 	snop  }
0x90: {  	s18 =	sld [smem:$0x3FC6];
	(tm) =	ssettm $0x1  }
0x91: {  	s19 =	sld [smem:$0x3FFB];
	_ =	sdelay $0x3  }
0x92: {  	_ =	strace s19  }
0x93: {  	s2 =	sld [smem:$0x3FFC];
	_ =	sdelay $0x3  }
0x94: {  	_ =	strace s2  }
0x95: {  	s2 =	sld [smem:$0x3FFD];
	_ =	sdelay $0x3  }
0x96: {  	_ =	strace s2  }
0x97: {  	_ =	strace $0x8FFFFFFF  }
0x98: {  	s20 =	sld [smem:$0x3FDB];
	_ =	sdelay $0x1  }
0x99: {  	s4 =	simm.s32 $_scs_section_size  }
0x9a: {  	s5 =	simm.s32 $_size__tile_overlayer_lowered;
	s6 =	simm.s32 $_tile_overlayer_lowered  }
0x9b: {  	s7 =	simm.s32 $0x1BFF;
	s21 =	sshll.u32 s6, $0x1;
	s4 =	sadd.s32 s4, s20  }
0x9c: {  	s22 =	simm.s32 $0x0;
	s5 =	sshll.u32 s5, $0x1;
	s6 =	sadd.s32 s21, s4  }
0x9d: {  	[timem:s22], [sflag:s7] =	dma.local [hbm:s6], s5  }
0x9e: {  	_ =	swait.ge [sflag:s7], s5  }
0x9f: {  	s5 =	ssub.s32 $0x0, s5;
	[sflag:s7] =	ssyncset.done $0x0  }
0xa0: {  	[sflag:s7] =	ssyncadd.s32 s5;
	_ =	sdelay $0x1  }
0xa1: {  	s23 =	simm.s32 $0x1B8B  }
0xa2: {  	_ =	swait.ge [sflag:s23], $0x1  }
0xa3: {  	[sflag:s23] =	ssyncset.done $0x0  }
0xa4: {  	[sflag:s23] =	ssyncadd.s32 $0xFFFFFFFF  }
0xa5: {  	s5 =	sld [smem:$0x0]  }
0xa6: {  	s6 =	sand.u32 $0xFFFFFFFE, s1  }
0xa7: {  	p0 =	sne.s32 s1, s6  }
0xa8: {  	s6 =	sshll.u32 @p0 s6, $0xE  }
0xa9: {  	s6 =	sadd.s32 @p0 $0x11B8D, s6;
	s7 =	sshll.u32 @p0 s5, $0x11  }
0xaa: {  	s6 =	sor.u32 @p0 s7, s6  }
0xab: {  	[sflag:s6] =	ssyncadd.remote.s32 @p0 $0x1;
	_ =	sdelay $0x1  }
0xac: {  	s6 =	simm.s32 @p0 $0x1B8D  }
0xad: {  	_ =	swait.eq @p0 [sflag:s6], $0x1  }
0xae: {  	[sflag:s6] =	ssyncadd.s32 @p0 $0xFFFFFFFF  }
0xaf: {  	s7 =	sshll.u32 @!p0 s1, $0xE  }
0xb0: {  	s7 =	sor.u32 @!p0 $0x4000, s7;
	s6 =	simm.s32 @!p0 $0x1B8D  }
0xb1: {  	s5 =	sshll.u32 @!p0 s5, $0x11;
	s7 =	sadd.s32 @!p0 $0x11B8D, s7;
	_ =	swait.eq @!p0 [sflag:s6], $0x1  }
0xb2: {  	s5 =	sor.u32 @!p0 s5, s7;
	[sflag:s6] =	ssyncadd.s32 @!p0 $0xFFFFFFFF  }
0xb3: {  	s25 =	simm.s32 $0x1B8E;
	s24 =	sld [smem:$0x3FFE];
	[sflag:s5] =	ssyncadd.remote.s32 @!p0 $0x1  }
0xb4: {  	s26 =	simm.s32 $execute0_lowered;
	[smem:$0x3FD2] =	sst s25  }
0xb5: {  	s6 =	sshll.u32 s26, $0x1;
	_ =	strace $0x8000004C;
	[dreg:$0x1] =	wrdreg $0xFFFFFFFF  }
0xb6: {  	s28 =	simm.s32 $_size_execute0_lowered;
	s4 =	sadd.s32 s4, s6;
	[dreg:$0x0] =	wrdreg $0x0  }
0xb7: {  	s6 =	sshll.u32 s28, $0x1;
	[dreg:$0x2] =	wrdreg s4  }
0xb8: {  	[dreg:$0x3] =	wrdreg s6  }
0xb9: {  	[dreg:$0x4] =	wrdreg $0xC0  }
0xba: {  	_ =	task [dreg:s22], $0x5FFFF  }
0xbb: {  	[dreg:$0x1] =	wrdreg $0xFFFFFFFF  }
0xbc: {  	[dreg:$0x0] =	wrdreg $0x60  }
0xbd: {  	[dreg:$0x2] =	wrdreg s18  }
0xbe: {  	[dreg:$0x3] =	wrdreg s24  }
0xbf: {  	[dreg:$0x4] =	wrdreg $0xB  }
0xc0: {  	_ =	task.clear_ibuf [dreg:s22], $0x5FFFF;
	_ =	strace $0x9000004C  }
0xc1: {  	s29 =	simm.s32 $0xB;
	_ =	strace $0x8000004E  }
0xc2: {  	_ =	swait.ge [sflag:s29], $0x1  }
0xc3: {  	[sflag:s29] =	ssyncadd.s32 $0xFFFFFFFF  }
0xc4: {  	_ =	strace $0x9000004E  }
0xc5: {  	_ =	sfence  }
0xc6: {  	s30 =	sld [smem:$0x0];
	_ =	sdelay $0x2  }
0xc7: {  	s31 =	sshll.u32 s1, $0xD;
	s1 =	sshrl.u32 s1, $0x2  }
0xc8: {  	s4 =	sand.u32 $0x4000, s31;
	s1 =	sadd.s32 s1, s30  }
0xc9: {  	s0 =	sor.u32 s4, s0;
	s1 =	sshll.u32 s1, $0x11  }
0xca: {  	s0 =	sor.u32 s1, s0  }
0xcb: {  	s0 =	sadd.s32 $0x8F2B, s0  }
0xcc: {  	[sflag:s0] =	ssyncadd.remote.s32 $0x1  }
0xcd: {  	_ =	sfence.sel $0xFFFF  }
0xce: {  	[dreg:$0x0] =	wrdreg $0xFFFFFFFF;
	(pc) =	sbr.abs _section_cstart, $3  }
0xcf: {  	[dreg:$0x1] =	wrdreg $0xFFFFFFFF  }
0xd0: {  	_ =	task.clear_ibuf [dreg:s22], $0x2FFFF;
	_ =	strace $0x9FFFFFFF  }
0xd1: {  	(tm) =	ssettm $0x7FFFFFFF  }
tec
execute0_lowered:
.L_overlay_start_1:
0x0: {  	(tag) =	ssettag $0x1  }
0x1: {  	s1 =	srdreg.scid  }
0x2: {  	s2 =	rddreg [dreg:$0x0];
	s0 =	stileid.u32  }
0x3: {  	s4 =	rddreg [dreg:$0x1];
	s3 =	simm.s32 $0x0;
	s12 =	simm.s32 $0x5000  }
0x4: {  	s13 =	simm.s32 $0x1;
	s14 =	simm.s32 $0x2;
	s15 =	simm.s32 $0xF80  }
0x5: {  	s16 =	simm.s32 $0x0;
	s8 =	sand.u32 $0x1, s1;
	s1 =	rddreg [dreg:$0x2]  }
0x6: {  	s5 =	sshll.u32 s0, $0xD;
	[smem:$0x7FF] =	sst s3;
	s9 =	sadd.s32 $0x497E00, s4  }
0x7: {  	s11 =	sshll.u32 s0, $0x11;
	s6 =	sshll.u32 s8, $0xC;
	_ =	strace $0x8000004D  }
0x8: {  	s7 =	ssub.s32 $0x2, s8;
	s8 =	sshll.u32 s8, $0x10;
	s5 =	sor.u32 s6, s5  }
0x9: {  	s31 =	sshrl.u32 s7, $0x1;
	s6 =	sshrl.u32 s5, $0x3;
	s5 =	sshll.u32 s5, $0x4  }
0xa: {  	s7 =	ssub.s32 s7, s31;
	s6 =	sadd.s32 s6, s4;
	s10 =	sadd.s32 s9, s5  }
0xb: {  	s5 =	smax.u32 s7, $0x1;
	s9 =	sadd.s32 s11, s9;
	s11 =	simm.s32 $0x80  }
0xc: {  	s4 =	sadd.s32 $0x2C00, s6;
	s6 =	sadd.s32 $0xF000, s10;
	s7 =	sadd.s32 $0xF800, s10  }
0xd: {  	s8 =	sadd.s32 s8, s9;
	s9 =	simm.s32 $0x3;
	s10 =	simm.s32 $0x1000  }
.LBB2_1:
0xe: {  	[tilespmem:s3], [sflag:$0x3] =	stream.linear.gather [hbm4b:s4+s3], $0x1000, $0x38;
	[tilespmem:$0x9000] =	vst v63  }
0xf: {  	_ =	swait.ge [sflag:s9], $0x1000  }
0x10: {  	[sflag:s9] =	ssyncset.done $0x0  }
0x11: {  	[sflag:s9] =	ssyncadd.s32 $0xFFFFF000  }
0x12: {  	[tilespmem:s10], [sflag:$0x1] =	stream.indirect.gather [hbm4b:s2+s11], $0x80, s3, s11, $0xb8;
	[tilespmem:$0x9000] =	vst v63  }
0x13: {  	_ = 	snop  }
0x14: {  	[tilespmem:s12], [sflag:$0x2] =	stream.indirect.gather [hbm4b:s2+s11], $0x80, s11, s11, $0xb8;
	[tilespmem:$0x9000] =	vst v63  }
0x15: {  	_ =	swait.ge [sflag:s13], $0x4000  }
0x16: {  	[sflag:s13] =	ssyncset.done $0x0  }
0x17: {  	s17 =	sadd.s32 $0x0, s8;
	[sflag:s13] =	ssyncadd.s32 $0xFFFFC000  }
0x18: {  	[hbm4b:s17+s3] =	stream.linear.scatter [tilespmem:s10], [sflag:$0x3], $0x4000, $0x38;
	[tilespmem:$0x9000] =	vst v63  }
0x19: {  	_ =	swait.ge [sflag:s9], $0x4000  }
0x1a: {  	[sflag:s9] =	ssyncset.done $0x0  }
0x1b: {  	s18 =	simm.s32 $0x100;
	[sflag:s9] =	ssyncadd.s32 $0xFFFFC000  }
0x1c: {  	[tilespmem:s10], [sflag:$0x1] =	stream.indirect.gather [hbm4b:s2+s11], $0x80, s18, s11, $0xb8;
	[tilespmem:$0x9000] =	vst v63  }
0x1d: {  	_ =	swait.ge [sflag:s14], $0x4000  }
0x1e: {  	[sflag:s14] =	ssyncset.done $0x0  }
0x1f: {  	s17 =	sadd.s32 $0x800, s17;
	[sflag:s14] =	ssyncadd.s32 $0xFFFFC000  }
0x20: {  	[hbm4b:s17+s3] =	stream.linear.scatter [tilespmem:s12], [sflag:$0x3], $0x4000, $0x38;
	[tilespmem:$0x9000] =	vst v63  }
0x21: {  	_ =	swait.ge [sflag:s9], $0x4000  }
0x22: {  	s18 =	simm.s32 $0x80;
	s17 =	simm.s32 $0x1000;
	[sflag:s9] =	ssyncset.done $0x0  }
.LBB2_2:
0x23: {  	p0 =	sne.s32 s17, $0xE000;
	[sflag:s9] =	ssyncadd.s32 $0xFFFFC000;
	s18 =	sadd.s32 $0x100, s18  }
0x24: {  	[tilespmem:s12], [sflag:$0x2] =	stream.indirect.gather [hbm4b:s2+s11], $0x80, s18, s11, $0xb8;
	[tilespmem:$0x9000] =	vst v63  }
0x25: {  	s19 =	smov.u32 s17;
	s17 =	sadd.s32 $0x1000, s17;
	_ =	swait.ge [sflag:s13], $0x4000  }
0x26: {  	[sflag:s13] =	ssyncset.done $0x0  }
0x27: {  	s19 =	sadd.s32 s19, s8;
	[sflag:s13] =	ssyncadd.s32 $0xFFFFC000  }
0x28: {  	[hbm4b:s19+s3] =	stream.linear.scatter [tilespmem:s10], [sflag:$0x3], $0x4000, $0x38;
	[tilespmem:$0x9000] =	vst v63  }
0x29: {  	_ =	swait.ge [sflag:s9], $0x4000  }
0x2a: {  	[sflag:s9] =	ssyncset.done $0x0  }
0x2b: {  	s20 =	sadd.s32 $0x80, s18;
	[sflag:s9] =	ssyncadd.s32 $0xFFFFC000  }
0x2c: {  	[tilespmem:s10], [sflag:$0x1] =	stream.indirect.gather [hbm4b:s2+s11], $0x80, s20, s11, $0xb8;
	[tilespmem:$0x9000] =	vst v63  }
0x2d: {  	_ =	swait.ge [sflag:s14], $0x4000  }
.Ltmp0:
0x2e: {  	[sflag:s14] =	ssyncset.done $0x0;
	(pc) =	sbr.rel @p0 .LBB2_2-.Ltmp0, $4  }
0x2f: {  	s19 =	sadd.s32 $0x800, s19;
	[sflag:s14] =	ssyncadd.s32 $0xFFFFC000  }
0x30: {  	[hbm4b:s19+s3] =	stream.linear.scatter [tilespmem:s12], [sflag:$0x3], $0x4000, $0x38;
	[tilespmem:$0x9000] =	vst v63  }
0x31: {  	_ =	swait.ge [sflag:s9], $0x4000  }
0x32: {  	[sflag:s9] =	ssyncset.done $0x0  }
0x33: {  	[sflag:s9] =	ssyncadd.s32 $0xFFFFC000  }
0x34: {  	[tilespmem:s12], [sflag:$0x2] =	stream.indirect.gather [hbm4b:s2+s11], $0x80, s15, s11, $0xb8;
	[tilespmem:$0x9000] =	vst v63  }
0x35: {  	_ =	swait.ge [sflag:s13], $0x4000  }
0x36: {  	[sflag:s13] =	ssyncset.done $0x0  }
0x37: {  	[sflag:s13] =	ssyncadd.s32 $0xFFFFC000  }
0x38: {  	[hbm4b:s6+s3] =	stream.linear.scatter [tilespmem:s10], [sflag:$0x3], $0x4000, $0x38;
	[tilespmem:$0x9000] =	vst v63  }
0x39: {  	_ =	swait.ge [sflag:s9], $0x4000  }
0x3a: {  	[sflag:s9] =	ssyncset.done $0x0  }
0x3b: {  	[sflag:s9] =	ssyncadd.s32 $0xFFFFC000  }
0x3c: {  	s16 =	sadd.s32 $0x1, s16;
	_ =	swait.ge [sflag:s14], $0x4000  }
0x3d: {  	p0 =	sne.s32 s16, s5;
	[sflag:s14] =	ssyncset.done $0x0  }
.Ltmp1:
0x3e: {  	[sflag:s14] =	ssyncadd.s32 $0xFFFFC000;
	(pc) =	sbr.rel @p0 .LBB2_1-.Ltmp1, $4  }
0x3f: {  	[hbm4b:s7+s3] =	stream.linear.scatter [tilespmem:s12], [sflag:$0x3], $0x4000, $0x38;
	[tilespmem:$0x9000] =	vst v63  }
0x40: {  	_ =	swait.ge [sflag:s9], $0x4000  }
0x41: {  	[sflag:s9] =	ssyncset.done $0x0  }
0x42: {  	[sflag:s9] =	ssyncadd.s32 $0xFFFFC000  }
0x43: {  	_ =	sfence.sel $0x180000  }
0x44: {  	[bflag:$0x0] =	sbarrier.arrive $0xFFFF  }
0x45: {  	p0 =	sne.s32 s0, $0x0;
	_ =	strace $0x9000004D  }
0x46: {  	s0 =	sadd.s32 @!p0 $0x100000, s1;
	[bflag:$0x2] =	sbarrier.arrive $0xFFFF  }
0x47: {  	[sflag:s0] =	ssyncadd.tile.s32 @!p0 $0x1;
	_ =	shalt  }
.Lfunc_end2:
_tile_overlayer_lowered:
.L_overlay_start_2:
0x48: {  	(tag) =	ssettag $0x2  }
0x49: {  	s0 =	rddreg [dreg:$0x0];
	s2 =	stileid.u32  }
0x4a: {  	s1 =	rddreg [dreg:$0x1];
	p0 =	sne.s32 s2, $0x0  }
0x4b: {  	s3 =	rddreg [dreg:$0x2];
	[bflag:$0x3] =	sbarrier.arrive $0xFFFF;
	s2 =	simm.s32 @!p0 $0x1C03  }
0x4c: {  	[timem:s3], [sflag:s2] =	dma.local @!p0 [hbm:s0], s1  }
0x4d: {  	s0 =	simm.s32 @!p0 $0x3  }
0x4e: {  	_ =	swait.ge @!p0 [sflag:s0], s1  }
0x4f: {  	s1 =	ssub.s32 @!p0 $0x0, s1;
	[sflag:s0] =	ssyncset.done @!p0 $0x0  }
0x50: {  	[sflag:s0] =	ssyncadd.s32 @!p0 s1  }
0x51: {  	[bflag:$0x3] =	sbarrier.arrive $0xFFFF  }
0x52: {  	_ =	shalt  }

// kernel: kernel.19.cloned.1.call-start
scs
__scs_entry_jumppad:
0x0: {  	(pc) =	sbr.rel $0x88, $3  }
0x1: {  	(tag) =	ssettag $0x0;
	lr =	simm.s32 $0x1  }
0x2: {  	[smem:$0x3F95] =	sst lr;
	_ =	strace $0xD0000000  }
0x3: {  	_ = 	snop  }
0x4: {  	_ = 	snop  }
0x5: {  	_ = 	snop  }
0x6: {  	_ = 	snop  }
0x7: {  	_ = 	snop  }
__scs_overlays_trampoline_lowered:
0x8: {  	[smem:$0x3FA4] =	sst s0  }
0x9: {  	[smem:$0x3FA5] =	sst s1  }
0xa: {  	[smem:$0x3FA6] =	sst s2  }
0xb: {  	[smem:$0x3FA7] =	sst s3  }
0xc: {  	[smem:$0x3FA8] =	sst s4  }
0xd: {  	[smem:$0x3FA9] =	sst s5  }
0xe: {  	[smem:$0x3FAA] =	sst s6  }
0xf: {  	[smem:$0x3FAB] =	sst s7  }
0x10: {  	[smem:$0x3FAC] =	sst s8  }
0x11: {  	[smem:$0x3FAD] =	sst s9;
	s0 =	simm.s32 @!p0 $0x0  }
0x12: {  	s1 =	sld [smem:$0x3F93];
	s0 =	simm.s32 @p0 $0x1  }
0x13: {  	[smem:$0x3FAE] =	sst s0;
	s0 =	simm.s32 @!p1 $0x0  }
0x14: {  	s2 =	sld [smem:$0x3F92];
	s0 =	simm.s32 @p1 $0x1  }
0x15: {  	[smem:$0x3FAF] =	sst s0;
	s0 =	simm.s32 @!p2 $0x0  }
0x16: {  	s3 =	sld [smem:$0x3FDB];
	s0 =	simm.s32 @p2 $0x1  }
0x17: {  	s4 =	simm.s32 $0x1BF5;
	[smem:$0x3FB1] =	sst s0  }
0x18: {  	s0 =	sld [smem:$0x3F94];
	_ =	swait.ge [sflag:s4], $0x0  }
0x19: {  	s7 =	sld [smem:$0x3F95]  }
0x1a: {  	s8 =	sadd.s32 $0xFFFFE003, lr  }
0x1b: {  	s9 =	sadd.s32 $0xFFFFFEF7, lr;
	s5 =	simm.s32 $0xFFFFFFFF;
	p2 =	slt.u32 s8, $0xFFFFF086  }
0x1c: {  	p1 =	slt.u32 s9, $0xF7A;
	s5 =	simm.s32 @!p2 $0x0  }
0x1d: {  	s5 =	simm.s32 @p1 $0x1;
	p0 =	seq.s32 s7, s2  }
0x1e: {  	s7 =	smul.u32 @!p0 $0xF7A, s2;
	p2 =	seq.s32 @!p0 s5, $0x0  }
0x1f: {  	s9 =	smul.u32 $0xF7A, s1;
	s8 =	simm.s32 @!p0 $0x1BF5;
	p2 =	por !p2, p0  }
0x20: {  	[sflag:s8] =	ssyncset.s32 @!p0 $0xFFFFF086;
	s6 =	sadd.s32 @!p0 s3, s7;
	s7 =	simm.s32 @!p0 $0x108  }
0x21: {  	s3 =	sadd.s32 s3, s9;
	s6 =	sadd.s32 @!p0 $0x88, s6;
	s7 =	simm.s32 @p2 $0x1082  }
0x22: {  	[simem:s7], [sflag:s8] =	dma.local @!p0 [hbm:s6], $0xF7A  }
0x23: {  	s9 =	sor.u32 $0xD0000000, s2;
	s6 =	simm.s32 $0x108;
	_ =	swait.ge @!p0 [sflag:s8], $0x0  }
0x24: {  	s3 =	sadd.s32 $0x88, s3;
	s6 =	simm.s32 @!p1 $0x1082;
	[sflag:s4] =	ssyncset.s32 $0xFFFFF086  }
0x25: {  	[simem:s6], [sflag:s4] =	dma.local [hbm:s3], $0xF7A  }
0x26: {  	[smem:$0x3F95] =	sst s1;
	(tag) =	ssettag s2;
	_ =	strace s9  }
0x27: {  	s1 =	sld [smem:$0x3FA5]  }
0x28: {  	s2 =	sld [smem:$0x3FA6]  }
0x29: {  	s4 =	sld [smem:$0x3FA8]  }
0x2a: {  	p0 =	seq.s32 s5, $0x0;
	s5 =	sld [smem:$0x3FA9]  }
0x2b: {  	s6 =	sld [smem:$0x3FAA]  }
0x2c: {  	s7 =	sld [smem:$0x3FAB]  }
0x2d: {  	s3 =	simm.s32 $0x108;
	s8 =	sld [smem:$0x3FAC]  }
0x2e: {  	s3 =	simm.s32 @!p0 $0x1082;
	s9 =	sld [smem:$0x3FAD]  }
0x2f: {  	lr =	sadd.s32 s0, s3;
	s0 =	sld [smem:$0x3FA4]  }
0x30: {  	s3 =	sld [smem:$0x3FA7]  }
0x31: {  	[smem:$0x3FB0] =	sst s10  }
0x32: {  	s10 =	sld [smem:$0x3FAE];
	_ =	sdelay $0x3  }
0x33: {  	p0 =	seq.s32 s10, $0x1;
	s10 =	sld [smem:$0x3FB0];
	_ =	sdelay $0x3  }
0x34: {  	[smem:$0x3FB0] =	sst s10  }
0x35: {  	s10 =	sld [smem:$0x3FAF];
	_ =	sdelay $0x3  }
0x36: {  	p1 =	seq.s32 s10, $0x1;
	s10 =	sld [smem:$0x3FB0];
	_ =	sdelay $0x3  }
0x37: {  	[smem:$0x3FB0] =	sst s10  }
0x38: {  	s10 =	sld [smem:$0x3FB1]  }
0x39: {  	_ = 	snop;
	(pc) =	sbr.ind lr, $3  }
0x3a: {  	_ = 	snop  }
0x3b: {  	_ = 	snop  }
0x3c: {  	p2 =	seq.s32 s10, $0x1;
	s10 =	sld [smem:$0x3FB0]  }
0x3d: {  	_ =	shalt  }
0x3e: {  	_ =	shalt  }
0x3f: {  	_ =	shalt  }
0x40: {  	_ =	shalt  }
0x41: {  	_ =	shalt  }
0x42: {  	_ =	shalt  }
0x43: {  	_ =	shalt  }
0x44: {  	_ =	shalt  }
0x45: {  	_ =	shalt  }
0x46: {  	_ =	shalt  }
0x47: {  	_ =	shalt  }
0x48: {  	_ =	shalt  }
0x49: {  	_ =	shalt  }
0x4a: {  	_ =	shalt  }
0x4b: {  	_ =	shalt  }
0x4c: {  	_ =	shalt  }
0x4d: {  	_ =	shalt  }
0x4e: {  	_ =	shalt  }
0x4f: {  	_ =	shalt  }
0x50: {  	_ =	shalt  }
0x51: {  	_ =	shalt  }
0x52: {  	_ =	shalt  }
0x53: {  	_ =	shalt  }
0x54: {  	_ =	shalt  }
0x55: {  	_ =	shalt  }
0x56: {  	_ =	shalt  }
0x57: {  	_ =	shalt  }
0x58: {  	_ =	shalt  }
0x59: {  	_ =	shalt  }
0x5a: {  	_ =	shalt  }
0x5b: {  	_ =	shalt  }
0x5c: {  	_ =	shalt  }
0x5d: {  	_ =	shalt  }
0x5e: {  	_ =	shalt  }
0x5f: {  	_ =	shalt  }
0x60: {  	_ =	shalt  }
0x61: {  	_ =	shalt  }
0x62: {  	_ =	shalt  }
0x63: {  	_ =	shalt  }
0x64: {  	_ =	shalt  }
0x65: {  	_ =	shalt  }
0x66: {  	_ =	shalt  }
0x67: {  	_ =	shalt  }
0x68: {  	_ =	shalt  }
0x69: {  	_ =	shalt  }
0x6a: {  	_ =	shalt  }
0x6b: {  	_ =	shalt  }
0x6c: {  	_ =	shalt  }
0x6d: {  	_ =	shalt  }
0x6e: {  	_ =	shalt  }
0x6f: {  	_ =	shalt  }
0x70: {  	_ =	shalt  }
0x71: {  	_ =	shalt  }
0x72: {  	_ =	shalt  }
0x73: {  	_ =	shalt  }
0x74: {  	_ =	shalt  }
0x75: {  	_ =	shalt  }
0x76: {  	_ =	shalt  }
0x77: {  	_ =	shalt  }
0x78: {  	_ =	shalt  }
0x79: {  	_ =	shalt  }
0x7a: {  	_ =	shalt  }
0x7b: {  	_ =	shalt  }
0x7c: {  	_ =	shalt  }
0x7d: {  	_ =	shalt  }
0x7e: {  	_ =	shalt  }
0x7f: {  	_ =	shalt  }
0x80: {  	_ =	shalt  }
0x81: {  	_ =	shalt  }
0x82: {  	_ =	shalt  }
0x83: {  	_ =	shalt  }
0x84: {  	_ =	shalt  }
0x85: {  	_ =	shalt  }
0x86: {  	_ =	shalt  }
0x87: {  	_ =	shalt  }
.Lfunc_end0:
.L_simem_size_0:
called_computation.3_lowered:
.L_overlay_start_0:
0x88: {  	s2 =	sld [smem:$0x3FD9]  }
0x89: {  	s3 =	sld [smem:$0x3FFE];
	_ =	sdelay $0x1  }
0x8a: {  	s1 =	srdreg.scid  }
0x8b: {  	s0 =	sand.u32 $0x1, s1  }
0x8c: {  	s17 =	sshll.u32 s0, $0xA;
	s2 =	sadd.s32 s3, s2  }
0x8d: {  	s2 =	sadd.s32 s2, s17  }
0x8e: {  	[smem:$0x3FBC] =	sst s2  }
0x8f: {  	_ = 	snop  }
0x90: {  	s18 =	sld [smem:$0x3FC6]  }
0x91: {  	s4 =	sld [smem:$0x3FD0];
	(tm) =	ssettm $0x1  }
0x92: {  	s19 =	sld [smem:$0x3FFB];
	_ =	sdelay $0x3  }
0x93: {  	_ =	strace s19  }
0x94: {  	s2 =	sld [smem:$0x3FFC];
	_ =	sdelay $0x3  }
0x95: {  	_ =	strace s2  }
0x96: {  	s2 =	sld [smem:$0x3FFD];
	_ =	sdelay $0x3  }
0x97: {  	_ =	strace s2  }
0x98: {  	_ =	strace $0x8FFFFFFF  }
0x99: {  	s20 =	sld [smem:$0x3FDB];
	_ =	sdelay $0x1  }
0x9a: {  	s5 =	simm.s32 $_scs_section_size  }
0x9b: {  	s6 =	simm.s32 $_size__tile_overlayer_lowered;
	s7 =	simm.s32 $_tile_overlayer_lowered  }
0x9c: {  	s8 =	simm.s32 $0x1BFF;
	s21 =	sshll.u32 s7, $0x1;
	s5 =	sadd.s32 s5, s20  }
0x9d: {  	s22 =	simm.s32 $0x0;
	s6 =	sshll.u32 s6, $0x1;
	s7 =	sadd.s32 s21, s5  }
0x9e: {  	[timem:s22], [sflag:s8] =	dma.local [hbm:s7], s6  }
0x9f: {  	_ =	swait.ge [sflag:s8], s6  }
0xa0: {  	s6 =	ssub.s32 $0x0, s6;
	[sflag:s8] =	ssyncset.done $0x0  }
0xa1: {  	[sflag:s8] =	ssyncadd.s32 s6;
	_ =	sdelay $0x1  }
0xa2: {  	s23 =	simm.s32 $0x1B8B  }
0xa3: {  	_ =	swait.ge [sflag:s23], $0x1  }
0xa4: {  	[sflag:s23] =	ssyncset.done $0x0  }
0xa5: {  	[sflag:s23] =	ssyncadd.s32 $0xFFFFFFFF  }
0xa6: {  	s6 =	sld [smem:$0x0]  }
0xa7: {  	s7 =	sand.u32 $0xFFFFFFFE, s1  }
0xa8: {  	p0 =	sne.s32 s1, s7  }
0xa9: {  	s7 =	sshll.u32 @p0 s7, $0xE  }
0xaa: {  	s7 =	sadd.s32 @p0 $0x11B8D, s7;
	s8 =	sshll.u32 @p0 s6, $0x11  }
0xab: {  	s7 =	sor.u32 @p0 s8, s7  }
0xac: {  	[sflag:s7] =	ssyncadd.remote.s32 @p0 $0x1;
	_ =	sdelay $0x1  }
0xad: {  	s7 =	simm.s32 @p0 $0x1B8D  }
0xae: {  	_ =	swait.eq @p0 [sflag:s7], $0x1  }
0xaf: {  	[sflag:s7] =	ssyncadd.s32 @p0 $0xFFFFFFFF  }
0xb0: {  	s8 =	sshll.u32 @!p0 s1, $0xE  }
0xb1: {  	s8 =	sor.u32 @!p0 $0x4000, s8;
	s7 =	simm.s32 @!p0 $0x1B8D  }
0xb2: {  	s6 =	sshll.u32 @!p0 s6, $0x11;
	s8 =	sadd.s32 @!p0 $0x11B8D, s8;
	_ =	swait.eq @!p0 [sflag:s7], $0x1  }
0xb3: {  	s6 =	sor.u32 @!p0 s6, s8;
	[sflag:s7] =	ssyncadd.s32 @!p0 $0xFFFFFFFF  }
0xb4: {  	s25 =	simm.s32 $0x1B8E;
	s24 =	sld [smem:$0x3FFE];
	[sflag:s6] =	ssyncadd.remote.s32 @!p0 $0x1  }
0xb5: {  	s26 =	simm.s32 $execute0_lowered;
	[smem:$0x3FD2] =	sst s25  }
0xb6: {  	s7 =	sshll.u32 s26, $0x1;
	_ =	strace $0x8000004F;
	[dreg:$0x1] =	wrdreg $0xFFFFFFFF  }
0xb7: {  	s28 =	simm.s32 $_size_execute0_lowered;
	s5 =	sadd.s32 s5, s7;
	[dreg:$0x0] =	wrdreg $0x0  }
0xb8: {  	s7 =	sshll.u32 s28, $0x1;
	[dreg:$0x2] =	wrdreg s5  }
0xb9: {  	[dreg:$0x3] =	wrdreg s7  }
0xba: {  	[dreg:$0x4] =	wrdreg $0xC0  }
0xbb: {  	_ =	task [dreg:s22], $0x5FFFF  }
0xbc: {  	[dreg:$0x1] =	wrdreg $0xFFFFFFFF  }
0xbd: {  	[dreg:$0x0] =	wrdreg $0x60  }
0xbe: {  	[dreg:$0x2] =	wrdreg s18  }
0xbf: {  	[dreg:$0x3] =	wrdreg s4  }
0xc0: {  	[dreg:$0x4] =	wrdreg s24  }
0xc1: {  	[dreg:$0x5] =	wrdreg $0xC  }
0xc2: {  	_ =	task.clear_ibuf [dreg:s22], $0x6FFFF;
	_ =	strace $0x9000004F  }
0xc3: {  	s29 =	simm.s32 $0xC;
	_ =	strace $0x80000051  }
0xc4: {  	_ =	swait.ge [sflag:s29], $0x1  }
0xc5: {  	[sflag:s29] =	ssyncadd.s32 $0xFFFFFFFF  }
0xc6: {  	_ =	strace $0x90000051  }
0xc7: {  	_ =	sfence  }
0xc8: {  	s30 =	sld [smem:$0x0];
	_ =	sdelay $0x2  }
0xc9: {  	s31 =	sshll.u32 s1, $0xD;
	s1 =	sshrl.u32 s1, $0x2  }
0xca: {  	s4 =	sand.u32 $0x4000, s31;
	s1 =	sadd.s32 s1, s30  }
0xcb: {  	s0 =	sor.u32 s4, s0;
	s1 =	sshll.u32 s1, $0x11  }
0xcc: {  	s0 =	sor.u32 s1, s0  }
0xcd: {  	s0 =	sadd.s32 $0x8F2B, s0  }
0xce: {  	[sflag:s0] =	ssyncadd.remote.s32 $0x1  }
0xcf: {  	_ =	sfence.sel $0xFFFF  }
0xd0: {  	[dreg:$0x0] =	wrdreg $0xFFFFFFFF;
	(pc) =	sbr.abs _section_cstart, $3  }
0xd1: {  	[dreg:$0x1] =	wrdreg $0xFFFFFFFF  }
0xd2: {  	_ =	task.clear_ibuf [dreg:s22], $0x2FFFF;
	_ =	strace $0x9FFFFFFF  }
0xd3: {  	(tm) =	ssettm $0x7FFFFFFF  }
tec
execute0_lowered:
.L_overlay_start_1:
0x0: {  	(tag) =	ssettag $0x1  }
0x1: {  	s1 =	rddreg [dreg:$0x0]  }
0x2: {  	s4 =	rddreg [dreg:$0x1]  }
0x3: {  	s5 =	rddreg [dreg:$0x2]  }
0x4: {  	s0 =	rddreg [dreg:$0x3];
	s3 =	simm.s32 $0x0;
	s6 =	srdreg.scid  }
0x5: {  	s2 =	stileid.u32;
	s11 =	simm.s32 $0x80;
	s12 =	simm.s32 $0x5000  }
0x6: {  	s13 =	simm.s32 $0x1;
	s14 =	simm.s32 $0x2;
	s15 =	simm.s32 $0xF80  }
0x7: {  	s16 =	simm.s32 $0x0;
	[smem:$0x7FF] =	sst s3;
	s8 =	sand.u32 $0x1, s6  }
0x8: {  	s26 =	sshll.u32 s2, $0xD;
	s9 =	sadd.s32 $0x697E00, s5;
	s31 =	sshll.u32 s2, $0x11  }
0x9: {  	_ =	strace $0x80000050;
	s7 =	sshll.u32 s8, $0xC;
	s28 =	ssub.s32 $0x2, s8  }
0xa: {  	s8 =	sshll.u32 s8, $0x10;
	s6 =	sor.u32 s7, s26;
	s29 =	sshrl.u32 s28, $0x1  }
0xb: {  	s10 =	sshrl.u32 s6, $0x3;
	s6 =	sshll.u32 s6, $0x4;
	s5 =	ssub.s32 s28, s29  }
0xc: {  	s4 =	sadd.s32 s4, s10;
	s30 =	sadd.s32 s9, s6;
	s5 =	smax.u32 s5, $0x1  }
0xd: {  	s9 =	sadd.s32 s31, s9;
	s10 =	simm.s32 $0x1000;
	s6 =	sadd.s32 $0xF000, s30  }
0xe: {  	s7 =	sadd.s32 $0xF800, s30;
	s8 =	sadd.s32 s8, s9;
	s9 =	simm.s32 $0x3  }
.LBB2_1:
0xf: {  	[tilespmem:s3], [sflag:$0x3] =	stream.linear.gather [hbm4b:s4+s3], $0x1000, $0x38;
	[tilespmem:$0x9000] =	vst v63  }
0x10: {  	_ =	swait.ge [sflag:s9], $0x1000  }
0x11: {  	[sflag:s9] =	ssyncset.done $0x0  }
0x12: {  	[sflag:s9] =	ssyncadd.s32 $0xFFFFF000  }
0x13: {  	[tilespmem:s10], [sflag:$0x1] =	stream.indirect.gather [hbm4b:s1+s11], $0x80, s3, s11, $0xb8;
	[tilespmem:$0x9000] =	vst v63  }
0x14: {  	_ = 	snop  }
0x15: {  	[tilespmem:s12], [sflag:$0x2] =	stream.indirect.gather [hbm4b:s1+s11], $0x80, s11, s11, $0xb8;
	[tilespmem:$0x9000] =	vst v63  }
0x16: {  	_ =	swait.ge [sflag:s13], $0x4000  }
0x17: {  	[sflag:s13] =	ssyncset.done $0x0  }
0x18: {  	s17 =	sadd.s32 $0x0, s8;
	[sflag:s13] =	ssyncadd.s32 $0xFFFFC000  }
0x19: {  	[hbm4b:s17+s3] =	stream.linear.scatter [tilespmem:s10], [sflag:$0x3], $0x4000, $0x38;
	[tilespmem:$0x9000] =	vst v63  }
0x1a: {  	_ =	swait.ge [sflag:s9], $0x4000  }
0x1b: {  	[sflag:s9] =	ssyncset.done $0x0  }
0x1c: {  	s18 =	simm.s32 $0x100;
	[sflag:s9] =	ssyncadd.s32 $0xFFFFC000  }
0x1d: {  	[tilespmem:s10], [sflag:$0x1] =	stream.indirect.gather [hbm4b:s1+s11], $0x80, s18, s11, $0xb8;
	[tilespmem:$0x9000] =	vst v63  }
0x1e: {  	_ =	swait.ge [sflag:s14], $0x4000  }
0x1f: {  	[sflag:s14] =	ssyncset.done $0x0  }
0x20: {  	s17 =	sadd.s32 $0x800, s17;
	[sflag:s14] =	ssyncadd.s32 $0xFFFFC000  }
0x21: {  	[hbm4b:s17+s3] =	stream.linear.scatter [tilespmem:s12], [sflag:$0x3], $0x4000, $0x38;
	[tilespmem:$0x9000] =	vst v63  }
0x22: {  	_ =	swait.ge [sflag:s9], $0x4000  }
0x23: {  	s18 =	simm.s32 $0x80;
	s17 =	simm.s32 $0x1000;
	[sflag:s9] =	ssyncset.done $0x0  }
.LBB2_2:
0x24: {  	p0 =	sne.s32 s17, $0xE000;
	[sflag:s9] =	ssyncadd.s32 $0xFFFFC000;
	s18 =	sadd.s32 $0x100, s18  }
0x25: {  	[tilespmem:s12], [sflag:$0x2] =	stream.indirect.gather [hbm4b:s1+s11], $0x80, s18, s11, $0xb8;
	[tilespmem:$0x9000] =	vst v63  }
0x26: {  	s19 =	smov.u32 s17;
	s17 =	sadd.s32 $0x1000, s17;
	_ =	swait.ge [sflag:s13], $0x4000  }
0x27: {  	[sflag:s13] =	ssyncset.done $0x0  }
0x28: {  	s19 =	sadd.s32 s19, s8;
	[sflag:s13] =	ssyncadd.s32 $0xFFFFC000  }
0x29: {  	[hbm4b:s19+s3] =	stream.linear.scatter [tilespmem:s10], [sflag:$0x3], $0x4000, $0x38;
	[tilespmem:$0x9000] =	vst v63  }
0x2a: {  	_ =	swait.ge [sflag:s9], $0x4000  }
0x2b: {  	[sflag:s9] =	ssyncset.done $0x0  }
0x2c: {  	s20 =	sadd.s32 $0x80, s18;
	[sflag:s9] =	ssyncadd.s32 $0xFFFFC000  }
0x2d: {  	[tilespmem:s10], [sflag:$0x1] =	stream.indirect.gather [hbm4b:s1+s11], $0x80, s20, s11, $0xb8;
	[tilespmem:$0x9000] =	vst v63  }
0x2e: {  	_ =	swait.ge [sflag:s14], $0x4000  }
.Ltmp0:
0x2f: {  	[sflag:s14] =	ssyncset.done $0x0;
	(pc) =	sbr.rel @p0 .LBB2_2-.Ltmp0, $4  }
0x30: {  	s19 =	sadd.s32 $0x800, s19;
	[sflag:s14] =	ssyncadd.s32 $0xFFFFC000  }
0x31: {  	[hbm4b:s19+s3] =	stream.linear.scatter [tilespmem:s12], [sflag:$0x3], $0x4000, $0x38;
	[tilespmem:$0x9000] =	vst v63  }
0x32: {  	_ =	swait.ge [sflag:s9], $0x4000  }
0x33: {  	[sflag:s9] =	ssyncset.done $0x0  }
0x34: {  	[sflag:s9] =	ssyncadd.s32 $0xFFFFC000  }
0x35: {  	[tilespmem:s12], [sflag:$0x2] =	stream.indirect.gather [hbm4b:s1+s11], $0x80, s15, s11, $0xb8;
	[tilespmem:$0x9000] =	vst v63  }
0x36: {  	_ =	swait.ge [sflag:s13], $0x4000  }
0x37: {  	[sflag:s13] =	ssyncset.done $0x0  }
0x38: {  	[sflag:s13] =	ssyncadd.s32 $0xFFFFC000  }
0x39: {  	[hbm4b:s6+s3] =	stream.linear.scatter [tilespmem:s10], [sflag:$0x3], $0x4000, $0x38;
	[tilespmem:$0x9000] =	vst v63  }
0x3a: {  	_ =	swait.ge [sflag:s9], $0x4000  }
0x3b: {  	[sflag:s9] =	ssyncset.done $0x0  }
0x3c: {  	[sflag:s9] =	ssyncadd.s32 $0xFFFFC000  }
0x3d: {  	s16 =	sadd.s32 $0x1, s16;
	_ =	swait.ge [sflag:s14], $0x4000  }
0x3e: {  	p0 =	sne.s32 s16, s5;
	[sflag:s14] =	ssyncset.done $0x0  }
.Ltmp1:
0x3f: {  	[sflag:s14] =	ssyncadd.s32 $0xFFFFC000;
	(pc) =	sbr.rel @p0 .LBB2_1-.Ltmp1, $4  }
0x40: {  	[hbm4b:s7+s3] =	stream.linear.scatter [tilespmem:s12], [sflag:$0x3], $0x4000, $0x38;
	[tilespmem:$0x9000] =	vst v63  }
0x41: {  	_ =	swait.ge [sflag:s9], $0x4000  }
0x42: {  	[sflag:s9] =	ssyncset.done $0x0  }
0x43: {  	[sflag:s9] =	ssyncadd.s32 $0xFFFFC000  }
0x44: {  	_ =	sfence.sel $0x180000  }
0x45: {  	[bflag:$0x0] =	sbarrier.arrive $0xFFFF  }
0x46: {  	p0 =	sne.s32 s2, $0x0;
	_ =	strace $0x90000050  }
0x47: {  	s0 =	sadd.s32 @!p0 $0x100000, s0;
	[bflag:$0x2] =	sbarrier.arrive $0xFFFF  }
0x48: {  	[sflag:s0] =	ssyncadd.tile.s32 @!p0 $0x1;
	_ =	shalt  }
.Lfunc_end2:
_tile_overlayer_lowered:
.L_overlay_start_2:
0x49: {  	(tag) =	ssettag $0x2  }
0x4a: {  	s0 =	rddreg [dreg:$0x0];
	s2 =	stileid.u32  }
0x4b: {  	s1 =	rddreg [dreg:$0x1];
	p0 =	sne.s32 s2, $0x0  }
0x4c: {  	s3 =	rddreg [dreg:$0x2];
	[bflag:$0x3] =	sbarrier.arrive $0xFFFF;
	s2 =	simm.s32 @!p0 $0x1C03  }
0x4d: {  	[timem:s3], [sflag:s2] =	dma.local @!p0 [hbm:s0], s1  }
0x4e: {  	s0 =	simm.s32 @!p0 $0x3  }
0x4f: {  	_ =	swait.ge @!p0 [sflag:s0], s1  }
0x50: {  	s1 =	ssub.s32 @!p0 $0x0, s1;
	[sflag:s0] =	ssyncset.done @!p0 $0x0  }
0x51: {  	[sflag:s0] =	ssyncadd.s32 @!p0 s1  }
0x52: {  	[bflag:$0x3] =	sbarrier.arrive $0xFFFF  }
0x53: {  	_ =	shalt  }

</sc_bundles>
